<compile_context>
chip_gen: v7x
topology: tpu7x:2x2x1
jax: 0.10.2.dev20260603
libtpu: 0.0.44.dev20260713+nightly
codegen_flags: <defaults>
</compile_context>

<pallas_src>
import functools

import jax
import jax.numpy as jnp
from jax import lax
from jax.experimental import pallas as pl
from jax.experimental.pallas import tpu as pltpu
from jax.experimental.pallas import tpu_sc as plsc

N = 10000
E = 320000
K = 20000
H = 32
B = 128
NTILES = 32
NSUB = 16
CH = 80
EPT = CH * B
EPAD = NTILES * EPT
KBUF = 8
NROWS = 10112
RPS = NROWS // NSUB


def _sc_mesh():
    return plsc.VectorSubcoreMesh(core_axis_name="c", subcore_axis_name="s")


def _deg_call(dst3, zcol, ones_col):
    @functools.partial(
        pl.kernel,
        out_type=jax.ShapeDtypeStruct((2, NROWS, 16), jnp.float32),
        mesh=_sc_mesh(),
        scratch_types=[
            pltpu.VMEM((CH, B), jnp.int32),
            pltpu.VMEM((B, 16), jnp.float32),
            pltpu.VMEM_SHARED((NROWS, 16), jnp.float32),
        ],
        compiler_params=pltpu.CompilerParams(use_tc_tiling_on_sc=False),
    )
    def k(dst_hbm, z_hbm, ones_hbm, out_hbm, dst_all, ones_v, acc_sh):
        c = lax.axis_index("c")
        s = lax.axis_index("s")
        wid = c * NSUB + s
        pltpu.sync_copy(z_hbm.at[pl.ds(s * RPS, RPS)],
                        acc_sh.at[pl.ds(s * RPS, RPS)])
        pltpu.sync_copy(ones_hbm, ones_v)
        pltpu.sync_copy(dst_hbm.at[wid], dst_all)
        plsc.subcore_barrier()

        def body(g, _):
            pltpu.sync_copy(ones_v, acc_sh.at[dst_all.at[g]], add=True)
            return ()

        lax.fori_loop(0, CH, body, ())
        plsc.subcore_barrier()
        pltpu.sync_copy(acc_sh.at[pl.ds(s * RPS, RPS)],
                        out_hbm.at[c, pl.ds(s * RPS, RPS)])

    return k(dst3, zcol, ones_col)


def _msg_call(hwp, src3, dst3, z32):
    @functools.partial(
        pl.kernel,
        out_type=jax.ShapeDtypeStruct((2, NROWS, H), jnp.float32),
        mesh=_sc_mesh(),
        scratch_types=[
            pltpu.VMEM((CH, B), jnp.int32),
            pltpu.VMEM((CH, B), jnp.int32),
            [pltpu.VMEM((B, H), jnp.float32) for _ in range(KBUF)],
            pltpu.VMEM_SHARED((NROWS, H), jnp.float32),
            pltpu.VMEM_SHARED((NROWS, H), jnp.float32),
            [pltpu.SemaphoreType.DMA for _ in range(KBUF)],
            [pltpu.SemaphoreType.DMA for _ in range(KBUF)],
        ],
        compiler_params=pltpu.CompilerParams(use_tc_tiling_on_sc=False),
    )
    def k(hwp_hbm, src_hbm, dst_hbm, z_hbm, out_hbm,
          src_all, dst_all, bufs, acc_sh, hwp_sh, gsems, ssems):
        c = lax.axis_index("c")
        s = lax.axis_index("s")
        wid = c * NSUB + s
        pltpu.sync_copy(z_hbm.at[pl.ds(s * RPS, RPS)],
                        acc_sh.at[pl.ds(s * RPS, RPS)])
        pltpu.sync_copy(hwp_hbm.at[pl.ds(s * RPS, RPS)],
                        hwp_sh.at[pl.ds(s * RPS, RPS)])
        pltpu.sync_copy(src_hbm.at[wid], src_all)
        pltpu.sync_copy(dst_hbm.at[wid], dst_all)
        plsc.subcore_barrier()

        def drain_scatter(b):
            pltpu.make_async_copy(hwp_hbm.at[pl.ds(0, B)], bufs[b],
                                  ssems[b]).wait()

        def body(j, _):
            g0 = j * KBUF
            ds = []
            for b in range(KBUF):
                @pl.when(j > 0)
                def _():
                    drain_scatter(b)
                ds.append(pltpu.async_copy(
                    hwp_sh.at[src_all.at[g0 + b]], bufs[b], gsems[b]))
            for b in range(KBUF):
                ds[b].wait()
                pltpu.async_copy(bufs[b], acc_sh.at[dst_all.at[g0 + b]],
                                 ssems[b], add=True)
            return ()

        lax.fori_loop(0, CH // KBUF, body, ())
        for b in range(KBUF):
            drain_scatter(b)
        plsc.subcore_barrier()
        pltpu.sync_copy(acc_sh.at[pl.ds(s * RPS, RPS)],
                        out_hbm.at[c, pl.ds(s * RPS, RPS)])

    return k(hwp, src3, dst3, z32)


def _embed_call(S, Rp, xp, We1p, be1p, We2p, be2p, Wg1p):
    BN = 200
    grid = (N // BN,)

    def body(s_ref, rp_ref, xp_ref, w1_ref, b1_ref, w2_ref, b2_ref,
             wg_ref, hw_ref):
        sub = jnp.dot(s_ref[...].astype(jnp.bfloat16), rp_ref[...],
                      preferred_element_type=jnp.float32)
        h = xp_ref[...] + sub
        t = jnp.tanh(jnp.dot(h, w1_ref[...],
                             preferred_element_type=jnp.float32) + b1_ref[...])
        h2 = jnp.tanh(jnp.dot(t, w2_ref[...],
                              preferred_element_type=jnp.float32) + b2_ref[...])
        hw1 = jnp.dot(h2, wg_ref[...], preferred_element_type=jnp.float32)
        hw_ref[...] = hw1[:, :H]

    return pl.pallas_call(
        body,
        grid=grid,
        in_specs=[
            pl.BlockSpec((BN, K), lambda i: (i, 0)),
            pl.BlockSpec((K, 128), lambda i: (0, 0)),
            pl.BlockSpec((BN, 128), lambda i: (i, 0)),
            pl.BlockSpec((128, 128), lambda i: (0, 0)),
            pl.BlockSpec((1, 128), lambda i: (0, 0)),
            pl.BlockSpec((128, 128), lambda i: (0, 0)),
            pl.BlockSpec((1, 128), lambda i: (0, 0)),
            pl.BlockSpec((128, 128), lambda i: (0, 0)),
        ],
        out_specs=pl.BlockSpec((BN, H), lambda i: (i, 0)),
        out_shape=jax.ShapeDtypeStruct((N, H), jnp.float32),
    )(S, Rp, xp, We1p, be1p, We2p, be2p, Wg1p)


def _scale_call(hw1, degp):
    BN = 2000
    grid = (N // BN,)

    def body(hw_ref, dg_ref, hwp_ref, dinv_ref):
        deg = dg_ref[0] + dg_ref[1] + 1.0
        dinv = lax.rsqrt(deg)
        hwp_ref[...] = hw_ref[...] * dinv
        dinv_ref[...] = dinv

    return pl.pallas_call(
        body,
        grid=grid,
        in_specs=[
            pl.BlockSpec((BN, H), lambda i: (i, 0)),
            pl.BlockSpec((2, BN, 1), lambda i: (0, i, 0)),
        ],
        out_specs=[
            pl.BlockSpec((BN, H), lambda i: (i, 0)),
            pl.BlockSpec((BN, 1), lambda i: (i, 0)),
        ],
        out_shape=[
            jax.ShapeDtypeStruct((N, H), jnp.float32),
            jax.ShapeDtypeStruct((N, 1), jnp.float32),
        ],
    )(hw1, degp)


def _layer_call(accp, hwp, dinv, bg, Wnextp):
    BN = 2000
    grid = (N // BN,)

    def body(a_ref, hw_ref, dv_ref, bg_ref, wn_ref, out_ref):
        acc = a_ref[0] + a_ref[1] + hw_ref[...]
        g = jnp.maximum(acc * dv_ref[...] + bg_ref[...], 0.0)
        gp = jnp.concatenate(
            [g, jnp.zeros((BN, 128 - H), jnp.float32)], axis=1)
        hw2 = jnp.dot(gp, wn_ref[...], preferred_element_type=jnp.float32)
        out_ref[...] = (hw2 * dv_ref[...])[:, :H]

    return pl.pallas_call(
        body,
        grid=grid,
        in_specs=[
            pl.BlockSpec((2, BN, H), lambda i: (0, i, 0)),
            pl.BlockSpec((BN, H), lambda i: (i, 0)),
            pl.BlockSpec((BN, 1), lambda i: (i, 0)),
            pl.BlockSpec((1, H), lambda i: (0, 0)),
            pl.BlockSpec((128, 128), lambda i: (0, 0)),
        ],
        out_specs=pl.BlockSpec((BN, H), lambda i: (i, 0)),
        out_shape=jax.ShapeDtypeStruct((N, H), jnp.float32),
    )(accp, hwp, dinv, bg, Wnextp)


def _pred_call(accp, hwp, dinv, bg, Wp1p, bp1p, Wp2p, bp2p):
    BN = 2000
    grid = (N // BN,)

    def body(a_ref, hw_ref, dv_ref, bg_ref, w1_ref, b1_ref, w2_ref, b2_ref,
             out_ref):
        acc = a_ref[0] + a_ref[1] + hw_ref[...]
        g = jnp.maximum(acc * dv_ref[...] + bg_ref[...], 0.0)
        gp = jnp.concatenate(
            [g, jnp.zeros((BN, 128 - H), jnp.float32)], axis=1)
        t = jnp.tanh(jnp.dot(gp, w1_ref[...],
                             preferred_element_type=jnp.float32) + b1_ref[...])
        o = jnp.tanh(jnp.dot(t, w2_ref[...],
                             preferred_element_type=jnp.float32) + b2_ref[...])
        out_ref[...] = o[:, :1]

    return pl.pallas_call(
        body,
        grid=grid,
        in_specs=[
            pl.BlockSpec((2, BN, H), lambda i: (0, i, 0)),
            pl.BlockSpec((BN, H), lambda i: (i, 0)),
            pl.BlockSpec((BN, 1), lambda i: (i, 0)),
            pl.BlockSpec((1, H), lambda i: (0, 0)),
            pl.BlockSpec((128, 128), lambda i: (0, 0)),
            pl.BlockSpec((1, 128), lambda i: (0, 0)),
            pl.BlockSpec((128, 128), lambda i: (0, 0)),
            pl.BlockSpec((1, 128), lambda i: (0, 0)),
        ],
        out_specs=pl.BlockSpec((BN, 1), lambda i: (i, 0)),
        out_shape=jax.ShapeDtypeStruct((N, 1), jnp.float32),
    )(accp, hwp, dinv, bg, Wp1p, bp1p, Wp2p, bp2p)


def _pad2(w, shape):
    out = jnp.zeros(shape, jnp.float32)
    return out.at[: w.shape[0], : w.shape[1]].set(w)


def kernel(x, edge_index, S, R, We1, be1, We2, be2, Wg1, bg1, Wg2, bg2,
           Wp1, bp1, Wp2, bp2):
    npad = EPAD - E
    src3 = jnp.concatenate(
        [edge_index[0], jnp.zeros((npad,), jnp.int32)]).reshape(NTILES, CH, B)
    dst3 = jnp.concatenate(
        [edge_index[1], jnp.full((npad,), N, jnp.int32)]).reshape(NTILES, CH, B)

    zcol = jnp.zeros((NROWS, 16), jnp.float32)
    z32 = jnp.zeros((NROWS, H), jnp.float32)
    ones_col = jnp.ones((B, 16), jnp.float32)

    Rp = jnp.zeros((K, 128), jnp.float32).at[:, 6:9].set(R).astype(jnp.bfloat16)
    xp = jnp.zeros((N, 128), jnp.float32).at[:, :6].set(x)
    We1p = _pad2(We1, (128, 128))
    be1p = jnp.zeros((1, 128), jnp.float32).at[0, :64].set(be1)
    We2p = _pad2(We2, (128, 128))
    be2p = jnp.zeros((1, 128), jnp.float32).at[0, :H].set(be2)
    Wg1p = _pad2(Wg1, (128, 128))
    Wg2p = _pad2(Wg2, (128, 128))
    Wp1p = _pad2(Wp1, (128, 128))
    bp1p = jnp.zeros((1, 128), jnp.float32).at[0, :H].set(bp1)
    Wp2p = _pad2(Wp2, (128, 128))
    bp2p = jnp.zeros((1, 128), jnp.float32).at[0, :1].set(bp2)
    bg1r = bg1.reshape(1, H)
    bg2r = bg2.reshape(1, H)

    degp = _deg_call(dst3, zcol, ones_col)[:, :N, :1]

    hw1 = _embed_call(S, Rp, xp, We1p, be1p, We2p, be2p, Wg1p)

    hwp1, dinv = _scale_call(hw1, degp)

    hwp1pad = jnp.zeros((NROWS, H), jnp.float32).at[:N].set(hwp1)
    acc1 = _msg_call(hwp1pad, src3, dst3, z32)[:, :N]

    hwp2 = _layer_call(acc1, hwp1, dinv, bg1r, Wg2p)

    hwp2pad = jnp.zeros((NROWS, H), jnp.float32).at[:N].set(hwp2)
    acc2 = _msg_call(hwp2pad, src3, dst3, z32)[:, :N]

    return _pred_call(acc2, hwp2, dinv, bg2r, Wp1p, bp1p, Wp2p, bp2p)

# --- scband reference (transcript-rebuilt; emitter-appended) ---
"""Pipeline reference for scband-reddit-skip-1769526526257 (READ-ONLY COPY).

The authoritative reference and input builder live on the scoring server;
editing this copy changes nothing except your own understanding.
"""

import jax, jax.numpy as jnp
import numpy as np

N = 10000
E = 320000
NUM_SUBREDDITS = 20000
SUB_REP_DIM = 3
NODE_FEATURES = 6


def _lin(k, din, dout):
    k1, k2 = jax.random.split(k)
    bound = 1.0 / float(np.sqrt(din))
    W = jax.random.uniform(k1, (din, dout), dtype=jnp.float32, minval=-bound, maxval=bound)
    b = jax.random.uniform(k2, (dout,), dtype=jnp.float32, minval=-bound, maxval=bound)
    return W, b


def setup_inputs(seed: int = 0):
    key = jax.random.key(seed)
    ks = jax.random.split(key, 12)
    inp = {}
    inp['x'] = jax.random.normal(ks[0], (N, NODE_FEATURES), dtype=jnp.float32)
    inp['edge_index'] = jax.random.randint(ks[1], (2, E), 0, N, dtype=jnp.int32)
    inp['S'] = jax.random.uniform(ks[2], (N, NUM_SUBREDDITS), dtype=jnp.float32)
    inp['R'] = jax.random.uniform(ks[3], (NUM_SUBREDDITS, SUB_REP_DIM), dtype=jnp.float32)
    inp['We1'], inp['be1'] = _lin(ks[4], NODE_FEATURES + SUB_REP_DIM, 64)
    inp['We2'], inp['be2'] = _lin(ks[5], 64, 32)
    inp['Wg1'], inp['bg1'] = _lin(ks[6], 32, 32)
    inp['Wg2'], inp['bg2'] = _lin(ks[7], 32, 32)
    inp['Wp1'], inp['bp1'] = _lin(ks[8], 32, 32)
    inp['Wp2'], inp['bp2'] = _lin(ks[9], 32, 1)
    return inp


def gcn_conv(h, edge_index, W, b, n):
    # PyG GCNConv: add self-loops, symmetric normalization, scatter-add aggregate
    hw = h @ W
    loops = jnp.arange(n, dtype=edge_index.dtype)
    src = jnp.concatenate([edge_index[0], loops])
    dst = jnp.concatenate([edge_index[1], loops])
    deg = jnp.zeros((n,), dtype=h.dtype).at[dst].add(1.0)
    dinv = jax.lax.rsqrt(deg)  # deg >= 1 thanks to self loops
    norm = dinv[src] * dinv[dst]
    msg = hw[src] * norm[:, None]
    out = jnp.zeros((n, hw.shape[1]), dtype=h.dtype).at[dst].add(msg)
    return out + b


def mlp(x, W1, b1, W2, b2):
    return jnp.tanh(jnp.tanh(x @ W1 + b1) @ W2 + b2)


def reference(x, edge_index, S, R, We1, be1, We2, be2, Wg1, bg1, Wg2, bg2, Wp1, bp1, Wp2, bp2):
    n = x.shape[0]
    # AggregateSubreddits
    sub_agg = S @ R
    h = jnp.concatenate([x, sub_agg], axis=1)
    # MLP_embed
    h = mlp(h, We1, be1, We2, be2)
    # GCN1 -> relu (dropout is identity in eval mode)
    h = jax.nn.relu(gcn_conv(h, edge_index, Wg1, bg1, n))
    # GCN2 -> relu
    h = jax.nn.relu(gcn_conv(h, edge_index, Wg2, bg2, n))
    # MLP_pred
    return mlp(h, Wp1, bp1, Wp2, bp2)

if __name__ == "__main__":
    import jax
    _d = setup_inputs()
    print(jax.jit(kernel)(*tuple(_d.values())))

</pallas_src>

<mosaic_0001>
#map = affine_map<(d0, d1) -> (0, 0, 0)>
#map1 = affine_map<(d0, d1) -> (0, 0)>
module attributes {stable_mosaic.version = 14 : i64} {
  func.func @k(%arg0: i32, %arg1: i32, %arg2: memref<32x80x128xi32, #tpu.memory_space<hbm>>, %arg3: memref<10112x16xf32, #tpu.memory_space<hbm>>, %arg4: memref<128x16xf32, #tpu.memory_space<hbm>>, %arg5: memref<2x10112x16xf32, #tpu.memory_space<hbm>>, %arg6: memref<80x128xi32, #tpu.memory_space<vmem>>, %arg7: memref<128x16xf32, #tpu.memory_space<vmem>>, %arg8: memref<10112x16xf32, #tpu.memory_space<vmem_shared>>) attributes {dimension_semantics = [#tpu.dimension_semantics<core_parallel>, #tpu.dimension_semantics<subcore_parallel>], iteration_bounds = array<i64: 2, 16>, scalar_prefetch = 0 : i64, scratch_operands = 3 : i64, tpu.core_type = #tpu.core_type<sc_vector_subcore>, window_params = [{transform_indices = #map}, {transform_indices = #map1}, {transform_indices = #map1}, {transform_indices = #map}]} {
    %mul3A = arith.constant 16 : i32
    %mul3A_0 = arith.muli %arg0, %mul3A : i32
    %add3A = arith.addi %mul3A_0, %arg1 : i32
    %mul3A_1 = arith.constant 632 : i32
    %mul3A_2 = arith.muli %arg1, %mul3A_1 : i32
    %mul3A_3 = arith.constant 632 : i32
    %mul3A_4 = arith.muli %arg1, %mul3A_3 : i32
    "tpu.region"() ({
      %run_scoped3A = tpu.sem_alloc : memref<!tpu.dma_semaphore, #tpu.memory_space<semaphore_mem>>
      %dma_start3A = arith.constant 0 : i32
      %dma_start3A_14 = tpu.memref_slice %arg8[%mul3A_4, %dma_start3A] : memref<10112x16xf32, #tpu.memory_space<vmem_shared>> -> memref<632x16xf32, #tpu.memory_space<vmem_shared>>
      %dma_start3A_15 = arith.constant 0 : i32
      %dma_start3A_16 = tpu.memref_slice %arg3[%mul3A_2, %dma_start3A_15] : memref<10112x16xf32, #tpu.memory_space<hbm>> -> memref<632x16xf32, #tpu.memory_space<hbm>>
      tpu.enqueue_dma source(%dma_start3A_16 : memref<632x16xf32, #tpu.memory_space<hbm>>) target(%dma_start3A_14 : memref<632x16xf32, #tpu.memory_space<vmem_shared>>) target_semaphore(%run_scoped3A : memref<!tpu.dma_semaphore, #tpu.memory_space<semaphore_mem>>)
      %dma_wait3A = arith.constant 0 : i32
      %dma_wait3A_17 = tpu.memref_slice %arg8[%mul3A_4, %dma_wait3A] : memref<10112x16xf32, #tpu.memory_space<vmem_shared>> -> memref<632x16xf32, #tpu.memory_space<vmem_shared>>
      %dma_wait3A_18 = arith.constant 0 : i32
      %dma_wait3A_19 = tpu.memref_slice %arg3[%mul3A_2, %dma_wait3A_18] : memref<10112x16xf32, #tpu.memory_space<hbm>> -> memref<632x16xf32, #tpu.memory_space<hbm>>
      tpu.wait_dma2 semaphore(%run_scoped3A : memref<!tpu.dma_semaphore, #tpu.memory_space<semaphore_mem>>) src(%dma_wait3A_19 : memref<632x16xf32, #tpu.memory_space<hbm>>) dst(%dma_wait3A_17 : memref<632x16xf32, #tpu.memory_space<vmem_shared>>)
      tpu.yield
    }) : () -> ()
    "tpu.region"() ({
      %run_scoped3A = tpu.sem_alloc : memref<!tpu.dma_semaphore, #tpu.memory_space<semaphore_mem>>
      tpu.enqueue_dma source(%arg4 : memref<128x16xf32, #tpu.memory_space<hbm>>) target(%arg7 : memref<128x16xf32, #tpu.memory_space<vmem>>) target_semaphore(%run_scoped3A : memref<!tpu.dma_semaphore, #tpu.memory_space<semaphore_mem>>)
      tpu.wait_dma2 semaphore(%run_scoped3A : memref<!tpu.dma_semaphore, #tpu.memory_space<semaphore_mem>>) src(%arg4 : memref<128x16xf32, #tpu.memory_space<hbm>>) dst(%arg7 : memref<128x16xf32, #tpu.memory_space<vmem>>)
      tpu.yield
    }) : () -> ()
    "tpu.region"() ({
      %run_scoped3A = tpu.sem_alloc : memref<!tpu.dma_semaphore, #tpu.memory_space<semaphore_mem>>
      %dma_start3A = arith.constant 0 : i32
      %dma_start3A_14 = arith.constant 0 : i32
      %dma_start3A_15 = tpu.memref_slice %arg2[%add3A, %dma_start3A, %dma_start3A_14] : memref<32x80x128xi32, #tpu.memory_space<hbm>> -> memref<1x80x128xi32, #tpu.memory_space<hbm>>
      %dma_start3A_16 = tpu.memref_squeeze %dma_start3A_15 : memref<1x80x128xi32, #tpu.memory_space<hbm>> -> memref<80x128xi32, #tpu.memory_space<hbm>>
      %dma_start3A_17 = arith.constant 0 : i32
      %dma_start3A_18 = arith.constant 0 : i32
      %dma_start3A_19 = tpu.memref_slice %arg2[%add3A, %dma_start3A_17, %dma_start3A_18] : memref<32x80x128xi32, #tpu.memory_space<hbm>> -> memref<1x80x128xi32, #tpu.memory_space<hbm>>
      %dma_start3A_20 = tpu.memref_squeeze %dma_start3A_19 : memref<1x80x128xi32, #tpu.memory_space<hbm>> -> memref<80x128xi32, #tpu.memory_space<hbm>>
      tpu.enqueue_dma source(%dma_start3A_20 : memref<80x128xi32, #tpu.memory_space<hbm>>) target(%arg6 : memref<80x128xi32, #tpu.memory_space<vmem>>) target_semaphore(%run_scoped3A : memref<!tpu.dma_semaphore, #tpu.memory_space<semaphore_mem>>)
      %dma_wait3A = arith.constant 0 : i32
      %dma_wait3A_21 = arith.constant 0 : i32
      %dma_wait3A_22 = tpu.memref_slice %arg2[%add3A, %dma_wait3A, %dma_wait3A_21] : memref<32x80x128xi32, #tpu.memory_space<hbm>> -> memref<1x80x128xi32, #tpu.memory_space<hbm>>
      %dma_wait3A_23 = tpu.memref_squeeze %dma_wait3A_22 : memref<1x80x128xi32, #tpu.memory_space<hbm>> -> memref<80x128xi32, #tpu.memory_space<hbm>>
      %dma_wait3A_24 = arith.constant 0 : i32
      %dma_wait3A_25 = arith.constant 0 : i32
      %dma_wait3A_26 = tpu.memref_slice %arg2[%add3A, %dma_wait3A_24, %dma_wait3A_25] : memref<32x80x128xi32, #tpu.memory_space<hbm>> -> memref<1x80x128xi32, #tpu.memory_space<hbm>>
      %dma_wait3A_27 = tpu.memref_squeeze %dma_wait3A_26 : memref<1x80x128xi32, #tpu.memory_space<hbm>> -> memref<80x128xi32, #tpu.memory_space<hbm>>
      tpu.wait_dma2 semaphore(%run_scoped3A : memref<!tpu.dma_semaphore, #tpu.memory_space<semaphore_mem>>) src(%dma_wait3A_27 : memref<80x128xi32, #tpu.memory_space<hbm>>) dst(%arg6 : memref<80x128xi32, #tpu.memory_space<vmem>>)
      tpu.yield
    }) : () -> ()
    %barrier3A = arith.constant 0 : index
    tpu.barrier barrier_id(%barrier3A)
    %scan3A = arith.constant 0 : i32
    %scan3A_5 = arith.constant 80 : i32
    %scan3A_6 = arith.addi %scan3A, %scan3A_5 : i32
    %scan3A_7 = arith.constant 1 : i32
    scf.for %scan3A_14 = %scan3A to %scan3A_6 step %scan3A_7  : i32 {
      "tpu.region"() ({
        %run_scoped3A = tpu.sem_alloc : memref<!tpu.dma_semaphore, #tpu.memory_space<semaphore_mem>>
        %dma_start3A = arith.constant 0 : i32
        %dma_start3A_15 = tpu.memref_slice %arg6[%scan3A_14, %dma_start3A] : memref<80x128xi32, #tpu.memory_space<vmem>> -> memref<1x128xi32, #tpu.memory_space<vmem>>
        %dma_start3A_16 = tpu.memref_squeeze %dma_start3A_15 : memref<1x128xi32, #tpu.memory_space<vmem>> -> memref<128xi32, #tpu.memory_space<vmem>>
        %dma_start3A_17 = arith.constant 0 : i32
        %dma_start3A_18 = arith.constant 0 : i32
        %dma_start3A_19 = tpu.memref_slice %arg8[%dma_start3A_17, %dma_start3A_18] : memref<10112x16xf32, #tpu.memory_space<vmem_shared>> -> memref<10112x16xf32, #tpu.memory_space<vmem_shared>>
        tpu.enqueue_indirect_dma source(%arg7 : memref<128x16xf32, #tpu.memory_space<vmem>>) target(%dma_start3A_19 : memref<10112x16xf32, #tpu.memory_space<vmem_shared>>) offsets(%dma_start3A_16 : memref<128xi32, #tpu.memory_space<vmem>>) semaphore(%run_scoped3A : memref<!tpu.dma_semaphore, #tpu.memory_space<semaphore_mem>>) {add = true}
        %dma_wait3A = arith.constant 0 : i32
        %dma_wait3A_20 = tpu.memref_slice %arg6[%scan3A_14, %dma_wait3A] : memref<80x128xi32, #tpu.memory_space<vmem>> -> memref<1x128xi32, #tpu.memory_space<vmem>>
        %dma_wait3A_21 = tpu.memref_squeeze %dma_wait3A_20 : memref<1x128xi32, #tpu.memory_space<vmem>> -> memref<128xi32, #tpu.memory_space<vmem>>
        %dma_wait3A_22 = arith.constant 0 : i32
        %dma_wait3A_23 = arith.constant 0 : i32
        %dma_wait3A_24 = tpu.memref_slice %arg8[%dma_wait3A_22, %dma_wait3A_23] : memref<10112x16xf32, #tpu.memory_space<vmem_shared>> -> memref<10112x16xf32, #tpu.memory_space<vmem_shared>>
        tpu.wait_indirect_dma semaphore(%run_scoped3A : memref<!tpu.dma_semaphore, #tpu.memory_space<semaphore_mem>>) src(%arg7 : memref<128x16xf32, #tpu.memory_space<vmem>>) dst(%dma_wait3A_24 : memref<10112x16xf32, #tpu.memory_space<vmem_shared>>)
        tpu.yield
      }) : () -> ()
    }
    %scan3A_8 = arith.constant 80 : i32
    %barrier3A_9 = arith.constant 0 : index
    tpu.barrier barrier_id(%barrier3A_9)
    %mul3A_10 = arith.constant 632 : i32
    %mul3A_11 = arith.muli %arg1, %mul3A_10 : i32
    %mul3A_12 = arith.constant 632 : i32
    %mul3A_13 = arith.muli %arg1, %mul3A_12 : i32
    "tpu.region"() ({
      %run_scoped3A = tpu.sem_alloc : memref<!tpu.dma_semaphore, #tpu.memory_space<semaphore_mem>>
      %dma_start3A = arith.constant 0 : i32
      %dma_start3A_14 = tpu.memref_slice %arg5[%arg0, %mul3A_13, %dma_start3A] : memref<2x10112x16xf32, #tpu.memory_space<hbm>> -> memref<1x632x16xf32, #tpu.memory_space<hbm>>
      %dma_start3A_15 = tpu.memref_squeeze %dma_start3A_14 : memref<1x632x16xf32, #tpu.memory_space<hbm>> -> memref<632x16xf32, #tpu.memory_space<hbm>>
      %dma_start3A_16 = arith.constant 0 : i32
      %dma_start3A_17 = tpu.memref_slice %arg8[%mul3A_11, %dma_start3A_16] : memref<10112x16xf32, #tpu.memory_space<vmem_shared>> -> memref<632x16xf32, #tpu.memory_space<vmem_shared>>
      tpu.enqueue_dma source(%dma_start3A_17 : memref<632x16xf32, #tpu.memory_space<vmem_shared>>) target(%dma_start3A_15 : memref<632x16xf32, #tpu.memory_space<hbm>>) target_semaphore(%run_scoped3A : memref<!tpu.dma_semaphore, #tpu.memory_space<semaphore_mem>>)
      %dma_wait3A = arith.constant 0 : i32
      %dma_wait3A_18 = tpu.memref_slice %arg5[%arg0, %mul3A_13, %dma_wait3A] : memref<2x10112x16xf32, #tpu.memory_space<hbm>> -> memref<1x632x16xf32, #tpu.memory_space<hbm>>
      %dma_wait3A_19 = tpu.memref_squeeze %dma_wait3A_18 : memref<1x632x16xf32, #tpu.memory_space<hbm>> -> memref<632x16xf32, #tpu.memory_space<hbm>>
      %dma_wait3A_20 = arith.constant 0 : i32
      %dma_wait3A_21 = tpu.memref_slice %arg8[%mul3A_11, %dma_wait3A_20] : memref<10112x16xf32, #tpu.memory_space<vmem_shared>> -> memref<632x16xf32, #tpu.memory_space<vmem_shared>>
      tpu.wait_dma2 semaphore(%run_scoped3A : memref<!tpu.dma_semaphore, #tpu.memory_space<semaphore_mem>>) src(%dma_wait3A_21 : memref<632x16xf32, #tpu.memory_space<vmem_shared>>) dst(%dma_wait3A_19 : memref<632x16xf32, #tpu.memory_space<hbm>>)
      tpu.yield
    }) : () -> ()
    return
  }
}

#map = affine_map<(d0, d1) -> (0, 0)>
#map1 = affine_map<(d0, d1) -> (0, 0, 0)>
module attributes {stable_mosaic.version = 14 : i64} {
  func.func @k(%arg0: i32, %arg1: i32, %arg2: memref<10112x32xf32, #tpu.memory_space<hbm>>, %arg3: memref<32x80x128xi32, #tpu.memory_space<hbm>>, %arg4: memref<32x80x128xi32, #tpu.memory_space<hbm>>, %arg5: memref<10112x32xf32, #tpu.memory_space<hbm>>, %arg6: memref<2x10112x32xf32, #tpu.memory_space<hbm>>, %arg7: memref<80x128xi32, #tpu.memory_space<vmem>>, %arg8: memref<80x128xi32, #tpu.memory_space<vmem>>, %arg9: memref<128x32xf32, #tpu.memory_space<vmem>>, %arg10: memref<128x32xf32, #tpu.memory_space<vmem>>, %arg11: memref<128x32xf32, #tpu.memory_space<vmem>>, %arg12: memref<128x32xf32, #tpu.memory_space<vmem>>, %arg13: memref<128x32xf32, #tpu.memory_space<vmem>>, %arg14: memref<128x32xf32, #tpu.memory_space<vmem>>, %arg15: memref<128x32xf32, #tpu.memory_space<vmem>>, %arg16: memref<128x32xf32, #tpu.memory_space<vmem>>, %arg17: memref<10112x32xf32, #tpu.memory_space<vmem_shared>>, %arg18: memref<10112x32xf32, #tpu.memory_space<vmem_shared>>, %arg19: memref<!tpu.dma_semaphore, #tpu.memory_space<semaphore_mem>>, %arg20: memref<!tpu.dma_semaphore, #tpu.memory_space<semaphore_mem>>, %arg21: memref<!tpu.dma_semaphore, #tpu.memory_space<semaphore_mem>>, %arg22: memref<!tpu.dma_semaphore, #tpu.memory_space<semaphore_mem>>, %arg23: memref<!tpu.dma_semaphore, #tpu.memory_space<semaphore_mem>>, %arg24: memref<!tpu.dma_semaphore, #tpu.memory_space<semaphore_mem>>, %arg25: memref<!tpu.dma_semaphore, #tpu.memory_space<semaphore_mem>>, %arg26: memref<!tpu.dma_semaphore, #tpu.memory_space<semaphore_mem>>, %arg27: memref<!tpu.dma_semaphore, #tpu.memory_space<semaphore_mem>>, %arg28: memref<!tpu.dma_semaphore, #tpu.memory_space<semaphore_mem>>, %arg29: memref<!tpu.dma_semaphore, #tpu.memory_space<semaphore_mem>>, %arg30: memref<!tpu.dma_semaphore, #tpu.memory_space<semaphore_mem>>, %arg31: memref<!tpu.dma_semaphore, #tpu.memory_space<semaphore_mem>>, %arg32: memref<!tpu.dma_semaphore, #tpu.memory_space<semaphore_mem>>, %arg33: memref<!tpu.dma_semaphore, #tpu.memory_space<semaphore_mem>>, %arg34: memref<!tpu.dma_semaphore, #tpu.memory_space<semaphore_mem>>) attributes {dimension_semantics = [#tpu.dimension_semantics<core_parallel>, #tpu.dimension_semantics<subcore_parallel>], iteration_bounds = array<i64: 2, 16>, scalar_prefetch = 0 : i64, scratch_operands = 28 : i64, tpu.core_type = #tpu.core_type<sc_vector_subcore>, window_params = [{transform_indices = #map}, {transform_indices = #map1}, {transform_indices = #map1}, {transform_indices = #map}, {transform_indices = #map1}]} {
    %mul3A = arith.constant 16 : i32
    %mul3A_0 = arith.muli %arg0, %mul3A : i32
    %add3A = arith.addi %mul3A_0, %arg1 : i32
    %mul3A_1 = arith.constant 632 : i32
    %mul3A_2 = arith.muli %arg1, %mul3A_1 : i32
    %mul3A_3 = arith.constant 632 : i32
    %mul3A_4 = arith.muli %arg1, %mul3A_3 : i32
    "tpu.region"() ({
      %run_scoped3A = tpu.sem_alloc : memref<!tpu.dma_semaphore, #tpu.memory_space<semaphore_mem>>
      %dma_start3A = arith.constant 0 : i32
      %dma_start3A_65 = tpu.memref_slice %arg17[%mul3A_4, %dma_start3A] : memref<10112x32xf32, #tpu.memory_space<vmem_shared>> -> memref<632x32xf32, #tpu.memory_space<vmem_shared>>
      %dma_start3A_66 = arith.constant 0 : i32
      %dma_start3A_67 = tpu.memref_slice %arg5[%mul3A_2, %dma_start3A_66] : memref<10112x32xf32, #tpu.memory_space<hbm>> -> memref<632x32xf32, #tpu.memory_space<hbm>>
      tpu.enqueue_dma source(%dma_start3A_67 : memref<632x32xf32, #tpu.memory_space<hbm>>) target(%dma_start3A_65 : memref<632x32xf32, #tpu.memory_space<vmem_shared>>) target_semaphore(%run_scoped3A : memref<!tpu.dma_semaphore, #tpu.memory_space<semaphore_mem>>)
      %dma_wait3A_68 = arith.constant 0 : i32
      %dma_wait3A_69 = tpu.memref_slice %arg17[%mul3A_4, %dma_wait3A_68] : memref<10112x32xf32, #tpu.memory_space<vmem_shared>> -> memref<632x32xf32, #tpu.memory_space<vmem_shared>>
      %dma_wait3A_70 = arith.constant 0 : i32
      %dma_wait3A_71 = tpu.memref_slice %arg5[%mul3A_2, %dma_wait3A_70] : memref<10112x32xf32, #tpu.memory_space<hbm>> -> memref<632x32xf32, #tpu.memory_space<hbm>>
      tpu.wait_dma2 semaphore(%run_scoped3A : memref<!tpu.dma_semaphore, #tpu.memory_space<semaphore_mem>>) src(%dma_wait3A_71 : memref<632x32xf32, #tpu.memory_space<hbm>>) dst(%dma_wait3A_69 : memref<632x32xf32, #tpu.memory_space<vmem_shared>>)
      tpu.yield
    }) : () -> ()
    %mul3A_5 = arith.constant 632 : i32
    %mul3A_6 = arith.muli %arg1, %mul3A_5 : i32
    %mul3A_7 = arith.constant 632 : i32
    %mul3A_8 = arith.muli %arg1, %mul3A_7 : i32
    "tpu.region"() ({
      %run_scoped3A = tpu.sem_alloc : memref<!tpu.dma_semaphore, #tpu.memory_space<semaphore_mem>>
      %dma_start3A = arith.constant 0 : i32
      %dma_start3A_65 = tpu.memref_slice %arg18[%mul3A_8, %dma_start3A] : memref<10112x32xf32, #tpu.memory_space<vmem_shared>> -> memref<632x32xf32, #tpu.memory_space<vmem_shared>>
      %dma_start3A_66 = arith.constant 0 : i32
      %dma_start3A_67 = tpu.memref_slice %arg2[%mul3A_6, %dma_start3A_66] : memref<10112x32xf32, #tpu.memory_space<hbm>> -> memref<632x32xf32, #tpu.memory_space<hbm>>
      tpu.enqueue_dma source(%dma_start3A_67 : memref<632x32xf32, #tpu.memory_space<hbm>>) target(%dma_start3A_65 : memref<632x32xf32, #tpu.memory_space<vmem_shared>>) target_semaphore(%run_scoped3A : memref<!tpu.dma_semaphore, #tpu.memory_space<semaphore_mem>>)
      %dma_wait3A_68 = arith.constant 0 : i32
      %dma_wait3A_69 = tpu.memref_slice %arg18[%mul3A_8, %dma_wait3A_68] : memref<10112x32xf32, #tpu.memory_space<vmem_shared>> -> memref<632x32xf32, #tpu.memory_space<vmem_shared>>
      %dma_wait3A_70 = arith.constant 0 : i32
      %dma_wait3A_71 = tpu.memref_slice %arg2[%mul3A_6, %dma_wait3A_70] : memref<10112x32xf32, #tpu.memory_space<hbm>> -> memref<632x32xf32, #tpu.memory_space<hbm>>
      tpu.wait_dma2 semaphore(%run_scoped3A : memref<!tpu.dma_semaphore, #tpu.memory_space<semaphore_mem>>) src(%dma_wait3A_71 : memref<632x32xf32, #tpu.memory_space<hbm>>) dst(%dma_wait3A_69 : memref<632x32xf32, #tpu.memory_space<vmem_shared>>)
      tpu.yield
    }) : () -> ()
    "tpu.region"() ({
      %run_scoped3A = tpu.sem_alloc : memref<!tpu.dma_semaphore, #tpu.memory_space<semaphore_mem>>
      %dma_start3A = arith.constant 0 : i32
      %dma_start3A_65 = arith.constant 0 : i32
      %dma_start3A_66 = tpu.memref_slice %arg3[%add3A, %dma_start3A, %dma_start3A_65] : memref<32x80x128xi32, #tpu.memory_space<hbm>> -> memref<1x80x128xi32, #tpu.memory_space<hbm>>
      %dma_start3A_67 = tpu.memref_squeeze %dma_start3A_66 : memref<1x80x128xi32, #tpu.memory_space<hbm>> -> memref<80x128xi32, #tpu.memory_space<hbm>>
      %dma_start3A_68 = arith.constant 0 : i32
      %dma_start3A_69 = arith.constant 0 : i32
      %dma_start3A_70 = tpu.memref_slice %arg3[%add3A, %dma_start3A_68, %dma_start3A_69] : memref<32x80x128xi32, #tpu.memory_space<hbm>> -> memref<1x80x128xi32, #tpu.memory_space<hbm>>
      %dma_start3A_71 = tpu.memref_squeeze %dma_start3A_70 : memref<1x80x128xi32, #tpu.memory_space<hbm>> -> memref<80x128xi32, #tpu.memory_space<hbm>>
      tpu.enqueue_dma source(%dma_start3A_71 : memref<80x128xi32, #tpu.memory_space<hbm>>) target(%arg7 : memref<80x128xi32, #tpu.memory_space<vmem>>) target_semaphore(%run_scoped3A : memref<!tpu.dma_semaphore, #tpu.memory_space<semaphore_mem>>)
      %dma_wait3A_72 = arith.constant 0 : i32
      %dma_wait3A_73 = arith.constant 0 : i32
      %dma_wait3A_74 = tpu.memref_slice %arg3[%add3A, %dma_wait3A_72, %dma_wait3A_73] : memref<32x80x128xi32, #tpu.memory_space<hbm>> -> memref<1x80x128xi32, #tpu.memory_space<hbm>>
      %dma_wait3A_75 = tpu.memref_squeeze %dma_wait3A_74 : memref<1x80x128xi32, #tpu.memory_space<hbm>> -> memref<80x128xi32, #tpu.memory_space<hbm>>
      %dma_wait3A_76 = arith.constant 0 : i32
      %dma_wait3A_77 = arith.constant 0 : i32
      %dma_wait3A_78 = tpu.memref_slice %arg3[%add3A, %dma_wait3A_76, %dma_wait3A_77] : memref<32x80x128xi32, #tpu.memory_space<hbm>> -> memref<1x80x128xi32, #tpu.memory_space<hbm>>
      %dma_wait3A_79 = tpu.memref_squeeze %dma_wait3A_78 : memref<1x80x128xi32, #tpu.memory_space<hbm>> -> memref<80x128xi32, #tpu.memory_space<hbm>>
      tpu.wait_dma2 semaphore(%run_scoped3A : memref<!tpu.dma_semaphore, #tpu.memory_space<semaphore_mem>>) src(%dma_wait3A_79 : memref<80x128xi32, #tpu.memory_space<hbm>>) dst(%arg7 : memref<80x128xi32, #tpu.memory_space<vmem>>)
      tpu.yield
    }) : () -> ()
    "tpu.region"() ({
      %run_scoped3A = tpu.sem_alloc : memref<!tpu.dma_semaphore, #tpu.memory_space<semaphore_mem>>
      %dma_start3A = arith.constant 0 : i32
      %dma_start3A_65 = arith.constant 0 : i32
      %dma_start3A_66 = tpu.memref_slice %arg4[%add3A, %dma_start3A, %dma_start3A_65] : memref<32x80x128xi32, #tpu.memory_space<hbm>> -> memref<1x80x128xi32, #tpu.memory_space<hbm>>
      %dma_start3A_67 = tpu.memref_squeeze %dma_start3A_66 : memref<1x80x128xi32, #tpu.memory_space<hbm>> -> memref<80x128xi32, #tpu.memory_space<hbm>>
      %dma_start3A_68 = arith.constant 0 : i32
      %dma_start3A_69 = arith.constant 0 : i32
      %dma_start3A_70 = tpu.memref_slice %arg4[%add3A, %dma_start3A_68, %dma_start3A_69] : memref<32x80x128xi32, #tpu.memory_space<hbm>> -> memref<1x80x128xi32, #tpu.memory_space<hbm>>
      %dma_start3A_71 = tpu.memref_squeeze %dma_start3A_70 : memref<1x80x128xi32, #tpu.memory_space<hbm>> -> memref<80x128xi32, #tpu.memory_space<hbm>>
      tpu.enqueue_dma source(%dma_start3A_71 : memref<80x128xi32, #tpu.memory_space<hbm>>) target(%arg8 : memref<80x128xi32, #tpu.memory_space<vmem>>) target_semaphore(%run_scoped3A : memref<!tpu.dma_semaphore, #tpu.memory_space<semaphore_mem>>)
      %dma_wait3A_72 = arith.constant 0 : i32
      %dma_wait3A_73 = arith.constant 0 : i32
      %dma_wait3A_74 = tpu.memref_slice %arg4[%add3A, %dma_wait3A_72, %dma_wait3A_73] : memref<32x80x128xi32, #tpu.memory_space<hbm>> -> memref<1x80x128xi32, #tpu.memory_space<hbm>>
      %dma_wait3A_75 = tpu.memref_squeeze %dma_wait3A_74 : memref<1x80x128xi32, #tpu.memory_space<hbm>> -> memref<80x128xi32, #tpu.memory_space<hbm>>
      %dma_wait3A_76 = arith.constant 0 : i32
      %dma_wait3A_77 = arith.constant 0 : i32
      %dma_wait3A_78 = tpu.memref_slice %arg4[%add3A, %dma_wait3A_76, %dma_wait3A_77] : memref<32x80x128xi32, #tpu.memory_space<hbm>> -> memref<1x80x128xi32, #tpu.memory_space<hbm>>
      %dma_wait3A_79 = tpu.memref_squeeze %dma_wait3A_78 : memref<1x80x128xi32, #tpu.memory_space<hbm>> -> memref<80x128xi32, #tpu.memory_space<hbm>>
      tpu.wait_dma2 semaphore(%run_scoped3A : memref<!tpu.dma_semaphore, #tpu.memory_space<semaphore_mem>>) src(%dma_wait3A_79 : memref<80x128xi32, #tpu.memory_space<hbm>>) dst(%arg8 : memref<80x128xi32, #tpu.memory_space<vmem>>)
      tpu.yield
    }) : () -> ()
    %barrier3A = arith.constant 0 : index
    tpu.barrier barrier_id(%barrier3A)
    %scan3A = arith.constant 0 : i32
    %scan3A_9 = arith.constant 10 : i32
    %scan3A_10 = arith.addi %scan3A, %scan3A_9 : i32
    %scan3A_11 = arith.constant 1 : i32
    scf.for %scan3A_65 = %scan3A to %scan3A_10 step %scan3A_11  : i32 {
      %mul3A_66 = arith.constant 8 : i32
      %mul3A_67 = arith.muli %scan3A_65, %mul3A_66 : i32
      %gt3A = arith.constant 0 : i32
      %gt3A_68 = arith.cmpi sgt, %scan3A_65, %gt3A : i32
      %convert_element_type3A = arith.extui %gt3A_68 : i1 to i32
      %cond3A = arith.constant 0 : i32
      %cond3A_69 = arith.cmpi ne, %convert_element_type3A, %cond3A : i32
      scf.if %cond3A_69 {
        %dma_wait3A_280 = arith.constant 0 : i32
        %dma_wait3A_281 = arith.constant 0 : i32
        %dma_wait3A_282 = tpu.memref_slice %arg2[%dma_wait3A_280, %dma_wait3A_281] : memref<10112x32xf32, #tpu.memory_space<hbm>> -> memref<128x32xf32, #tpu.memory_space<hbm>>
        %dma_wait3A_283 = arith.constant 0 : i32
        %dma_wait3A_284 = arith.constant 0 : i32
        %dma_wait3A_285 = tpu.memref_slice %arg2[%dma_wait3A_283, %dma_wait3A_284] : memref<10112x32xf32, #tpu.memory_space<hbm>> -> memref<128x32xf32, #tpu.memory_space<hbm>>
        tpu.wait_dma2 semaphore(%arg27 : memref<!tpu.dma_semaphore, #tpu.memory_space<semaphore_mem>>) src(%dma_wait3A_285 : memref<128x32xf32, #tpu.memory_space<hbm>>) dst(%arg9 : memref<128x32xf32, #tpu.memory_space<vmem>>)
      } else {
      }
      %add3A_70 = arith.constant 0 : i32
      %add3A_71 = arith.addi %mul3A_67, %add3A_70 : i32
      %dma_start3A = arith.constant 0 : i32
      %dma_start3A_72 = tpu.memref_slice %arg7[%add3A_71, %dma_start3A] : memref<80x128xi32, #tpu.memory_space<vmem>> -> memref<1x128xi32, #tpu.memory_space<vmem>>
      %dma_start3A_73 = tpu.memref_squeeze %dma_start3A_72 : memref<1x128xi32, #tpu.memory_space<vmem>> -> memref<128xi32, #tpu.memory_space<vmem>>
      %dma_start3A_74 = arith.constant 0 : i32
      %dma_start3A_75 = arith.constant 0 : i32
      %dma_start3A_76 = tpu.memref_slice %arg18[%dma_start3A_74, %dma_start3A_75] : memref<10112x32xf32, #tpu.memory_space<vmem_shared>> -> memref<10112x32xf32, #tpu.memory_space<vmem_shared>>
      tpu.enqueue_indirect_dma source(%dma_start3A_76 : memref<10112x32xf32, #tpu.memory_space<vmem_shared>>) target(%arg9 : memref<128x32xf32, #tpu.memory_space<vmem>>) offsets(%dma_start3A_73 : memref<128xi32, #tpu.memory_space<vmem>>) semaphore(%arg19 : memref<!tpu.dma_semaphore, #tpu.memory_space<semaphore_mem>>)
      %gt3A_77 = arith.constant 0 : i32
      %gt3A_78 = arith.cmpi sgt, %scan3A_65, %gt3A_77 : i32
      %convert_element_type3A_79 = arith.extui %gt3A_78 : i1 to i32
      %cond3A_80 = arith.constant 0 : i32
      %cond3A_81 = arith.cmpi ne, %convert_element_type3A_79, %cond3A_80 : i32
      scf.if %cond3A_81 {
        %dma_wait3A_280 = arith.constant 0 : i32
        %dma_wait3A_281 = arith.constant 0 : i32
        %dma_wait3A_282 = tpu.memref_slice %arg2[%dma_wait3A_280, %dma_wait3A_281] : memref<10112x32xf32, #tpu.memory_space<hbm>> -> memref<128x32xf32, #tpu.memory_space<hbm>>
        %dma_wait3A_283 = arith.constant 0 : i32
        %dma_wait3A_284 = arith.constant 0 : i32
        %dma_wait3A_285 = tpu.memref_slice %arg2[%dma_wait3A_283, %dma_wait3A_284] : memref<10112x32xf32, #tpu.memory_space<hbm>> -> memref<128x32xf32, #tpu.memory_space<hbm>>
        tpu.wait_dma2 semaphore(%arg28 : memref<!tpu.dma_semaphore, #tpu.memory_space<semaphore_mem>>) src(%dma_wait3A_285 : memref<128x32xf32, #tpu.memory_space<hbm>>) dst(%arg10 : memref<128x32xf32, #tpu.memory_space<vmem>>)
      } else {
      }
      %add3A_82 = arith.constant 1 : i32
      %add3A_83 = arith.addi %mul3A_67, %add3A_82 : i32
      %dma_start3A_84 = arith.constant 0 : i32
      %dma_start3A_85 = tpu.memref_slice %arg7[%add3A_83, %dma_start3A_84] : memref<80x128xi32, #tpu.memory_space<vmem>> -> memref<1x128xi32, #tpu.memory_space<vmem>>
      %dma_start3A_86 = tpu.memref_squeeze %dma_start3A_85 : memref<1x128xi32, #tpu.memory_space<vmem>> -> memref<128xi32, #tpu.memory_space<vmem>>
      %dma_start3A_87 = arith.constant 0 : i32
      %dma_start3A_88 = arith.constant 0 : i32
      %dma_start3A_89 = tpu.memref_slice %arg18[%dma_start3A_87, %dma_start3A_88] : memref<10112x32xf32, #tpu.memory_space<vmem_shared>> -> memref<10112x32xf32, #tpu.memory_space<vmem_shared>>
      tpu.enqueue_indirect_dma source(%dma_start3A_89 : memref<10112x32xf32, #tpu.memory_space<vmem_shared>>) target(%arg10 : memref<128x32xf32, #tpu.memory_space<vmem>>) offsets(%dma_start3A_86 : memref<128xi32, #tpu.memory_space<vmem>>) semaphore(%arg20 : memref<!tpu.dma_semaphore, #tpu.memory_space<semaphore_mem>>)
      %gt3A_90 = arith.constant 0 : i32
      %gt3A_91 = arith.cmpi sgt, %scan3A_65, %gt3A_90 : i32
      %convert_element_type3A_92 = arith.extui %gt3A_91 : i1 to i32
      %cond3A_93 = arith.constant 0 : i32
      %cond3A_94 = arith.cmpi ne, %convert_element_type3A_92, %cond3A_93 : i32
      scf.if %cond3A_94 {
        %dma_wait3A_280 = arith.constant 0 : i32
        %dma_wait3A_281 = arith.constant 0 : i32
        %dma_wait3A_282 = tpu.memref_slice %arg2[%dma_wait3A_280, %dma_wait3A_281] : memref<10112x32xf32, #tpu.memory_space<hbm>> -> memref<128x32xf32, #tpu.memory_space<hbm>>
        %dma_wait3A_283 = arith.constant 0 : i32
        %dma_wait3A_284 = arith.constant 0 : i32
        %dma_wait3A_285 = tpu.memref_slice %arg2[%dma_wait3A_283, %dma_wait3A_284] : memref<10112x32xf32, #tpu.memory_space<hbm>> -> memref<128x32xf32, #tpu.memory_space<hbm>>
        tpu.wait_dma2 semaphore(%arg29 : memref<!tpu.dma_semaphore, #tpu.memory_space<semaphore_mem>>) src(%dma_wait3A_285 : memref<128x32xf32, #tpu.memory_space<hbm>>) dst(%arg11 : memref<128x32xf32, #tpu.memory_space<vmem>>)
      } else {
      }
      %add3A_95 = arith.constant 2 : i32
      %add3A_96 = arith.addi %mul3A_67, %add3A_95 : i32
      %dma_start3A_97 = arith.constant 0 : i32
      %dma_start3A_98 = tpu.memref_slice %arg7[%add3A_96, %dma_start3A_97] : memref<80x128xi32, #tpu.memory_space<vmem>> -> memref<1x128xi32, #tpu.memory_space<vmem>>
      %dma_start3A_99 = tpu.memref_squeeze %dma_start3A_98 : memref<1x128xi32, #tpu.memory_space<vmem>> -> memref<128xi32, #tpu.memory_space<vmem>>
      %dma_start3A_100 = arith.constant 0 : i32
      %dma_start3A_101 = arith.constant 0 : i32
      %dma_start3A_102 = tpu.memref_slice %arg18[%dma_start3A_100, %dma_start3A_101] : memref<10112x32xf32, #tpu.memory_space<vmem_shared>> -> memref<10112x32xf32, #tpu.memory_space<vmem_shared>>
      tpu.enqueue_indirect_dma source(%dma_start3A_102 : memref<10112x32xf32, #tpu.memory_space<vmem_shared>>) target(%arg11 : memref<128x32xf32, #tpu.memory_space<vmem>>) offsets(%dma_start3A_99 : memref<128xi32, #tpu.memory_space<vmem>>) semaphore(%arg21 : memref<!tpu.dma_semaphore, #tpu.memory_space<semaphore_mem>>)
      %gt3A_103 = arith.constant 0 : i32
      %gt3A_104 = arith.cmpi sgt, %scan3A_65, %gt3A_103 : i32
      %convert_element_type3A_105 = arith.extui %gt3A_104 : i1 to i32
      %cond3A_106 = arith.constant 0 : i32
      %cond3A_107 = arith.cmpi ne, %convert_element_type3A_105, %cond3A_106 : i32
      scf.if %cond3A_107 {
        %dma_wait3A_280 = arith.constant 0 : i32
        %dma_wait3A_281 = arith.constant 0 : i32
        %dma_wait3A_282 = tpu.memref_slice %arg2[%dma_wait3A_280, %dma_wait3A_281] : memref<10112x32xf32, #tpu.memory_space<hbm>> -> memref<128x32xf32, #tpu.memory_space<hbm>>
        %dma_wait3A_283 = arith.constant 0 : i32
        %dma_wait3A_284 = arith.constant 0 : i32
        %dma_wait3A_285 = tpu.memref_slice %arg2[%dma_wait3A_283, %dma_wait3A_284] : memref<10112x32xf32, #tpu.memory_space<hbm>> -> memref<128x32xf32, #tpu.memory_space<hbm>>
        tpu.wait_dma2 semaphore(%arg30 : memref<!tpu.dma_semaphore, #tpu.memory_space<semaphore_mem>>) src(%dma_wait3A_285 : memref<128x32xf32, #tpu.memory_space<hbm>>) dst(%arg12 : memref<128x32xf32, #tpu.memory_space<vmem>>)
      } else {
      }
      %add3A_108 = arith.constant 3 : i32
      %add3A_109 = arith.addi %mul3A_67, %add3A_108 : i32
      %dma_start3A_110 = arith.constant 0 : i32
      %dma_start3A_111 = tpu.memref_slice %arg7[%add3A_109, %dma_start3A_110] : memref<80x128xi32, #tpu.memory_space<vmem>> -> memref<1x128xi32, #tpu.memory_space<vmem>>
      %dma_start3A_112 = tpu.memref_squeeze %dma_start3A_111 : memref<1x128xi32, #tpu.memory_space<vmem>> -> memref<128xi32, #tpu.memory_space<vmem>>
      %dma_start3A_113 = arith.constant 0 : i32
      %dma_start3A_114 = arith.constant 0 : i32
      %dma_start3A_115 = tpu.memref_slice %arg18[%dma_start3A_113, %dma_start3A_114] : memref<10112x32xf32, #tpu.memory_space<vmem_shared>> -> memref<10112x32xf32, #tpu.memory_space<vmem_shared>>
      tpu.enqueue_indirect_dma source(%dma_start3A_115 : memref<10112x32xf32, #tpu.memory_space<vmem_shared>>) target(%arg12 : memref<128x32xf32, #tpu.memory_space<vmem>>) offsets(%dma_start3A_112 : memref<128xi32, #tpu.memory_space<vmem>>) semaphore(%arg22 : memref<!tpu.dma_semaphore, #tpu.memory_space<semaphore_mem>>)
      %gt3A_116 = arith.constant 0 : i32
      %gt3A_117 = arith.cmpi sgt, %scan3A_65, %gt3A_116 : i32
      %convert_element_type3A_118 = arith.extui %gt3A_117 : i1 to i32
      %cond3A_119 = arith.constant 0 : i32
      %cond3A_120 = arith.cmpi ne, %convert_element_type3A_118, %cond3A_119 : i32
      scf.if %cond3A_120 {
        %dma_wait3A_280 = arith.constant 0 : i32
        %dma_wait3A_281 = arith.constant 0 : i32
        %dma_wait3A_282 = tpu.memref_slice %arg2[%dma_wait3A_280, %dma_wait3A_281] : memref<10112x32xf32, #tpu.memory_space<hbm>> -> memref<128x32xf32, #tpu.memory_space<hbm>>
        %dma_wait3A_283 = arith.constant 0 : i32
        %dma_wait3A_284 = arith.constant 0 : i32
        %dma_wait3A_285 = tpu.memref_slice %arg2[%dma_wait3A_283, %dma_wait3A_284] : memref<10112x32xf32, #tpu.memory_space<hbm>> -> memref<128x32xf32, #tpu.memory_space<hbm>>
        tpu.wait_dma2 semaphore(%arg31 : memref<!tpu.dma_semaphore, #tpu.memory_space<semaphore_mem>>) src(%dma_wait3A_285 : memref<128x32xf32, #tpu.memory_space<hbm>>) dst(%arg13 : memref<128x32xf32, #tpu.memory_space<vmem>>)
      } else {
      }
      %add3A_121 = arith.constant 4 : i32
      %add3A_122 = arith.addi %mul3A_67, %add3A_121 : i32
      %dma_start3A_123 = arith.constant 0 : i32
      %dma_start3A_124 = tpu.memref_slice %arg7[%add3A_122, %dma_start3A_123] : memref<80x128xi32, #tpu.memory_space<vmem>> -> memref<1x128xi32, #tpu.memory_space<vmem>>
      %dma_start3A_125 = tpu.memref_squeeze %dma_start3A_124 : memref<1x128xi32, #tpu.memory_space<vmem>> -> memref<128xi32, #tpu.memory_space<vmem>>
      %dma_start3A_126 = arith.constant 0 : i32
      %dma_start3A_127 = arith.constant 0 : i32
      %dma_start3A_128 = tpu.memref_slice %arg18[%dma_start3A_126, %dma_start3A_127] : memref<10112x32xf32, #tpu.memory_space<vmem_shared>> -> memref<10112x32xf32, #tpu.memory_space<vmem_shared>>
      tpu.enqueue_indirect_dma source(%dma_start3A_128 : memref<10112x32xf32, #tpu.memory_space<vmem_shared>>) target(%arg13 : memref<128x32xf32, #tpu.memory_space<vmem>>) offsets(%dma_start3A_125 : memref<128xi32, #tpu.memory_space<vmem>>) semaphore(%arg23 : memref<!tpu.dma_semaphore, #tpu.memory_space<semaphore_mem>>)
      %gt3A_129 = arith.constant 0 : i32
      %gt3A_130 = arith.cmpi sgt, %scan3A_65, %gt3A_129 : i32
      %convert_element_type3A_131 = arith.extui %gt3A_130 : i1 to i32
      %cond3A_132 = arith.constant 0 : i32
      %cond3A_133 = arith.cmpi ne, %convert_element_type3A_131, %cond3A_132 : i32
      scf.if %cond3A_133 {
        %dma_wait3A_280 = arith.constant 0 : i32
        %dma_wait3A_281 = arith.constant 0 : i32
        %dma_wait3A_282 = tpu.memref_slice %arg2[%dma_wait3A_280, %dma_wait3A_281] : memref<10112x32xf32, #tpu.memory_space<hbm>> -> memref<128x32xf32, #tpu.memory_space<hbm>>
        %dma_wait3A_283 = arith.constant 0 : i32
        %dma_wait3A_284 = arith.constant 0 : i32
        %dma_wait3A_285 = tpu.memref_slice %arg2[%dma_wait3A_283, %dma_wait3A_284] : memref<10112x32xf32, #tpu.memory_space<hbm>> -> memref<128x32xf32, #tpu.memory_space<hbm>>
        tpu.wait_dma2 semaphore(%arg32 : memref<!tpu.dma_semaphore, #tpu.memory_space<semaphore_mem>>) src(%dma_wait3A_285 : memref<128x32xf32, #tpu.memory_space<hbm>>) dst(%arg14 : memref<128x32xf32, #tpu.memory_space<vmem>>)
      } else {
      }
      %add3A_134 = arith.constant 5 : i32
      %add3A_135 = arith.addi %mul3A_67, %add3A_134 : i32
      %dma_start3A_136 = arith.constant 0 : i32
      %dma_start3A_137 = tpu.memref_slice %arg7[%add3A_135, %dma_start3A_136] : memref<80x128xi32, #tpu.memory_space<vmem>> -> memref<1x128xi32, #tpu.memory_space<vmem>>
      %dma_start3A_138 = tpu.memref_squeeze %dma_start3A_137 : memref<1x128xi32, #tpu.memory_space<vmem>> -> memref<128xi32, #tpu.memory_space<vmem>>
      %dma_start3A_139 = arith.constant 0 : i32
      %dma_start3A_140 = arith.constant 0 : i32
      %dma_start3A_141 = tpu.memref_slice %arg18[%dma_start3A_139, %dma_start3A_140] : memref<10112x32xf32, #tpu.memory_space<vmem_shared>> -> memref<10112x32xf32, #tpu.memory_space<vmem_shared>>
      tpu.enqueue_indirect_dma source(%dma_start3A_141 : memref<10112x32xf32, #tpu.memory_space<vmem_shared>>) target(%arg14 : memref<128x32xf32, #tpu.memory_space<vmem>>) offsets(%dma_start3A_138 : memref<128xi32, #tpu.memory_space<vmem>>) semaphore(%arg24 : memref<!tpu.dma_semaphore, #tpu.memory_space<semaphore_mem>>)
      %gt3A_142 = arith.constant 0 : i32
      %gt3A_143 = arith.cmpi sgt, %scan3A_65, %gt3A_142 : i32
      %convert_element_type3A_144 = arith.extui %gt3A_143 : i1 to i32
      %cond3A_145 = arith.constant 0 : i32
      %cond3A_146 = arith.cmpi ne, %convert_element_type3A_144, %cond3A_145 : i32
      scf.if %cond3A_146 {
        %dma_wait3A_280 = arith.constant 0 : i32
        %dma_wait3A_281 = arith.constant 0 : i32
        %dma_wait3A_282 = tpu.memref_slice %arg2[%dma_wait3A_280, %dma_wait3A_281] : memref<10112x32xf32, #tpu.memory_space<hbm>> -> memref<128x32xf32, #tpu.memory_space<hbm>>
        %dma_wait3A_283 = arith.constant 0 : i32
        %dma_wait3A_284 = arith.constant 0 : i32
        %dma_wait3A_285 = tpu.memref_slice %arg2[%dma_wait3A_283, %dma_wait3A_284] : memref<10112x32xf32, #tpu.memory_space<hbm>> -> memref<128x32xf32, #tpu.memory_space<hbm>>
        tpu.wait_dma2 semaphore(%arg33 : memref<!tpu.dma_semaphore, #tpu.memory_space<semaphore_mem>>) src(%dma_wait3A_285 : memref<128x32xf32, #tpu.memory_space<hbm>>) dst(%arg15 : memref<128x32xf32, #tpu.memory_space<vmem>>)
      } else {
      }
      %add3A_147 = arith.constant 6 : i32
      %add3A_148 = arith.addi %mul3A_67, %add3A_147 : i32
      %dma_start3A_149 = arith.constant 0 : i32
      %dma_start3A_150 = tpu.memref_slice %arg7[%add3A_148, %dma_start3A_149] : memref<80x128xi32, #tpu.memory_space<vmem>> -> memref<1x128xi32, #tpu.memory_space<vmem>>
      %dma_start3A_151 = tpu.memref_squeeze %dma_start3A_150 : memref<1x128xi32, #tpu.memory_space<vmem>> -> memref<128xi32, #tpu.memory_space<vmem>>
      %dma_start3A_152 = arith.constant 0 : i32
      %dma_start3A_153 = arith.constant 0 : i32
      %dma_start3A_154 = tpu.memref_slice %arg18[%dma_start3A_152, %dma_start3A_153] : memref<10112x32xf32, #tpu.memory_space<vmem_shared>> -> memref<10112x32xf32, #tpu.memory_space<vmem_shared>>
      tpu.enqueue_indirect_dma source(%dma_start3A_154 : memref<10112x32xf32, #tpu.memory_space<vmem_shared>>) target(%arg15 : memref<128x32xf32, #tpu.memory_space<vmem>>) offsets(%dma_start3A_151 : memref<128xi32, #tpu.memory_space<vmem>>) semaphore(%arg25 : memref<!tpu.dma_semaphore, #tpu.memory_space<semaphore_mem>>)
      %gt3A_155 = arith.constant 0 : i32
      %gt3A_156 = arith.cmpi sgt, %scan3A_65, %gt3A_155 : i32
      %convert_element_type3A_157 = arith.extui %gt3A_156 : i1 to i32
      %cond3A_158 = arith.constant 0 : i32
      %cond3A_159 = arith.cmpi ne, %convert_element_type3A_157, %cond3A_158 : i32
      scf.if %cond3A_159 {
        %dma_wait3A_280 = arith.constant 0 : i32
        %dma_wait3A_281 = arith.constant 0 : i32
        %dma_wait3A_282 = tpu.memref_slice %arg2[%dma_wait3A_280, %dma_wait3A_281] : memref<10112x32xf32, #tpu.memory_space<hbm>> -> memref<128x32xf32, #tpu.memory_space<hbm>>
        %dma_wait3A_283 = arith.constant 0 : i32
        %dma_wait3A_284 = arith.constant 0 : i32
        %dma_wait3A_285 = tpu.memref_slice %arg2[%dma_wait3A_283, %dma_wait3A_284] : memref<10112x32xf32, #tpu.memory_space<hbm>> -> memref<128x32xf32, #tpu.memory_space<hbm>>
        tpu.wait_dma2 semaphore(%arg34 : memref<!tpu.dma_semaphore, #tpu.memory_space<semaphore_mem>>) src(%dma_wait3A_285 : memref<128x32xf32, #tpu.memory_space<hbm>>) dst(%arg16 : memref<128x32xf32, #tpu.memory_space<vmem>>)
      } else {
      }
      %add3A_160 = arith.constant 7 : i32
      %add3A_161 = arith.addi %mul3A_67, %add3A_160 : i32
      %dma_start3A_162 = arith.constant 0 : i32
      %dma_start3A_163 = tpu.memref_slice %arg7[%add3A_161, %dma_start3A_162] : memref<80x128xi32, #tpu.memory_space<vmem>> -> memref<1x128xi32, #tpu.memory_space<vmem>>
      %dma_start3A_164 = tpu.memref_squeeze %dma_start3A_163 : memref<1x128xi32, #tpu.memory_space<vmem>> -> memref<128xi32, #tpu.memory_space<vmem>>
      %dma_start3A_165 = arith.constant 0 : i32
      %dma_start3A_166 = arith.constant 0 : i32
      %dma_start3A_167 = tpu.memref_slice %arg18[%dma_start3A_165, %dma_start3A_166] : memref<10112x32xf32, #tpu.memory_space<vmem_shared>> -> memref<10112x32xf32, #tpu.memory_space<vmem_shared>>
      tpu.enqueue_indirect_dma source(%dma_start3A_167 : memref<10112x32xf32, #tpu.memory_space<vmem_shared>>) target(%arg16 : memref<128x32xf32, #tpu.memory_space<vmem>>) offsets(%dma_start3A_164 : memref<128xi32, #tpu.memory_space<vmem>>) semaphore(%arg26 : memref<!tpu.dma_semaphore, #tpu.memory_space<semaphore_mem>>)
      %dma_wait3A_168 = arith.constant 0 : i32
      %dma_wait3A_169 = tpu.memref_slice %arg7[%add3A_71, %dma_wait3A_168] : memref<80x128xi32, #tpu.memory_space<vmem>> -> memref<1x128xi32, #tpu.memory_space<vmem>>
      %dma_wait3A_170 = tpu.memref_squeeze %dma_wait3A_169 : memref<1x128xi32, #tpu.memory_space<vmem>> -> memref<128xi32, #tpu.memory_space<vmem>>
      %dma_wait3A_171 = arith.constant 0 : i32
      %dma_wait3A_172 = arith.constant 0 : i32
      %dma_wait3A_173 = tpu.memref_slice %arg18[%dma_wait3A_171, %dma_wait3A_172] : memref<10112x32xf32, #tpu.memory_space<vmem_shared>> -> memref<10112x32xf32, #tpu.memory_space<vmem_shared>>
      tpu.wait_indirect_dma semaphore(%arg19 : memref<!tpu.dma_semaphore, #tpu.memory_space<semaphore_mem>>) src(%dma_wait3A_173 : memref<10112x32xf32, #tpu.memory_space<vmem_shared>>) dst(%arg9 : memref<128x32xf32, #tpu.memory_space<vmem>>)
      %add3A_174 = arith.constant 0 : i32
      %add3A_175 = arith.addi %mul3A_67, %add3A_174 : i32
      %dma_start3A_176 = arith.constant 0 : i32
      %dma_start3A_177 = tpu.memref_slice %arg8[%add3A_175, %dma_start3A_176] : memref<80x128xi32, #tpu.memory_space<vmem>> -> memref<1x128xi32, #tpu.memory_space<vmem>>
      %dma_start3A_178 = tpu.memref_squeeze %dma_start3A_177 : memref<1x128xi32, #tpu.memory_space<vmem>> -> memref<128xi32, #tpu.memory_space<vmem>>
      %dma_start3A_179 = arith.constant 0 : i32
      %dma_start3A_180 = arith.constant 0 : i32
      %dma_start3A_181 = tpu.memref_slice %arg17[%dma_start3A_179, %dma_start3A_180] : memref<10112x32xf32, #tpu.memory_space<vmem_shared>> -> memref<10112x32xf32, #tpu.memory_space<vmem_shared>>
      tpu.enqueue_indirect_dma source(%arg9 : memref<128x32xf32, #tpu.memory_space<vmem>>) target(%dma_start3A_181 : memref<10112x32xf32, #tpu.memory_space<vmem_shared>>) offsets(%dma_start3A_178 : memref<128xi32, #tpu.memory_space<vmem>>) semaphore(%arg27 : memref<!tpu.dma_semaphore, #tpu.memory_space<semaphore_mem>>) {add = true}
      %dma_wait3A_182 = arith.constant 0 : i32
      %dma_wait3A_183 = tpu.memref_slice %arg7[%add3A_83, %dma_wait3A_182] : memref<80x128xi32, #tpu.memory_space<vmem>> -> memref<1x128xi32, #tpu.memory_space<vmem>>
      %dma_wait3A_184 = tpu.memref_squeeze %dma_wait3A_183 : memref<1x128xi32, #tpu.memory_space<vmem>> -> memref<128xi32, #tpu.memory_space<vmem>>
      %dma_wait3A_185 = arith.constant 0 : i32
      %dma_wait3A_186 = arith.constant 0 : i32
      %dma_wait3A_187 = tpu.memref_slice %arg18[%dma_wait3A_185, %dma_wait3A_186] : memref<10112x32xf32, #tpu.memory_space<vmem_shared>> -> memref<10112x32xf32, #tpu.memory_space<vmem_shared>>
      tpu.wait_indirect_dma semaphore(%arg20 : memref<!tpu.dma_semaphore, #tpu.memory_space<semaphore_mem>>) src(%dma_wait3A_187 : memref<10112x32xf32, #tpu.memory_space<vmem_shared>>) dst(%arg10 : memref<128x32xf32, #tpu.memory_space<vmem>>)
      %add3A_188 = arith.constant 1 : i32
      %add3A_189 = arith.addi %mul3A_67, %add3A_188 : i32
      %dma_start3A_190 = arith.constant 0 : i32
      %dma_start3A_191 = tpu.memref_slice %arg8[%add3A_189, %dma_start3A_190] : memref<80x128xi32, #tpu.memory_space<vmem>> -> memref<1x128xi32, #tpu.memory_space<vmem>>
      %dma_start3A_192 = tpu.memref_squeeze %dma_start3A_191 : memref<1x128xi32, #tpu.memory_space<vmem>> -> memref<128xi32, #tpu.memory_space<vmem>>
      %dma_start3A_193 = arith.constant 0 : i32
      %dma_start3A_194 = arith.constant 0 : i32
      %dma_start3A_195 = tpu.memref_slice %arg17[%dma_start3A_193, %dma_start3A_194] : memref<10112x32xf32, #tpu.memory_space<vmem_shared>> -> memref<10112x32xf32, #tpu.memory_space<vmem_shared>>
      tpu.enqueue_indirect_dma source(%arg10 : memref<128x32xf32, #tpu.memory_space<vmem>>) target(%dma_start3A_195 : memref<10112x32xf32, #tpu.memory_space<vmem_shared>>) offsets(%dma_start3A_192 : memref<128xi32, #tpu.memory_space<vmem>>) semaphore(%arg28 : memref<!tpu.dma_semaphore, #tpu.memory_space<semaphore_mem>>) {add = true}
      %dma_wait3A_196 = arith.constant 0 : i32
      %dma_wait3A_197 = tpu.memref_slice %arg7[%add3A_96, %dma_wait3A_196] : memref<80x128xi32, #tpu.memory_space<vmem>> -> memref<1x128xi32, #tpu.memory_space<vmem>>
      %dma_wait3A_198 = tpu.memref_squeeze %dma_wait3A_197 : memref<1x128xi32, #tpu.memory_space<vmem>> -> memref<128xi32, #tpu.memory_space<vmem>>
      %dma_wait3A_199 = arith.constant 0 : i32
      %dma_wait3A_200 = arith.constant 0 : i32
      %dma_wait3A_201 = tpu.memref_slice %arg18[%dma_wait3A_199, %dma_wait3A_200] : memref<10112x32xf32, #tpu.memory_space<vmem_shared>> -> memref<10112x32xf32, #tpu.memory_space<vmem_shared>>
      tpu.wait_indirect_dma semaphore(%arg21 : memref<!tpu.dma_semaphore, #tpu.memory_space<semaphore_mem>>) src(%dma_wait3A_201 : memref<10112x32xf32, #tpu.memory_space<vmem_shared>>) dst(%arg11 : memref<128x32xf32, #tpu.memory_space<vmem>>)
      %add3A_202 = arith.constant 2 : i32
      %add3A_203 = arith.addi %mul3A_67, %add3A_202 : i32
      %dma_start3A_204 = arith.constant 0 : i32
      %dma_start3A_205 = tpu.memref_slice %arg8[%add3A_203, %dma_start3A_204] : memref<80x128xi32, #tpu.memory_space<vmem>> -> memref<1x128xi32, #tpu.memory_space<vmem>>
      %dma_start3A_206 = tpu.memref_squeeze %dma_start3A_205 : memref<1x128xi32, #tpu.memory_space<vmem>> -> memref<128xi32, #tpu.memory_space<vmem>>
      %dma_start3A_207 = arith.constant 0 : i32
      %dma_start3A_208 = arith.constant 0 : i32
      %dma_start3A_209 = tpu.memref_slice %arg17[%dma_start3A_207, %dma_start3A_208] : memref<10112x32xf32, #tpu.memory_space<vmem_shared>> -> memref<10112x32xf32, #tpu.memory_space<vmem_shared>>
      tpu.enqueue_indirect_dma source(%arg11 : memref<128x32xf32, #tpu.memory_space<vmem>>) target(%dma_start3A_209 : memref<10112x32xf32, #tpu.memory_space<vmem_shared>>) offsets(%dma_start3A_206 : memref<128xi32, #tpu.memory_space<vmem>>) semaphore(%arg29 : memref<!tpu.dma_semaphore, #tpu.memory_space<semaphore_mem>>) {add = true}
      %dma_wait3A_210 = arith.constant 0 : i32
      %dma_wait3A_211 = tpu.memref_slice %arg7[%add3A_109, %dma_wait3A_210] : memref<80x128xi32, #tpu.memory_space<vmem>> -> memref<1x128xi32, #tpu.memory_space<vmem>>
      %dma_wait3A_212 = tpu.memref_squeeze %dma_wait3A_211 : memref<1x128xi32, #tpu.memory_space<vmem>> -> memref<128xi32, #tpu.memory_space<vmem>>
      %dma_wait3A_213 = arith.constant 0 : i32
      %dma_wait3A_214 = arith.constant 0 : i32
      %dma_wait3A_215 = tpu.memref_slice %arg18[%dma_wait3A_213, %dma_wait3A_214] : memref<10112x32xf32, #tpu.memory_space<vmem_shared>> -> memref<10112x32xf32, #tpu.memory_space<vmem_shared>>
      tpu.wait_indirect_dma semaphore(%arg22 : memref<!tpu.dma_semaphore, #tpu.memory_space<semaphore_mem>>) src(%dma_wait3A_215 : memref<10112x32xf32, #tpu.memory_space<vmem_shared>>) dst(%arg12 : memref<128x32xf32, #tpu.memory_space<vmem>>)
      %add3A_216 = arith.constant 3 : i32
      %add3A_217 = arith.addi %mul3A_67, %add3A_216 : i32
      %dma_start3A_218 = arith.constant 0 : i32
      %dma_start3A_219 = tpu.memref_slice %arg8[%add3A_217, %dma_start3A_218] : memref<80x128xi32, #tpu.memory_space<vmem>> -> memref<1x128xi32, #tpu.memory_space<vmem>>
      %dma_start3A_220 = tpu.memref_squeeze %dma_start3A_219 : memref<1x128xi32, #tpu.memory_space<vmem>> -> memref<128xi32, #tpu.memory_space<vmem>>
      %dma_start3A_221 = arith.constant 0 : i32
      %dma_start3A_222 = arith.constant 0 : i32
      %dma_start3A_223 = tpu.memref_slice %arg17[%dma_start3A_221, %dma_start3A_222] : memref<10112x32xf32, #tpu.memory_space<vmem_shared>> -> memref<10112x32xf32, #tpu.memory_space<vmem_shared>>
      tpu.enqueue_indirect_dma source(%arg12 : memref<128x32xf32, #tpu.memory_space<vmem>>) target(%dma_start3A_223 : memref<10112x32xf32, #tpu.memory_space<vmem_shared>>) offsets(%dma_start3A_220 : memref<128xi32, #tpu.memory_space<vmem>>) semaphore(%arg30 : memref<!tpu.dma_semaphore, #tpu.memory_space<semaphore_mem>>) {add = true}
      %dma_wait3A_224 = arith.constant 0 : i32
      %dma_wait3A_225 = tpu.memref_slice %arg7[%add3A_122, %dma_wait3A_224] : memref<80x128xi32, #tpu.memory_space<vmem>> -> memref<1x128xi32, #tpu.memory_space<vmem>>
      %dma_wait3A_226 = tpu.memref_squeeze %dma_wait3A_225 : memref<1x128xi32, #tpu.memory_space<vmem>> -> memref<128xi32, #tpu.memory_space<vmem>>
      %dma_wait3A_227 = arith.constant 0 : i32
      %dma_wait3A_228 = arith.constant 0 : i32
      %dma_wait3A_229 = tpu.memref_slice %arg18[%dma_wait3A_227, %dma_wait3A_228] : memref<10112x32xf32, #tpu.memory_space<vmem_shared>> -> memref<10112x32xf32, #tpu.memory_space<vmem_shared>>
      tpu.wait_indirect_dma semaphore(%arg23 : memref<!tpu.dma_semaphore, #tpu.memory_space<semaphore_mem>>) src(%dma_wait3A_229 : memref<10112x32xf32, #tpu.memory_space<vmem_shared>>) dst(%arg13 : memref<128x32xf32, #tpu.memory_space<vmem>>)
      %add3A_230 = arith.constant 4 : i32
      %add3A_231 = arith.addi %mul3A_67, %add3A_230 : i32
      %dma_start3A_232 = arith.constant 0 : i32
      %dma_start3A_233 = tpu.memref_slice %arg8[%add3A_231, %dma_start3A_232] : memref<80x128xi32, #tpu.memory_space<vmem>> -> memref<1x128xi32, #tpu.memory_space<vmem>>
      %dma_start3A_234 = tpu.memref_squeeze %dma_start3A_233 : memref<1x128xi32, #tpu.memory_space<vmem>> -> memref<128xi32, #tpu.memory_space<vmem>>
      %dma_start3A_235 = arith.constant 0 : i32
      %dma_start3A_236 = arith.constant 0 : i32
      %dma_start3A_237 = tpu.memref_slice %arg17[%dma_start3A_235, %dma_start3A_236] : memref<10112x32xf32, #tpu.memory_space<vmem_shared>> -> memref<10112x32xf32, #tpu.memory_space<vmem_shared>>
      tpu.enqueue_indirect_dma source(%arg13 : memref<128x32xf32, #tpu.memory_space<vmem>>) target(%dma_start3A_237 : memref<10112x32xf32, #tpu.memory_space<vmem_shared>>) offsets(%dma_start3A_234 : memref<128xi32, #tpu.memory_space<vmem>>) semaphore(%arg31 : memref<!tpu.dma_semaphore, #tpu.memory_space<semaphore_mem>>) {add = true}
      %dma_wait3A_238 = arith.constant 0 : i32
      %dma_wait3A_239 = tpu.memref_slice %arg7[%add3A_135, %dma_wait3A_238] : memref<80x128xi32, #tpu.memory_space<vmem>> -> memref<1x128xi32, #tpu.memory_space<vmem>>
      %dma_wait3A_240 = tpu.memref_squeeze %dma_wait3A_239 : memref<1x128xi32, #tpu.memory_space<vmem>> -> memref<128xi32, #tpu.memory_space<vmem>>
      %dma_wait3A_241 = arith.constant 0 : i32
      %dma_wait3A_242 = arith.constant 0 : i32
      %dma_wait3A_243 = tpu.memref_slice %arg18[%dma_wait3A_241, %dma_wait3A_242] : memref<10112x32xf32, #tpu.memory_space<vmem_shared>> -> memref<10112x32xf32, #tpu.memory_space<vmem_shared>>
      tpu.wait_indirect_dma semaphore(%arg24 : memref<!tpu.dma_semaphore, #tpu.memory_space<semaphore_mem>>) src(%dma_wait3A_243 : memref<10112x32xf32, #tpu.memory_space<vmem_shared>>) dst(%arg14 : memref<128x32xf32, #tpu.memory_space<vmem>>)
      %add3A_244 = arith.constant 5 : i32
      %add3A_245 = arith.addi %mul3A_67, %add3A_244 : i32
      %dma_start3A_246 = arith.constant 0 : i32
      %dma_start3A_247 = tpu.memref_slice %arg8[%add3A_245, %dma_start3A_246] : memref<80x128xi32, #tpu.memory_space<vmem>> -> memref<1x128xi32, #tpu.memory_space<vmem>>
      %dma_start3A_248 = tpu.memref_squeeze %dma_start3A_247 : memref<1x128xi32, #tpu.memory_space<vmem>> -> memref<128xi32, #tpu.memory_space<vmem>>
      %dma_start3A_249 = arith.constant 0 : i32
      %dma_start3A_250 = arith.constant 0 : i32
      %dma_start3A_251 = tpu.memref_slice %arg17[%dma_start3A_249, %dma_start3A_250] : memref<10112x32xf32, #tpu.memory_space<vmem_shared>> -> memref<10112x32xf32, #tpu.memory_space<vmem_shared>>
      tpu.enqueue_indirect_dma source(%arg14 : memref<128x32xf32, #tpu.memory_space<vmem>>) target(%dma_start3A_251 : memref<10112x32xf32, #tpu.memory_space<vmem_shared>>) offsets(%dma_start3A_248 : memref<128xi32, #tpu.memory_space<vmem>>) semaphore(%arg32 : memref<!tpu.dma_semaphore, #tpu.memory_space<semaphore_mem>>) {add = true}
      %dma_wait3A_252 = arith.constant 0 : i32
      %dma_wait3A_253 = tpu.memref_slice %arg7[%add3A_148, %dma_wait3A_252] : memref<80x128xi32, #tpu.memory_space<vmem>> -> memref<1x128xi32, #tpu.memory_space<vmem>>
      %dma_wait3A_254 = tpu.memref_squeeze %dma_wait3A_253 : memref<1x128xi32, #tpu.memory_space<vmem>> -> memref<128xi32, #tpu.memory_space<vmem>>
      %dma_wait3A_255 = arith.constant 0 : i32
      %dma_wait3A_256 = arith.constant 0 : i32
      %dma_wait3A_257 = tpu.memref_slice %arg18[%dma_wait3A_255, %dma_wait3A_256] : memref<10112x32xf32, #tpu.memory_space<vmem_shared>> -> memref<10112x32xf32, #tpu.memory_space<vmem_shared>>
      tpu.wait_indirect_dma semaphore(%arg25 : memref<!tpu.dma_semaphore, #tpu.memory_space<semaphore_mem>>) src(%dma_wait3A_257 : memref<10112x32xf32, #tpu.memory_space<vmem_shared>>) dst(%arg15 : memref<128x32xf32, #tpu.memory_space<vmem>>)
      %add3A_258 = arith.constant 6 : i32
      %add3A_259 = arith.addi %mul3A_67, %add3A_258 : i32
      %dma_start3A_260 = arith.constant 0 : i32
      %dma_start3A_261 = tpu.memref_slice %arg8[%add3A_259, %dma_start3A_260] : memref<80x128xi32, #tpu.memory_space<vmem>> -> memref<1x128xi32, #tpu.memory_space<vmem>>
      %dma_start3A_262 = tpu.memref_squeeze %dma_start3A_261 : memref<1x128xi32, #tpu.memory_space<vmem>> -> memref<128xi32, #tpu.memory_space<vmem>>
      %dma_start3A_263 = arith.constant 0 : i32
      %dma_start3A_264 = arith.constant 0 : i32
      %dma_start3A_265 = tpu.memref_slice %arg17[%dma_start3A_263, %dma_start3A_264] : memref<10112x32xf32, #tpu.memory_space<vmem_shared>> -> memref<10112x32xf32, #tpu.memory_space<vmem_shared>>
      tpu.enqueue_indirect_dma source(%arg15 : memref<128x32xf32, #tpu.memory_space<vmem>>) target(%dma_start3A_265 : memref<10112x32xf32, #tpu.memory_space<vmem_shared>>) offsets(%dma_start3A_262 : memref<128xi32, #tpu.memory_space<vmem>>) semaphore(%arg33 : memref<!tpu.dma_semaphore, #tpu.memory_space<semaphore_mem>>) {add = true}
      %dma_wait3A_266 = arith.constant 0 : i32
      %dma_wait3A_267 = tpu.memref_slice %arg7[%add3A_161, %dma_wait3A_266] : memref<80x128xi32, #tpu.memory_space<vmem>> -> memref<1x128xi32, #tpu.memory_space<vmem>>
      %dma_wait3A_268 = tpu.memref_squeeze %dma_wait3A_267 : memref<1x128xi32, #tpu.memory_space<vmem>> -> memref<128xi32, #tpu.memory_space<vmem>>
      %dma_wait3A_269 = arith.constant 0 : i32
      %dma_wait3A_270 = arith.constant 0 : i32
      %dma_wait3A_271 = tpu.memref_slice %arg18[%dma_wait3A_269, %dma_wait3A_270] : memref<10112x32xf32, #tpu.memory_space<vmem_shared>> -> memref<10112x32xf32, #tpu.memory_space<vmem_shared>>
      tpu.wait_indirect_dma semaphore(%arg26 : memref<!tpu.dma_semaphore, #tpu.memory_space<semaphore_mem>>) src(%dma_wait3A_271 : memref<10112x32xf32, #tpu.memory_space<vmem_shared>>) dst(%arg16 : memref<128x32xf32, #tpu.memory_space<vmem>>)
      %add3A_272 = arith.constant 7 : i32
      %add3A_273 = arith.addi %mul3A_67, %add3A_272 : i32
      %dma_start3A_274 = arith.constant 0 : i32
      %dma_start3A_275 = tpu.memref_slice %arg8[%add3A_273, %dma_start3A_274] : memref<80x128xi32, #tpu.memory_space<vmem>> -> memref<1x128xi32, #tpu.memory_space<vmem>>
      %dma_start3A_276 = tpu.memref_squeeze %dma_start3A_275 : memref<1x128xi32, #tpu.memory_space<vmem>> -> memref<128xi32, #tpu.memory_space<vmem>>
      %dma_start3A_277 = arith.constant 0 : i32
      %dma_start3A_278 = arith.constant 0 : i32
      %dma_start3A_279 = tpu.memref_slice %arg17[%dma_start3A_277, %dma_start3A_278] : memref<10112x32xf32, #tpu.memory_space<vmem_shared>> -> memref<10112x32xf32, #tpu.memory_space<vmem_shared>>
      tpu.enqueue_indirect_dma source(%arg16 : memref<128x32xf32, #tpu.memory_space<vmem>>) target(%dma_start3A_279 : memref<10112x32xf32, #tpu.memory_space<vmem_shared>>) offsets(%dma_start3A_276 : memref<128xi32, #tpu.memory_space<vmem>>) semaphore(%arg34 : memref<!tpu.dma_semaphore, #tpu.memory_space<semaphore_mem>>) {add = true}
    }
    %scan3A_12 = arith.constant 10 : i32
    %dma_wait3A = arith.constant 0 : i32
    %dma_wait3A_13 = arith.constant 0 : i32
    %dma_wait3A_14 = tpu.memref_slice %arg2[%dma_wait3A, %dma_wait3A_13] : memref<10112x32xf32, #tpu.memory_space<hbm>> -> memref<128x32xf32, #tpu.memory_space<hbm>>
    %dma_wait3A_15 = arith.constant 0 : i32
    %dma_wait3A_16 = arith.constant 0 : i32
    %dma_wait3A_17 = tpu.memref_slice %arg2[%dma_wait3A_15, %dma_wait3A_16] : memref<10112x32xf32, #tpu.memory_space<hbm>> -> memref<128x32xf32, #tpu.memory_space<hbm>>
    tpu.wait_dma2 semaphore(%arg27 : memref<!tpu.dma_semaphore, #tpu.memory_space<semaphore_mem>>) src(%dma_wait3A_17 : memref<128x32xf32, #tpu.memory_space<hbm>>) dst(%arg9 : memref<128x32xf32, #tpu.memory_space<vmem>>)
    %dma_wait3A_18 = arith.constant 0 : i32
    %dma_wait3A_19 = arith.constant 0 : i32
    %dma_wait3A_20 = tpu.memref_slice %arg2[%dma_wait3A_18, %dma_wait3A_19] : memref<10112x32xf32, #tpu.memory_space<hbm>> -> memref<128x32xf32, #tpu.memory_space<hbm>>
    %dma_wait3A_21 = arith.constant 0 : i32
    %dma_wait3A_22 = arith.constant 0 : i32
    %dma_wait3A_23 = tpu.memref_slice %arg2[%dma_wait3A_21, %dma_wait3A_22] : memref<10112x32xf32, #tpu.memory_space<hbm>> -> memref<128x32xf32, #tpu.memory_space<hbm>>
    tpu.wait_dma2 semaphore(%arg28 : memref<!tpu.dma_semaphore, #tpu.memory_space<semaphore_mem>>) src(%dma_wait3A_23 : memref<128x32xf32, #tpu.memory_space<hbm>>) dst(%arg10 : memref<128x32xf32, #tpu.memory_space<vmem>>)
    %dma_wait3A_24 = arith.constant 0 : i32
    %dma_wait3A_25 = arith.constant 0 : i32
    %dma_wait3A_26 = tpu.memref_slice %arg2[%dma_wait3A_24, %dma_wait3A_25] : memref<10112x32xf32, #tpu.memory_space<hbm>> -> memref<128x32xf32, #tpu.memory_space<hbm>>
    %dma_wait3A_27 = arith.constant 0 : i32
    %dma_wait3A_28 = arith.constant 0 : i32
    %dma_wait3A_29 = tpu.memref_slice %arg2[%dma_wait3A_27, %dma_wait3A_28] : memref<10112x32xf32, #tpu.memory_space<hbm>> -> memref<128x32xf32, #tpu.memory_space<hbm>>
    tpu.wait_dma2 semaphore(%arg29 : memref<!tpu.dma_semaphore, #tpu.memory_space<semaphore_mem>>) src(%dma_wait3A_29 : memref<128x32xf32, #tpu.memory_space<hbm>>) dst(%arg11 : memref<128x32xf32, #tpu.memory_space<vmem>>)
    %dma_wait3A_30 = arith.constant 0 : i32
    %dma_wait3A_31 = arith.constant 0 : i32
    %dma_wait3A_32 = tpu.memref_slice %arg2[%dma_wait3A_30, %dma_wait3A_31] : memref<10112x32xf32, #tpu.memory_space<hbm>> -> memref<128x32xf32, #tpu.memory_space<hbm>>
    %dma_wait3A_33 = arith.constant 0 : i32
    %dma_wait3A_34 = arith.constant 0 : i32
    %dma_wait3A_35 = tpu.memref_slice %arg2[%dma_wait3A_33, %dma_wait3A_34] : memref<10112x32xf32, #tpu.memory_space<hbm>> -> memref<128x32xf32, #tpu.memory_space<hbm>>
    tpu.wait_dma2 semaphore(%arg30 : memref<!tpu.dma_semaphore, #tpu.memory_space<semaphore_mem>>) src(%dma_wait3A_35 : memref<128x32xf32, #tpu.memory_space<hbm>>) dst(%arg12 : memref<128x32xf32, #tpu.memory_space<vmem>>)
    %dma_wait3A_36 = arith.constant 0 : i32
    %dma_wait3A_37 = arith.constant 0 : i32
    %dma_wait3A_38 = tpu.memref_slice %arg2[%dma_wait3A_36, %dma_wait3A_37] : memref<10112x32xf32, #tpu.memory_space<hbm>> -> memref<128x32xf32, #tpu.memory_space<hbm>>
    %dma_wait3A_39 = arith.constant 0 : i32
    %dma_wait3A_40 = arith.constant 0 : i32
    %dma_wait3A_41 = tpu.memref_slice %arg2[%dma_wait3A_39, %dma_wait3A_40] : memref<10112x32xf32, #tpu.memory_space<hbm>> -> memref<128x32xf32, #tpu.memory_space<hbm>>
    tpu.wait_dma2 semaphore(%arg31 : memref<!tpu.dma_semaphore, #tpu.memory_space<semaphore_mem>>) src(%dma_wait3A_41 : memref<128x32xf32, #tpu.memory_space<hbm>>) dst(%arg13 : memref<128x32xf32, #tpu.memory_space<vmem>>)
    %dma_wait3A_42 = arith.constant 0 : i32
    %dma_wait3A_43 = arith.constant 0 : i32
    %dma_wait3A_44 = tpu.memref_slice %arg2[%dma_wait3A_42, %dma_wait3A_43] : memref<10112x32xf32, #tpu.memory_space<hbm>> -> memref<128x32xf32, #tpu.memory_space<hbm>>
    %dma_wait3A_45 = arith.constant 0 : i32
    %dma_wait3A_46 = arith.constant 0 : i32
    %dma_wait3A_47 = tpu.memref_slice %arg2[%dma_wait3A_45, %dma_wait3A_46] : memref<10112x32xf32, #tpu.memory_space<hbm>> -> memref<128x32xf32, #tpu.memory_space<hbm>>
    tpu.wait_dma2 semaphore(%arg32 : memref<!tpu.dma_semaphore, #tpu.memory_space<semaphore_mem>>) src(%dma_wait3A_47 : memref<128x32xf32, #tpu.memory_space<hbm>>) dst(%arg14 : memref<128x32xf32, #tpu.memory_space<vmem>>)
    %dma_wait3A_48 = arith.constant 0 : i32
    %dma_wait3A_49 = arith.constant 0 : i32
    %dma_wait3A_50 = tpu.memref_slice %arg2[%dma_wait3A_48, %dma_wait3A_49] : memref<10112x32xf32, #tpu.memory_space<hbm>> -> memref<128x32xf32, #tpu.memory_space<hbm>>
    %dma_wait3A_51 = arith.constant 0 : i32
    %dma_wait3A_52 = arith.constant 0 : i32
    %dma_wait3A_53 = tpu.memref_slice %arg2[%dma_wait3A_51, %dma_wait3A_52] : memref<10112x32xf32, #tpu.memory_space<hbm>> -> memref<128x32xf32, #tpu.memory_space<hbm>>
    tpu.wait_dma2 semaphore(%arg33 : memref<!tpu.dma_semaphore, #tpu.memory_space<semaphore_mem>>) src(%dma_wait3A_53 : memref<128x32xf32, #tpu.memory_space<hbm>>) dst(%arg15 : memref<128x32xf32, #tpu.memory_space<vmem>>)
    %dma_wait3A_54 = arith.constant 0 : i32
    %dma_wait3A_55 = arith.constant 0 : i32
    %dma_wait3A_56 = tpu.memref_slice %arg2[%dma_wait3A_54, %dma_wait3A_55] : memref<10112x32xf32, #tpu.memory_space<hbm>> -> memref<128x32xf32, #tpu.memory_space<hbm>>
    %dma_wait3A_57 = arith.constant 0 : i32
    %dma_wait3A_58 = arith.constant 0 : i32
    %dma_wait3A_59 = tpu.memref_slice %arg2[%dma_wait3A_57, %dma_wait3A_58] : memref<10112x32xf32, #tpu.memory_space<hbm>> -> memref<128x32xf32, #tpu.memory_space<hbm>>
    tpu.wait_dma2 semaphore(%arg34 : memref<!tpu.dma_semaphore, #tpu.memory_space<semaphore_mem>>) src(%dma_wait3A_59 : memref<128x32xf32, #tpu.memory_space<hbm>>) dst(%arg16 : memref<128x32xf32, #tpu.memory_space<vmem>>)
    %barrier3A_60 = arith.constant 0 : index
    tpu.barrier barrier_id(%barrier3A_60)
    %mul3A_61 = arith.constant 632 : i32
    %mul3A_62 = arith.muli %arg1, %mul3A_61 : i32
    %mul3A_63 = arith.constant 632 : i32
    %mul3A_64 = arith.muli %arg1, %mul3A_63 : i32
    "tpu.region"() ({
      %run_scoped3A = tpu.sem_alloc : memref<!tpu.dma_semaphore, #tpu.memory_space<semaphore_mem>>
      %dma_start3A = arith.constant 0 : i32
      %dma_start3A_65 = tpu.memref_slice %arg6[%arg0, %mul3A_64, %dma_start3A] : memref<2x10112x32xf32, #tpu.memory_space<hbm>> -> memref<1x632x32xf32, #tpu.memory_space<hbm>>
      %dma_start3A_66 = tpu.memref_squeeze %dma_start3A_65 : memref<1x632x32xf32, #tpu.memory_space<hbm>> -> memref<632x32xf32, #tpu.memory_space<hbm>>
      %dma_start3A_67 = arith.constant 0 : i32
      %dma_start3A_68 = tpu.memref_slice %arg17[%mul3A_62, %dma_start3A_67] : memref<10112x32xf32, #tpu.memory_space<vmem_shared>> -> memref<632x32xf32, #tpu.memory_space<vmem_shared>>
      tpu.enqueue_dma source(%dma_start3A_68 : memref<632x32xf32, #tpu.memory_space<vmem_shared>>) target(%dma_start3A_66 : memref<632x32xf32, #tpu.memory_space<hbm>>) target_semaphore(%run_scoped3A : memref<!tpu.dma_semaphore, #tpu.memory_space<semaphore_mem>>)
      %dma_wait3A_69 = arith.constant 0 : i32
      %dma_wait3A_70 = tpu.memref_slice %arg6[%arg0, %mul3A_64, %dma_wait3A_69] : memref<2x10112x32xf32, #tpu.memory_space<hbm>> -> memref<1x632x32xf32, #tpu.memory_space<hbm>>
      %dma_wait3A_71 = tpu.memref_squeeze %dma_wait3A_70 : memref<1x632x32xf32, #tpu.memory_space<hbm>> -> memref<632x32xf32, #tpu.memory_space<hbm>>
      %dma_wait3A_72 = arith.constant 0 : i32
      %dma_wait3A_73 = tpu.memref_slice %arg17[%mul3A_62, %dma_wait3A_72] : memref<10112x32xf32, #tpu.memory_space<vmem_shared>> -> memref<632x32xf32, #tpu.memory_space<vmem_shared>>
      tpu.wait_dma2 semaphore(%run_scoped3A : memref<!tpu.dma_semaphore, #tpu.memory_space<semaphore_mem>>) src(%dma_wait3A_73 : memref<632x32xf32, #tpu.memory_space<vmem_shared>>) dst(%dma_wait3A_71 : memref<632x32xf32, #tpu.memory_space<hbm>>)
      tpu.yield
    }) : () -> ()
    return
  }
}

#map = affine_map<(d0, d1) -> (0, 0)>
#map1 = affine_map<(d0, d1) -> (0, 0, 0)>
module attributes {stable_mosaic.version = 14 : i64} {
  func.func @k(%arg0: i32, %arg1: i32, %arg2: memref<10112x32xf32, #tpu.memory_space<hbm>>, %arg3: memref<32x80x128xi32, #tpu.memory_space<hbm>>, %arg4: memref<32x80x128xi32, #tpu.memory_space<hbm>>, %arg5: memref<10112x32xf32, #tpu.memory_space<hbm>>, %arg6: memref<2x10112x32xf32, #tpu.memory_space<hbm>>, %arg7: memref<80x128xi32, #tpu.memory_space<vmem>>, %arg8: memref<80x128xi32, #tpu.memory_space<vmem>>, %arg9: memref<128x32xf32, #tpu.memory_space<vmem>>, %arg10: memref<128x32xf32, #tpu.memory_space<vmem>>, %arg11: memref<128x32xf32, #tpu.memory_space<vmem>>, %arg12: memref<128x32xf32, #tpu.memory_space<vmem>>, %arg13: memref<128x32xf32, #tpu.memory_space<vmem>>, %arg14: memref<128x32xf32, #tpu.memory_space<vmem>>, %arg15: memref<128x32xf32, #tpu.memory_space<vmem>>, %arg16: memref<128x32xf32, #tpu.memory_space<vmem>>, %arg17: memref<10112x32xf32, #tpu.memory_space<vmem_shared>>, %arg18: memref<10112x32xf32, #tpu.memory_space<vmem_shared>>, %arg19: memref<!tpu.dma_semaphore, #tpu.memory_space<semaphore_mem>>, %arg20: memref<!tpu.dma_semaphore, #tpu.memory_space<semaphore_mem>>, %arg21: memref<!tpu.dma_semaphore, #tpu.memory_space<semaphore_mem>>, %arg22: memref<!tpu.dma_semaphore, #tpu.memory_space<semaphore_mem>>, %arg23: memref<!tpu.dma_semaphore, #tpu.memory_space<semaphore_mem>>, %arg24: memref<!tpu.dma_semaphore, #tpu.memory_space<semaphore_mem>>, %arg25: memref<!tpu.dma_semaphore, #tpu.memory_space<semaphore_mem>>, %arg26: memref<!tpu.dma_semaphore, #tpu.memory_space<semaphore_mem>>, %arg27: memref<!tpu.dma_semaphore, #tpu.memory_space<semaphore_mem>>, %arg28: memref<!tpu.dma_semaphore, #tpu.memory_space<semaphore_mem>>, %arg29: memref<!tpu.dma_semaphore, #tpu.memory_space<semaphore_mem>>, %arg30: memref<!tpu.dma_semaphore, #tpu.memory_space<semaphore_mem>>, %arg31: memref<!tpu.dma_semaphore, #tpu.memory_space<semaphore_mem>>, %arg32: memref<!tpu.dma_semaphore, #tpu.memory_space<semaphore_mem>>, %arg33: memref<!tpu.dma_semaphore, #tpu.memory_space<semaphore_mem>>, %arg34: memref<!tpu.dma_semaphore, #tpu.memory_space<semaphore_mem>>) attributes {dimension_semantics = [#tpu.dimension_semantics<core_parallel>, #tpu.dimension_semantics<subcore_parallel>], iteration_bounds = array<i64: 2, 16>, scalar_prefetch = 0 : i64, scratch_operands = 28 : i64, tpu.core_type = #tpu.core_type<sc_vector_subcore>, window_params = [{transform_indices = #map}, {transform_indices = #map1}, {transform_indices = #map1}, {transform_indices = #map}, {transform_indices = #map1}]} {
    %mul3A = arith.constant 16 : i32
    %mul3A_0 = arith.muli %arg0, %mul3A : i32
    %add3A = arith.addi %mul3A_0, %arg1 : i32
    %mul3A_1 = arith.constant 632 : i32
    %mul3A_2 = arith.muli %arg1, %mul3A_1 : i32
    %mul3A_3 = arith.constant 632 : i32
    %mul3A_4 = arith.muli %arg1, %mul3A_3 : i32
    "tpu.region"() ({
      %run_scoped3A = tpu.sem_alloc : memref<!tpu.dma_semaphore, #tpu.memory_space<semaphore_mem>>
      %dma_start3A = arith.constant 0 : i32
      %dma_start3A_65 = tpu.memref_slice %arg17[%mul3A_4, %dma_start3A] : memref<10112x32xf32, #tpu.memory_space<vmem_shared>> -> memref<632x32xf32, #tpu.memory_space<vmem_shared>>
      %dma_start3A_66 = arith.constant 0 : i32
      %dma_start3A_67 = tpu.memref_slice %arg5[%mul3A_2, %dma_start3A_66] : memref<10112x32xf32, #tpu.memory_space<hbm>> -> memref<632x32xf32, #tpu.memory_space<hbm>>
      tpu.enqueue_dma source(%dma_start3A_67 : memref<632x32xf32, #tpu.memory_space<hbm>>) target(%dma_start3A_65 : memref<632x32xf32, #tpu.memory_space<vmem_shared>>) target_semaphore(%run_scoped3A : memref<!tpu.dma_semaphore, #tpu.memory_space<semaphore_mem>>)
      %dma_wait3A_68 = arith.constant 0 : i32
      %dma_wait3A_69 = tpu.memref_slice %arg17[%mul3A_4, %dma_wait3A_68] : memref<10112x32xf32, #tpu.memory_space<vmem_shared>> -> memref<632x32xf32, #tpu.memory_space<vmem_shared>>
      %dma_wait3A_70 = arith.constant 0 : i32
      %dma_wait3A_71 = tpu.memref_slice %arg5[%mul3A_2, %dma_wait3A_70] : memref<10112x32xf32, #tpu.memory_space<hbm>> -> memref<632x32xf32, #tpu.memory_space<hbm>>
      tpu.wait_dma2 semaphore(%run_scoped3A : memref<!tpu.dma_semaphore, #tpu.memory_space<semaphore_mem>>) src(%dma_wait3A_71 : memref<632x32xf32, #tpu.memory_space<hbm>>) dst(%dma_wait3A_69 : memref<632x32xf32, #tpu.memory_space<vmem_shared>>)
      tpu.yield
    }) : () -> ()
    %mul3A_5 = arith.constant 632 : i32
    %mul3A_6 = arith.muli %arg1, %mul3A_5 : i32
    %mul3A_7 = arith.constant 632 : i32
    %mul3A_8 = arith.muli %arg1, %mul3A_7 : i32
    "tpu.region"() ({
      %run_scoped3A = tpu.sem_alloc : memref<!tpu.dma_semaphore, #tpu.memory_space<semaphore_mem>>
      %dma_start3A = arith.constant 0 : i32
      %dma_start3A_65 = tpu.memref_slice %arg18[%mul3A_8, %dma_start3A] : memref<10112x32xf32, #tpu.memory_space<vmem_shared>> -> memref<632x32xf32, #tpu.memory_space<vmem_shared>>
      %dma_start3A_66 = arith.constant 0 : i32
      %dma_start3A_67 = tpu.memref_slice %arg2[%mul3A_6, %dma_start3A_66] : memref<10112x32xf32, #tpu.memory_space<hbm>> -> memref<632x32xf32, #tpu.memory_space<hbm>>
      tpu.enqueue_dma source(%dma_start3A_67 : memref<632x32xf32, #tpu.memory_space<hbm>>) target(%dma_start3A_65 : memref<632x32xf32, #tpu.memory_space<vmem_shared>>) target_semaphore(%run_scoped3A : memref<!tpu.dma_semaphore, #tpu.memory_space<semaphore_mem>>)
      %dma_wait3A_68 = arith.constant 0 : i32
      %dma_wait3A_69 = tpu.memref_slice %arg18[%mul3A_8, %dma_wait3A_68] : memref<10112x32xf32, #tpu.memory_space<vmem_shared>> -> memref<632x32xf32, #tpu.memory_space<vmem_shared>>
      %dma_wait3A_70 = arith.constant 0 : i32
      %dma_wait3A_71 = tpu.memref_slice %arg2[%mul3A_6, %dma_wait3A_70] : memref<10112x32xf32, #tpu.memory_space<hbm>> -> memref<632x32xf32, #tpu.memory_space<hbm>>
      tpu.wait_dma2 semaphore(%run_scoped3A : memref<!tpu.dma_semaphore, #tpu.memory_space<semaphore_mem>>) src(%dma_wait3A_71 : memref<632x32xf32, #tpu.memory_space<hbm>>) dst(%dma_wait3A_69 : memref<632x32xf32, #tpu.memory_space<vmem_shared>>)
      tpu.yield
    }) : () -> ()
    "tpu.region"() ({
      %run_scoped3A = tpu.sem_alloc : memref<!tpu.dma_semaphore, #tpu.memory_space<semaphore_mem>>
      %dma_start3A = arith.constant 0 : i32
      %dma_start3A_65 = arith.constant 0 : i32
      %dma_start3A_66 = tpu.memref_slice %arg3[%add3A, %dma_start3A, %dma_start3A_65] : memref<32x80x128xi32, #tpu.memory_space<hbm>> -> memref<1x80x128xi32, #tpu.memory_space<hbm>>
      %dma_start3A_67 = tpu.memref_squeeze %dma_start3A_66 : memref<1x80x128xi32, #tpu.memory_space<hbm>> -> memref<80x128xi32, #tpu.memory_space<hbm>>
      %dma_start3A_68 = arith.constant 0 : i32
      %dma_start3A_69 = arith.constant 0 : i32
      %dma_start3A_70 = tpu.memref_slice %arg3[%add3A, %dma_start3A_68, %dma_start3A_69] : memref<32x80x128xi32, #tpu.memory_space<hbm>> -> memref<1x80x128xi32, #tpu.memory_space<hbm>>
      %dma_start3A_71 = tpu.memref_squeeze %dma_start3A_70 : memref<1x80x128xi32, #tpu.memory_space<hbm>> -> memref<80x128xi32, #tpu.memory_space<hbm>>
      tpu.enqueue_dma source(%dma_start3A_71 : memref<80x128xi32, #tpu.memory_space<hbm>>) target(%arg7 : memref<80x128xi32, #tpu.memory_space<vmem>>) target_semaphore(%run_scoped3A : memref<!tpu.dma_semaphore, #tpu.memory_space<semaphore_mem>>)
      %dma_wait3A_72 = arith.constant 0 : i32
      %dma_wait3A_73 = arith.constant 0 : i32
      %dma_wait3A_74 = tpu.memref_slice %arg3[%add3A, %dma_wait3A_72, %dma_wait3A_73] : memref<32x80x128xi32, #tpu.memory_space<hbm>> -> memref<1x80x128xi32, #tpu.memory_space<hbm>>
      %dma_wait3A_75 = tpu.memref_squeeze %dma_wait3A_74 : memref<1x80x128xi32, #tpu.memory_space<hbm>> -> memref<80x128xi32, #tpu.memory_space<hbm>>
      %dma_wait3A_76 = arith.constant 0 : i32
      %dma_wait3A_77 = arith.constant 0 : i32
      %dma_wait3A_78 = tpu.memref_slice %arg3[%add3A, %dma_wait3A_76, %dma_wait3A_77] : memref<32x80x128xi32, #tpu.memory_space<hbm>> -> memref<1x80x128xi32, #tpu.memory_space<hbm>>
      %dma_wait3A_79 = tpu.memref_squeeze %dma_wait3A_78 : memref<1x80x128xi32, #tpu.memory_space<hbm>> -> memref<80x128xi32, #tpu.memory_space<hbm>>
      tpu.wait_dma2 semaphore(%run_scoped3A : memref<!tpu.dma_semaphore, #tpu.memory_space<semaphore_mem>>) src(%dma_wait3A_79 : memref<80x128xi32, #tpu.memory_space<hbm>>) dst(%arg7 : memref<80x128xi32, #tpu.memory_space<vmem>>)
      tpu.yield
    }) : () -> ()
    "tpu.region"() ({
      %run_scoped3A = tpu.sem_alloc : memref<!tpu.dma_semaphore, #tpu.memory_space<semaphore_mem>>
      %dma_start3A = arith.constant 0 : i32
      %dma_start3A_65 = arith.constant 0 : i32
      %dma_start3A_66 = tpu.memref_slice %arg4[%add3A, %dma_start3A, %dma_start3A_65] : memref<32x80x128xi32, #tpu.memory_space<hbm>> -> memref<1x80x128xi32, #tpu.memory_space<hbm>>
      %dma_start3A_67 = tpu.memref_squeeze %dma_start3A_66 : memref<1x80x128xi32, #tpu.memory_space<hbm>> -> memref<80x128xi32, #tpu.memory_space<hbm>>
      %dma_start3A_68 = arith.constant 0 : i32
      %dma_start3A_69 = arith.constant 0 : i32
      %dma_start3A_70 = tpu.memref_slice %arg4[%add3A, %dma_start3A_68, %dma_start3A_69] : memref<32x80x128xi32, #tpu.memory_space<hbm>> -> memref<1x80x128xi32, #tpu.memory_space<hbm>>
      %dma_start3A_71 = tpu.memref_squeeze %dma_start3A_70 : memref<1x80x128xi32, #tpu.memory_space<hbm>> -> memref<80x128xi32, #tpu.memory_space<hbm>>
      tpu.enqueue_dma source(%dma_start3A_71 : memref<80x128xi32, #tpu.memory_space<hbm>>) target(%arg8 : memref<80x128xi32, #tpu.memory_space<vmem>>) target_semaphore(%run_scoped3A : memref<!tpu.dma_semaphore, #tpu.memory_space<semaphore_mem>>)
      %dma_wait3A_72 = arith.constant 0 : i32
      %dma_wait3A_73 = arith.constant 0 : i32
      %dma_wait3A_74 = tpu.memref_slice %arg4[%add3A, %dma_wait3A_72, %dma_wait3A_73] : memref<32x80x128xi32, #tpu.memory_space<hbm>> -> memref<1x80x128xi32, #tpu.memory_space<hbm>>
      %dma_wait3A_75 = tpu.memref_squeeze %dma_wait3A_74 : memref<1x80x128xi32, #tpu.memory_space<hbm>> -> memref<80x128xi32, #tpu.memory_space<hbm>>
      %dma_wait3A_76 = arith.constant 0 : i32
      %dma_wait3A_77 = arith.constant 0 : i32
      %dma_wait3A_78 = tpu.memref_slice %arg4[%add3A, %dma_wait3A_76, %dma_wait3A_77] : memref<32x80x128xi32, #tpu.memory_space<hbm>> -> memref<1x80x128xi32, #tpu.memory_space<hbm>>
      %dma_wait3A_79 = tpu.memref_squeeze %dma_wait3A_78 : memref<1x80x128xi32, #tpu.memory_space<hbm>> -> memref<80x128xi32, #tpu.memory_space<hbm>>
      tpu.wait_dma2 semaphore(%run_scoped3A : memref<!tpu.dma_semaphore, #tpu.memory_space<semaphore_mem>>) src(%dma_wait3A_79 : memref<80x128xi32, #tpu.memory_space<hbm>>) dst(%arg8 : memref<80x128xi32, #tpu.memory_space<vmem>>)
      tpu.yield
    }) : () -> ()
    %barrier3A = arith.constant 0 : index
    tpu.barrier barrier_id(%barrier3A)
    %scan3A = arith.constant 0 : i32
    %scan3A_9 = arith.constant 10 : i32
    %scan3A_10 = arith.addi %scan3A, %scan3A_9 : i32
    %scan3A_11 = arith.constant 1 : i32
    scf.for %scan3A_65 = %scan3A to %scan3A_10 step %scan3A_11  : i32 {
      %mul3A_66 = arith.constant 8 : i32
      %mul3A_67 = arith.muli %scan3A_65, %mul3A_66 : i32
      %gt3A = arith.constant 0 : i32
      %gt3A_68 = arith.cmpi sgt, %scan3A_65, %gt3A : i32
      %convert_element_type3A = arith.extui %gt3A_68 : i1 to i32
      %cond3A = arith.constant 0 : i32
      %cond3A_69 = arith.cmpi ne, %convert_element_type3A, %cond3A : i32
      scf.if %cond3A_69 {
        %dma_wait3A_280 = arith.constant 0 : i32
        %dma_wait3A_281 = arith.constant 0 : i32
        %dma_wait3A_282 = tpu.memref_slice %arg2[%dma_wait3A_280, %dma_wait3A_281] : memref<10112x32xf32, #tpu.memory_space<hbm>> -> memref<128x32xf32, #tpu.memory_space<hbm>>
        %dma_wait3A_283 = arith.constant 0 : i32
        %dma_wait3A_284 = arith.constant 0 : i32
        %dma_wait3A_285 = tpu.memref_slice %arg2[%dma_wait3A_283, %dma_wait3A_284] : memref<10112x32xf32, #tpu.memory_space<hbm>> -> memref<128x32xf32, #tpu.memory_space<hbm>>
        tpu.wait_dma2 semaphore(%arg27 : memref<!tpu.dma_semaphore, #tpu.memory_space<semaphore_mem>>) src(%dma_wait3A_285 : memref<128x32xf32, #tpu.memory_space<hbm>>) dst(%arg9 : memref<128x32xf32, #tpu.memory_space<vmem>>)
      } else {
      }
      %add3A_70 = arith.constant 0 : i32
      %add3A_71 = arith.addi %mul3A_67, %add3A_70 : i32
      %dma_start3A = arith.constant 0 : i32
      %dma_start3A_72 = tpu.memref_slice %arg7[%add3A_71, %dma_start3A] : memref<80x128xi32, #tpu.memory_space<vmem>> -> memref<1x128xi32, #tpu.memory_space<vmem>>
      %dma_start3A_73 = tpu.memref_squeeze %dma_start3A_72 : memref<1x128xi32, #tpu.memory_space<vmem>> -> memref<128xi32, #tpu.memory_space<vmem>>
      %dma_start3A_74 = arith.constant 0 : i32
      %dma_start3A_75 = arith.constant 0 : i32
      %dma_start3A_76 = tpu.memref_slice %arg18[%dma_start3A_74, %dma_start3A_75] : memref<10112x32xf32, #tpu.memory_space<vmem_shared>> -> memref<10112x32xf32, #tpu.memory_space<vmem_shared>>
      tpu.enqueue_indirect_dma source(%dma_start3A_76 : memref<10112x32xf32, #tpu.memory_space<vmem_shared>>) target(%arg9 : memref<128x32xf32, #tpu.memory_space<vmem>>) offsets(%dma_start3A_73 : memref<128xi32, #tpu.memory_space<vmem>>) semaphore(%arg19 : memref<!tpu.dma_semaphore, #tpu.memory_space<semaphore_mem>>)
      %gt3A_77 = arith.constant 0 : i32
      %gt3A_78 = arith.cmpi sgt, %scan3A_65, %gt3A_77 : i32
      %convert_element_type3A_79 = arith.extui %gt3A_78 : i1 to i32
      %cond3A_80 = arith.constant 0 : i32
      %cond3A_81 = arith.cmpi ne, %convert_element_type3A_79, %cond3A_80 : i32
      scf.if %cond3A_81 {
        %dma_wait3A_280 = arith.constant 0 : i32
        %dma_wait3A_281 = arith.constant 0 : i32
        %dma_wait3A_282 = tpu.memref_slice %arg2[%dma_wait3A_280, %dma_wait3A_281] : memref<10112x32xf32, #tpu.memory_space<hbm>> -> memref<128x32xf32, #tpu.memory_space<hbm>>
        %dma_wait3A_283 = arith.constant 0 : i32
        %dma_wait3A_284 = arith.constant 0 : i32
        %dma_wait3A_285 = tpu.memref_slice %arg2[%dma_wait3A_283, %dma_wait3A_284] : memref<10112x32xf32, #tpu.memory_space<hbm>> -> memref<128x32xf32, #tpu.memory_space<hbm>>
        tpu.wait_dma2 semaphore(%arg28 : memref<!tpu.dma_semaphore, #tpu.memory_space<semaphore_mem>>) src(%dma_wait3A_285 : memref<128x32xf32, #tpu.memory_space<hbm>>) dst(%arg10 : memref<128x32xf32, #tpu.memory_space<vmem>>)
      } else {
      }
      %add3A_82 = arith.constant 1 : i32
      %add3A_83 = arith.addi %mul3A_67, %add3A_82 : i32
      %dma_start3A_84 = arith.constant 0 : i32
      %dma_start3A_85 = tpu.memref_slice %arg7[%add3A_83, %dma_start3A_84] : memref<80x128xi32, #tpu.memory_space<vmem>> -> memref<1x128xi32, #tpu.memory_space<vmem>>
      %dma_start3A_86 = tpu.memref_squeeze %dma_start3A_85 : memref<1x128xi32, #tpu.memory_space<vmem>> -> memref<128xi32, #tpu.memory_space<vmem>>
      %dma_start3A_87 = arith.constant 0 : i32
      %dma_start3A_88 = arith.constant 0 : i32
      %dma_start3A_89 = tpu.memref_slice %arg18[%dma_start3A_87, %dma_start3A_88] : memref<10112x32xf32, #tpu.memory_space<vmem_shared>> -> memref<10112x32xf32, #tpu.memory_space<vmem_shared>>
      tpu.enqueue_indirect_dma source(%dma_start3A_89 : memref<10112x32xf32, #tpu.memory_space<vmem_shared>>) target(%arg10 : memref<128x32xf32, #tpu.memory_space<vmem>>) offsets(%dma_start3A_86 : memref<128xi32, #tpu.memory_space<vmem>>) semaphore(%arg20 : memref<!tpu.dma_semaphore, #tpu.memory_space<semaphore_mem>>)
      %gt3A_90 = arith.constant 0 : i32
      %gt3A_91 = arith.cmpi sgt, %scan3A_65, %gt3A_90 : i32
      %convert_element_type3A_92 = arith.extui %gt3A_91 : i1 to i32
      %cond3A_93 = arith.constant 0 : i32
      %cond3A_94 = arith.cmpi ne, %convert_element_type3A_92, %cond3A_93 : i32
      scf.if %cond3A_94 {
        %dma_wait3A_280 = arith.constant 0 : i32
        %dma_wait3A_281 = arith.constant 0 : i32
        %dma_wait3A_282 = tpu.memref_slice %arg2[%dma_wait3A_280, %dma_wait3A_281] : memref<10112x32xf32, #tpu.memory_space<hbm>> -> memref<128x32xf32, #tpu.memory_space<hbm>>
        %dma_wait3A_283 = arith.constant 0 : i32
        %dma_wait3A_284 = arith.constant 0 : i32
        %dma_wait3A_285 = tpu.memref_slice %arg2[%dma_wait3A_283, %dma_wait3A_284] : memref<10112x32xf32, #tpu.memory_space<hbm>> -> memref<128x32xf32, #tpu.memory_space<hbm>>
        tpu.wait_dma2 semaphore(%arg29 : memref<!tpu.dma_semaphore, #tpu.memory_space<semaphore_mem>>) src(%dma_wait3A_285 : memref<128x32xf32, #tpu.memory_space<hbm>>) dst(%arg11 : memref<128x32xf32, #tpu.memory_space<vmem>>)
      } else {
      }
      %add3A_95 = arith.constant 2 : i32
      %add3A_96 = arith.addi %mul3A_67, %add3A_95 : i32
      %dma_start3A_97 = arith.constant 0 : i32
      %dma_start3A_98 = tpu.memref_slice %arg7[%add3A_96, %dma_start3A_97] : memref<80x128xi32, #tpu.memory_space<vmem>> -> memref<1x128xi32, #tpu.memory_space<vmem>>
      %dma_start3A_99 = tpu.memref_squeeze %dma_start3A_98 : memref<1x128xi32, #tpu.memory_space<vmem>> -> memref<128xi32, #tpu.memory_space<vmem>>
      %dma_start3A_100 = arith.constant 0 : i32
      %dma_start3A_101 = arith.constant 0 : i32
      %dma_start3A_102 = tpu.memref_slice %arg18[%dma_start3A_100, %dma_start3A_101] : memref<10112x32xf32, #tpu.memory_space<vmem_shared>> -> memref<10112x32xf32, #tpu.memory_space<vmem_shared>>
      tpu.enqueue_indirect_dma source(%dma_start3A_102 : memref<10112x32xf32, #tpu.memory_space<vmem_shared>>) target(%arg11 : memref<128x32xf32, #tpu.memory_space<vmem>>) offsets(%dma_start3A_99 : memref<128xi32, #tpu.memory_space<vmem>>) semaphore(%arg21 : memref<!tpu.dma_semaphore, #tpu.memory_space<semaphore_mem>>)
      %gt3A_103 = arith.constant 0 : i32
      %gt3A_104 = arith.cmpi sgt, %scan3A_65, %gt3A_103 : i32
      %convert_element_type3A_105 = arith.extui %gt3A_104 : i1 to i32
      %cond3A_106 = arith.constant 0 : i32
      %cond3A_107 = arith.cmpi ne, %convert_element_type3A_105, %cond3A_106 : i32
      scf.if %cond3A_107 {
        %dma_wait3A_280 = arith.constant 0 : i32
        %dma_wait3A_281 = arith.constant 0 : i32
        %dma_wait3A_282 = tpu.memref_slice %arg2[%dma_wait3A_280, %dma_wait3A_281] : memref<10112x32xf32, #tpu.memory_space<hbm>> -> memref<128x32xf32, #tpu.memory_space<hbm>>
        %dma_wait3A_283 = arith.constant 0 : i32
        %dma_wait3A_284 = arith.constant 0 : i32
        %dma_wait3A_285 = tpu.memref_slice %arg2[%dma_wait3A_283, %dma_wait3A_284] : memref<10112x32xf32, #tpu.memory_space<hbm>> -> memref<128x32xf32, #tpu.memory_space<hbm>>
        tpu.wait_dma2 semaphore(%arg30 : memref<!tpu.dma_semaphore, #tpu.memory_space<semaphore_mem>>) src(%dma_wait3A_285 : memref<128x32xf32, #tpu.memory_space<hbm>>) dst(%arg12 : memref<128x32xf32, #tpu.memory_space<vmem>>)
      } else {
      }
      %add3A_108 = arith.constant 3 : i32
      %add3A_109 = arith.addi %mul3A_67, %add3A_108 : i32
      %dma_start3A_110 = arith.constant 0 : i32
      %dma_start3A_111 = tpu.memref_slice %arg7[%add3A_109, %dma_start3A_110] : memref<80x128xi32, #tpu.memory_space<vmem>> -> memref<1x128xi32, #tpu.memory_space<vmem>>
      %dma_start3A_112 = tpu.memref_squeeze %dma_start3A_111 : memref<1x128xi32, #tpu.memory_space<vmem>> -> memref<128xi32, #tpu.memory_space<vmem>>
      %dma_start3A_113 = arith.constant 0 : i32
      %dma_start3A_114 = arith.constant 0 : i32
      %dma_start3A_115 = tpu.memref_slice %arg18[%dma_start3A_113, %dma_start3A_114] : memref<10112x32xf32, #tpu.memory_space<vmem_shared>> -> memref<10112x32xf32, #tpu.memory_space<vmem_shared>>
      tpu.enqueue_indirect_dma source(%dma_start3A_115 : memref<10112x32xf32, #tpu.memory_space<vmem_shared>>) target(%arg12 : memref<128x32xf32, #tpu.memory_space<vmem>>) offsets(%dma_start3A_112 : memref<128xi32, #tpu.memory_space<vmem>>) semaphore(%arg22 : memref<!tpu.dma_semaphore, #tpu.memory_space<semaphore_mem>>)
      %gt3A_116 = arith.constant 0 : i32
      %gt3A_117 = arith.cmpi sgt, %scan3A_65, %gt3A_116 : i32
      %convert_element_type3A_118 = arith.extui %gt3A_117 : i1 to i32
      %cond3A_119 = arith.constant 0 : i32
      %cond3A_120 = arith.cmpi ne, %convert_element_type3A_118, %cond3A_119 : i32
      scf.if %cond3A_120 {
        %dma_wait3A_280 = arith.constant 0 : i32
        %dma_wait3A_281 = arith.constant 0 : i32
        %dma_wait3A_282 = tpu.memref_slice %arg2[%dma_wait3A_280, %dma_wait3A_281] : memref<10112x32xf32, #tpu.memory_space<hbm>> -> memref<128x32xf32, #tpu.memory_space<hbm>>
        %dma_wait3A_283 = arith.constant 0 : i32
        %dma_wait3A_284 = arith.constant 0 : i32
        %dma_wait3A_285 = tpu.memref_slice %arg2[%dma_wait3A_283, %dma_wait3A_284] : memref<10112x32xf32, #tpu.memory_space<hbm>> -> memref<128x32xf32, #tpu.memory_space<hbm>>
        tpu.wait_dma2 semaphore(%arg31 : memref<!tpu.dma_semaphore, #tpu.memory_space<semaphore_mem>>) src(%dma_wait3A_285 : memref<128x32xf32, #tpu.memory_space<hbm>>) dst(%arg13 : memref<128x32xf32, #tpu.memory_space<vmem>>)
      } else {
      }
      %add3A_121 = arith.constant 4 : i32
      %add3A_122 = arith.addi %mul3A_67, %add3A_121 : i32
      %dma_start3A_123 = arith.constant 0 : i32
      %dma_start3A_124 = tpu.memref_slice %arg7[%add3A_122, %dma_start3A_123] : memref<80x128xi32, #tpu.memory_space<vmem>> -> memref<1x128xi32, #tpu.memory_space<vmem>>
      %dma_start3A_125 = tpu.memref_squeeze %dma_start3A_124 : memref<1x128xi32, #tpu.memory_space<vmem>> -> memref<128xi32, #tpu.memory_space<vmem>>
      %dma_start3A_126 = arith.constant 0 : i32
      %dma_start3A_127 = arith.constant 0 : i32
      %dma_start3A_128 = tpu.memref_slice %arg18[%dma_start3A_126, %dma_start3A_127] : memref<10112x32xf32, #tpu.memory_space<vmem_shared>> -> memref<10112x32xf32, #tpu.memory_space<vmem_shared>>
      tpu.enqueue_indirect_dma source(%dma_start3A_128 : memref<10112x32xf32, #tpu.memory_space<vmem_shared>>) target(%arg13 : memref<128x32xf32, #tpu.memory_space<vmem>>) offsets(%dma_start3A_125 : memref<128xi32, #tpu.memory_space<vmem>>) semaphore(%arg23 : memref<!tpu.dma_semaphore, #tpu.memory_space<semaphore_mem>>)
      %gt3A_129 = arith.constant 0 : i32
      %gt3A_130 = arith.cmpi sgt, %scan3A_65, %gt3A_129 : i32
      %convert_element_type3A_131 = arith.extui %gt3A_130 : i1 to i32
      %cond3A_132 = arith.constant 0 : i32
      %cond3A_133 = arith.cmpi ne, %convert_element_type3A_131, %cond3A_132 : i32
      scf.if %cond3A_133 {
        %dma_wait3A_280 = arith.constant 0 : i32
        %dma_wait3A_281 = arith.constant 0 : i32
        %dma_wait3A_282 = tpu.memref_slice %arg2[%dma_wait3A_280, %dma_wait3A_281] : memref<10112x32xf32, #tpu.memory_space<hbm>> -> memref<128x32xf32, #tpu.memory_space<hbm>>
        %dma_wait3A_283 = arith.constant 0 : i32
        %dma_wait3A_284 = arith.constant 0 : i32
        %dma_wait3A_285 = tpu.memref_slice %arg2[%dma_wait3A_283, %dma_wait3A_284] : memref<10112x32xf32, #tpu.memory_space<hbm>> -> memref<128x32xf32, #tpu.memory_space<hbm>>
        tpu.wait_dma2 semaphore(%arg32 : memref<!tpu.dma_semaphore, #tpu.memory_space<semaphore_mem>>) src(%dma_wait3A_285 : memref<128x32xf32, #tpu.memory_space<hbm>>) dst(%arg14 : memref<128x32xf32, #tpu.memory_space<vmem>>)
      } else {
      }
      %add3A_134 = arith.constant 5 : i32
      %add3A_135 = arith.addi %mul3A_67, %add3A_134 : i32
      %dma_start3A_136 = arith.constant 0 : i32
      %dma_start3A_137 = tpu.memref_slice %arg7[%add3A_135, %dma_start3A_136] : memref<80x128xi32, #tpu.memory_space<vmem>> -> memref<1x128xi32, #tpu.memory_space<vmem>>
      %dma_start3A_138 = tpu.memref_squeeze %dma_start3A_137 : memref<1x128xi32, #tpu.memory_space<vmem>> -> memref<128xi32, #tpu.memory_space<vmem>>
      %dma_start3A_139 = arith.constant 0 : i32
      %dma_start3A_140 = arith.constant 0 : i32
      %dma_start3A_141 = tpu.memref_slice %arg18[%dma_start3A_139, %dma_start3A_140] : memref<10112x32xf32, #tpu.memory_space<vmem_shared>> -> memref<10112x32xf32, #tpu.memory_space<vmem_shared>>
      tpu.enqueue_indirect_dma source(%dma_start3A_141 : memref<10112x32xf32, #tpu.memory_space<vmem_shared>>) target(%arg14 : memref<128x32xf32, #tpu.memory_space<vmem>>) offsets(%dma_start3A_138 : memref<128xi32, #tpu.memory_space<vmem>>) semaphore(%arg24 : memref<!tpu.dma_semaphore, #tpu.memory_space<semaphore_mem>>)
      %gt3A_142 = arith.constant 0 : i32
      %gt3A_143 = arith.cmpi sgt, %scan3A_65, %gt3A_142 : i32
      %convert_element_type3A_144 = arith.extui %gt3A_143 : i1 to i32
      %cond3A_145 = arith.constant 0 : i32
      %cond3A_146 = arith.cmpi ne, %convert_element_type3A_144, %cond3A_145 : i32
      scf.if %cond3A_146 {
        %dma_wait3A_280 = arith.constant 0 : i32
        %dma_wait3A_281 = arith.constant 0 : i32
        %dma_wait3A_282 = tpu.memref_slice %arg2[%dma_wait3A_280, %dma_wait3A_281] : memref<10112x32xf32, #tpu.memory_space<hbm>> -> memref<128x32xf32, #tpu.memory_space<hbm>>
        %dma_wait3A_283 = arith.constant 0 : i32
        %dma_wait3A_284 = arith.constant 0 : i32
        %dma_wait3A_285 = tpu.memref_slice %arg2[%dma_wait3A_283, %dma_wait3A_284] : memref<10112x32xf32, #tpu.memory_space<hbm>> -> memref<128x32xf32, #tpu.memory_space<hbm>>
        tpu.wait_dma2 semaphore(%arg33 : memref<!tpu.dma_semaphore, #tpu.memory_space<semaphore_mem>>) src(%dma_wait3A_285 : memref<128x32xf32, #tpu.memory_space<hbm>>) dst(%arg15 : memref<128x32xf32, #tpu.memory_space<vmem>>)
      } else {
      }
      %add3A_147 = arith.constant 6 : i32
      %add3A_148 = arith.addi %mul3A_67, %add3A_147 : i32
      %dma_start3A_149 = arith.constant 0 : i32
      %dma_start3A_150 = tpu.memref_slice %arg7[%add3A_148, %dma_start3A_149] : memref<80x128xi32, #tpu.memory_space<vmem>> -> memref<1x128xi32, #tpu.memory_space<vmem>>
      %dma_start3A_151 = tpu.memref_squeeze %dma_start3A_150 : memref<1x128xi32, #tpu.memory_space<vmem>> -> memref<128xi32, #tpu.memory_space<vmem>>
      %dma_start3A_152 = arith.constant 0 : i32
      %dma_start3A_153 = arith.constant 0 : i32
      %dma_start3A_154 = tpu.memref_slice %arg18[%dma_start3A_152, %dma_start3A_153] : memref<10112x32xf32, #tpu.memory_space<vmem_shared>> -> memref<10112x32xf32, #tpu.memory_space<vmem_shared>>
      tpu.enqueue_indirect_dma source(%dma_start3A_154 : memref<10112x32xf32, #tpu.memory_space<vmem_shared>>) target(%arg15 : memref<128x32xf32, #tpu.memory_space<vmem>>) offsets(%dma_start3A_151 : memref<128xi32, #tpu.memory_space<vmem>>) semaphore(%arg25 : memref<!tpu.dma_semaphore, #tpu.memory_space<semaphore_mem>>)
      %gt3A_155 = arith.constant 0 : i32
      %gt3A_156 = arith.cmpi sgt, %scan3A_65, %gt3A_155 : i32
      %convert_element_type3A_157 = arith.extui %gt3A_156 : i1 to i32
      %cond3A_158 = arith.constant 0 : i32
      %cond3A_159 = arith.cmpi ne, %convert_element_type3A_157, %cond3A_158 : i32
      scf.if %cond3A_159 {
        %dma_wait3A_280 = arith.constant 0 : i32
        %dma_wait3A_281 = arith.constant 0 : i32
        %dma_wait3A_282 = tpu.memref_slice %arg2[%dma_wait3A_280, %dma_wait3A_281] : memref<10112x32xf32, #tpu.memory_space<hbm>> -> memref<128x32xf32, #tpu.memory_space<hbm>>
        %dma_wait3A_283 = arith.constant 0 : i32
        %dma_wait3A_284 = arith.constant 0 : i32
        %dma_wait3A_285 = tpu.memref_slice %arg2[%dma_wait3A_283, %dma_wait3A_284] : memref<10112x32xf32, #tpu.memory_space<hbm>> -> memref<128x32xf32, #tpu.memory_space<hbm>>
        tpu.wait_dma2 semaphore(%arg34 : memref<!tpu.dma_semaphore, #tpu.memory_space<semaphore_mem>>) src(%dma_wait3A_285 : memref<128x32xf32, #tpu.memory_space<hbm>>) dst(%arg16 : memref<128x32xf32, #tpu.memory_space<vmem>>)
      } else {
      }
      %add3A_160 = arith.constant 7 : i32
      %add3A_161 = arith.addi %mul3A_67, %add3A_160 : i32
      %dma_start3A_162 = arith.constant 0 : i32
      %dma_start3A_163 = tpu.memref_slice %arg7[%add3A_161, %dma_start3A_162] : memref<80x128xi32, #tpu.memory_space<vmem>> -> memref<1x128xi32, #tpu.memory_space<vmem>>
      %dma_start3A_164 = tpu.memref_squeeze %dma_start3A_163 : memref<1x128xi32, #tpu.memory_space<vmem>> -> memref<128xi32, #tpu.memory_space<vmem>>
      %dma_start3A_165 = arith.constant 0 : i32
      %dma_start3A_166 = arith.constant 0 : i32
      %dma_start3A_167 = tpu.memref_slice %arg18[%dma_start3A_165, %dma_start3A_166] : memref<10112x32xf32, #tpu.memory_space<vmem_shared>> -> memref<10112x32xf32, #tpu.memory_space<vmem_shared>>
      tpu.enqueue_indirect_dma source(%dma_start3A_167 : memref<10112x32xf32, #tpu.memory_space<vmem_shared>>) target(%arg16 : memref<128x32xf32, #tpu.memory_space<vmem>>) offsets(%dma_start3A_164 : memref<128xi32, #tpu.memory_space<vmem>>) semaphore(%arg26 : memref<!tpu.dma_semaphore, #tpu.memory_space<semaphore_mem>>)
      %dma_wait3A_168 = arith.constant 0 : i32
      %dma_wait3A_169 = tpu.memref_slice %arg7[%add3A_71, %dma_wait3A_168] : memref<80x128xi32, #tpu.memory_space<vmem>> -> memref<1x128xi32, #tpu.memory_space<vmem>>
      %dma_wait3A_170 = tpu.memref_squeeze %dma_wait3A_169 : memref<1x128xi32, #tpu.memory_space<vmem>> -> memref<128xi32, #tpu.memory_space<vmem>>
      %dma_wait3A_171 = arith.constant 0 : i32
      %dma_wait3A_172 = arith.constant 0 : i32
      %dma_wait3A_173 = tpu.memref_slice %arg18[%dma_wait3A_171, %dma_wait3A_172] : memref<10112x32xf32, #tpu.memory_space<vmem_shared>> -> memref<10112x32xf32, #tpu.memory_space<vmem_shared>>
      tpu.wait_indirect_dma semaphore(%arg19 : memref<!tpu.dma_semaphore, #tpu.memory_space<semaphore_mem>>) src(%dma_wait3A_173 : memref<10112x32xf32, #tpu.memory_space<vmem_shared>>) dst(%arg9 : memref<128x32xf32, #tpu.memory_space<vmem>>)
      %add3A_174 = arith.constant 0 : i32
      %add3A_175 = arith.addi %mul3A_67, %add3A_174 : i32
      %dma_start3A_176 = arith.constant 0 : i32
      %dma_start3A_177 = tpu.memref_slice %arg8[%add3A_175, %dma_start3A_176] : memref<80x128xi32, #tpu.memory_space<vmem>> -> memref<1x128xi32, #tpu.memory_space<vmem>>
      %dma_start3A_178 = tpu.memref_squeeze %dma_start3A_177 : memref<1x128xi32, #tpu.memory_space<vmem>> -> memref<128xi32, #tpu.memory_space<vmem>>
      %dma_start3A_179 = arith.constant 0 : i32
      %dma_start3A_180 = arith.constant 0 : i32
      %dma_start3A_181 = tpu.memref_slice %arg17[%dma_start3A_179, %dma_start3A_180] : memref<10112x32xf32, #tpu.memory_space<vmem_shared>> -> memref<10112x32xf32, #tpu.memory_space<vmem_shared>>
      tpu.enqueue_indirect_dma source(%arg9 : memref<128x32xf32, #tpu.memory_space<vmem>>) target(%dma_start3A_181 : memref<10112x32xf32, #tpu.memory_space<vmem_shared>>) offsets(%dma_start3A_178 : memref<128xi32, #tpu.memory_space<vmem>>) semaphore(%arg27 : memref<!tpu.dma_semaphore, #tpu.memory_space<semaphore_mem>>) {add = true}
      %dma_wait3A_182 = arith.constant 0 : i32
      %dma_wait3A_183 = tpu.memref_slice %arg7[%add3A_83, %dma_wait3A_182] : memref<80x128xi32, #tpu.memory_space<vmem>> -> memref<1x128xi32, #tpu.memory_space<vmem>>
      %dma_wait3A_184 = tpu.memref_squeeze %dma_wait3A_183 : memref<1x128xi32, #tpu.memory_space<vmem>> -> memref<128xi32, #tpu.memory_space<vmem>>
      %dma_wait3A_185 = arith.constant 0 : i32
      %dma_wait3A_186 = arith.constant 0 : i32
      %dma_wait3A_187 = tpu.memref_slice %arg18[%dma_wait3A_185, %dma_wait3A_186] : memref<10112x32xf32, #tpu.memory_space<vmem_shared>> -> memref<10112x32xf32, #tpu.memory_space<vmem_shared>>
      tpu.wait_indirect_dma semaphore(%arg20 : memref<!tpu.dma_semaphore, #tpu.memory_space<semaphore_mem>>) src(%dma_wait3A_187 : memref<10112x32xf32, #tpu.memory_space<vmem_shared>>) dst(%arg10 : memref<128x32xf32, #tpu.memory_space<vmem>>)
      %add3A_188 = arith.constant 1 : i32
      %add3A_189 = arith.addi %mul3A_67, %add3A_188 : i32
      %dma_start3A_190 = arith.constant 0 : i32
      %dma_start3A_191 = tpu.memref_slice %arg8[%add3A_189, %dma_start3A_190] : memref<80x128xi32, #tpu.memory_space<vmem>> -> memref<1x128xi32, #tpu.memory_space<vmem>>
      %dma_start3A_192 = tpu.memref_squeeze %dma_start3A_191 : memref<1x128xi32, #tpu.memory_space<vmem>> -> memref<128xi32, #tpu.memory_space<vmem>>
      %dma_start3A_193 = arith.constant 0 : i32
      %dma_start3A_194 = arith.constant 0 : i32
      %dma_start3A_195 = tpu.memref_slice %arg17[%dma_start3A_193, %dma_start3A_194] : memref<10112x32xf32, #tpu.memory_space<vmem_shared>> -> memref<10112x32xf32, #tpu.memory_space<vmem_shared>>
      tpu.enqueue_indirect_dma source(%arg10 : memref<128x32xf32, #tpu.memory_space<vmem>>) target(%dma_start3A_195 : memref<10112x32xf32, #tpu.memory_space<vmem_shared>>) offsets(%dma_start3A_192 : memref<128xi32, #tpu.memory_space<vmem>>) semaphore(%arg28 : memref<!tpu.dma_semaphore, #tpu.memory_space<semaphore_mem>>) {add = true}
      %dma_wait3A_196 = arith.constant 0 : i32
      %dma_wait3A_197 = tpu.memref_slice %arg7[%add3A_96, %dma_wait3A_196] : memref<80x128xi32, #tpu.memory_space<vmem>> -> memref<1x128xi32, #tpu.memory_space<vmem>>
      %dma_wait3A_198 = tpu.memref_squeeze %dma_wait3A_197 : memref<1x128xi32, #tpu.memory_space<vmem>> -> memref<128xi32, #tpu.memory_space<vmem>>
      %dma_wait3A_199 = arith.constant 0 : i32
      %dma_wait3A_200 = arith.constant 0 : i32
      %dma_wait3A_201 = tpu.memref_slice %arg18[%dma_wait3A_199, %dma_wait3A_200] : memref<10112x32xf32, #tpu.memory_space<vmem_shared>> -> memref<10112x32xf32, #tpu.memory_space<vmem_shared>>
      tpu.wait_indirect_dma semaphore(%arg21 : memref<!tpu.dma_semaphore, #tpu.memory_space<semaphore_mem>>) src(%dma_wait3A_201 : memref<10112x32xf32, #tpu.memory_space<vmem_shared>>) dst(%arg11 : memref<128x32xf32, #tpu.memory_space<vmem>>)
      %add3A_202 = arith.constant 2 : i32
      %add3A_203 = arith.addi %mul3A_67, %add3A_202 : i32
      %dma_start3A_204 = arith.constant 0 : i32
      %dma_start3A_205 = tpu.memref_slice %arg8[%add3A_203, %dma_start3A_204] : memref<80x128xi32, #tpu.memory_space<vmem>> -> memref<1x128xi32, #tpu.memory_space<vmem>>
      %dma_start3A_206 = tpu.memref_squeeze %dma_start3A_205 : memref<1x128xi32, #tpu.memory_space<vmem>> -> memref<128xi32, #tpu.memory_space<vmem>>
      %dma_start3A_207 = arith.constant 0 : i32
      %dma_start3A_208 = arith.constant 0 : i32
      %dma_start3A_209 = tpu.memref_slice %arg17[%dma_start3A_207, %dma_start3A_208] : memref<10112x32xf32, #tpu.memory_space<vmem_shared>> -> memref<10112x32xf32, #tpu.memory_space<vmem_shared>>
      tpu.enqueue_indirect_dma source(%arg11 : memref<128x32xf32, #tpu.memory_space<vmem>>) target(%dma_start3A_209 : memref<10112x32xf32, #tpu.memory_space<vmem_shared>>) offsets(%dma_start3A_206 : memref<128xi32, #tpu.memory_space<vmem>>) semaphore(%arg29 : memref<!tpu.dma_semaphore, #tpu.memory_space<semaphore_mem>>) {add = true}
      %dma_wait3A_210 = arith.constant 0 : i32
      %dma_wait3A_211 = tpu.memref_slice %arg7[%add3A_109, %dma_wait3A_210] : memref<80x128xi32, #tpu.memory_space<vmem>> -> memref<1x128xi32, #tpu.memory_space<vmem>>
      %dma_wait3A_212 = tpu.memref_squeeze %dma_wait3A_211 : memref<1x128xi32, #tpu.memory_space<vmem>> -> memref<128xi32, #tpu.memory_space<vmem>>
      %dma_wait3A_213 = arith.constant 0 : i32
      %dma_wait3A_214 = arith.constant 0 : i32
      %dma_wait3A_215 = tpu.memref_slice %arg18[%dma_wait3A_213, %dma_wait3A_214] : memref<10112x32xf32, #tpu.memory_space<vmem_shared>> -> memref<10112x32xf32, #tpu.memory_space<vmem_shared>>
      tpu.wait_indirect_dma semaphore(%arg22 : memref<!tpu.dma_semaphore, #tpu.memory_space<semaphore_mem>>) src(%dma_wait3A_215 : memref<10112x32xf32, #tpu.memory_space<vmem_shared>>) dst(%arg12 : memref<128x32xf32, #tpu.memory_space<vmem>>)
      %add3A_216 = arith.constant 3 : i32
      %add3A_217 = arith.addi %mul3A_67, %add3A_216 : i32
      %dma_start3A_218 = arith.constant 0 : i32
      %dma_start3A_219 = tpu.memref_slice %arg8[%add3A_217, %dma_start3A_218] : memref<80x128xi32, #tpu.memory_space<vmem>> -> memref<1x128xi32, #tpu.memory_space<vmem>>
      %dma_start3A_220 = tpu.memref_squeeze %dma_start3A_219 : memref<1x128xi32, #tpu.memory_space<vmem>> -> memref<128xi32, #tpu.memory_space<vmem>>
      %dma_start3A_221 = arith.constant 0 : i32
      %dma_start3A_222 = arith.constant 0 : i32
      %dma_start3A_223 = tpu.memref_slice %arg17[%dma_start3A_221, %dma_start3A_222] : memref<10112x32xf32, #tpu.memory_space<vmem_shared>> -> memref<10112x32xf32, #tpu.memory_space<vmem_shared>>
      tpu.enqueue_indirect_dma source(%arg12 : memref<128x32xf32, #tpu.memory_space<vmem>>) target(%dma_start3A_223 : memref<10112x32xf32, #tpu.memory_space<vmem_shared>>) offsets(%dma_start3A_220 : memref<128xi32, #tpu.memory_space<vmem>>) semaphore(%arg30 : memref<!tpu.dma_semaphore, #tpu.memory_space<semaphore_mem>>) {add = true}
      %dma_wait3A_224 = arith.constant 0 : i32
      %dma_wait3A_225 = tpu.memref_slice %arg7[%add3A_122, %dma_wait3A_224] : memref<80x128xi32, #tpu.memory_space<vmem>> -> memref<1x128xi32, #tpu.memory_space<vmem>>
      %dma_wait3A_226 = tpu.memref_squeeze %dma_wait3A_225 : memref<1x128xi32, #tpu.memory_space<vmem>> -> memref<128xi32, #tpu.memory_space<vmem>>
      %dma_wait3A_227 = arith.constant 0 : i32
      %dma_wait3A_228 = arith.constant 0 : i32
      %dma_wait3A_229 = tpu.memref_slice %arg18[%dma_wait3A_227, %dma_wait3A_228] : memref<10112x32xf32, #tpu.memory_space<vmem_shared>> -> memref<10112x32xf32, #tpu.memory_space<vmem_shared>>
      tpu.wait_indirect_dma semaphore(%arg23 : memref<!tpu.dma_semaphore, #tpu.memory_space<semaphore_mem>>) src(%dma_wait3A_229 : memref<10112x32xf32, #tpu.memory_space<vmem_shared>>) dst(%arg13 : memref<128x32xf32, #tpu.memory_space<vmem>>)
      %add3A_230 = arith.constant 4 : i32
      %add3A_231 = arith.addi %mul3A_67, %add3A_230 : i32
      %dma_start3A_232 = arith.constant 0 : i32
      %dma_start3A_233 = tpu.memref_slice %arg8[%add3A_231, %dma_start3A_232] : memref<80x128xi32, #tpu.memory_space<vmem>> -> memref<1x128xi32, #tpu.memory_space<vmem>>
      %dma_start3A_234 = tpu.memref_squeeze %dma_start3A_233 : memref<1x128xi32, #tpu.memory_space<vmem>> -> memref<128xi32, #tpu.memory_space<vmem>>
      %dma_start3A_235 = arith.constant 0 : i32
      %dma_start3A_236 = arith.constant 0 : i32
      %dma_start3A_237 = tpu.memref_slice %arg17[%dma_start3A_235, %dma_start3A_236] : memref<10112x32xf32, #tpu.memory_space<vmem_shared>> -> memref<10112x32xf32, #tpu.memory_space<vmem_shared>>
      tpu.enqueue_indirect_dma source(%arg13 : memref<128x32xf32, #tpu.memory_space<vmem>>) target(%dma_start3A_237 : memref<10112x32xf32, #tpu.memory_space<vmem_shared>>) offsets(%dma_start3A_234 : memref<128xi32, #tpu.memory_space<vmem>>) semaphore(%arg31 : memref<!tpu.dma_semaphore, #tpu.memory_space<semaphore_mem>>) {add = true}
      %dma_wait3A_238 = arith.constant 0 : i32
      %dma_wait3A_239 = tpu.memref_slice %arg7[%add3A_135, %dma_wait3A_238] : memref<80x128xi32, #tpu.memory_space<vmem>> -> memref<1x128xi32, #tpu.memory_space<vmem>>
      %dma_wait3A_240 = tpu.memref_squeeze %dma_wait3A_239 : memref<1x128xi32, #tpu.memory_space<vmem>> -> memref<128xi32, #tpu.memory_space<vmem>>
      %dma_wait3A_241 = arith.constant 0 : i32
      %dma_wait3A_242 = arith.constant 0 : i32
      %dma_wait3A_243 = tpu.memref_slice %arg18[%dma_wait3A_241, %dma_wait3A_242] : memref<10112x32xf32, #tpu.memory_space<vmem_shared>> -> memref<10112x32xf32, #tpu.memory_space<vmem_shared>>
      tpu.wait_indirect_dma semaphore(%arg24 : memref<!tpu.dma_semaphore, #tpu.memory_space<semaphore_mem>>) src(%dma_wait3A_243 : memref<10112x32xf32, #tpu.memory_space<vmem_shared>>) dst(%arg14 : memref<128x32xf32, #tpu.memory_space<vmem>>)
      %add3A_244 = arith.constant 5 : i32
      %add3A_245 = arith.addi %mul3A_67, %add3A_244 : i32
      %dma_start3A_246 = arith.constant 0 : i32
      %dma_start3A_247 = tpu.memref_slice %arg8[%add3A_245, %dma_start3A_246] : memref<80x128xi32, #tpu.memory_space<vmem>> -> memref<1x128xi32, #tpu.memory_space<vmem>>
      %dma_start3A_248 = tpu.memref_squeeze %dma_start3A_247 : memref<1x128xi32, #tpu.memory_space<vmem>> -> memref<128xi32, #tpu.memory_space<vmem>>
      %dma_start3A_249 = arith.constant 0 : i32
      %dma_start3A_250 = arith.constant 0 : i32
      %dma_start3A_251 = tpu.memref_slice %arg17[%dma_start3A_249, %dma_start3A_250] : memref<10112x32xf32, #tpu.memory_space<vmem_shared>> -> memref<10112x32xf32, #tpu.memory_space<vmem_shared>>
      tpu.enqueue_indirect_dma source(%arg14 : memref<128x32xf32, #tpu.memory_space<vmem>>) target(%dma_start3A_251 : memref<10112x32xf32, #tpu.memory_space<vmem_shared>>) offsets(%dma_start3A_248 : memref<128xi32, #tpu.memory_space<vmem>>) semaphore(%arg32 : memref<!tpu.dma_semaphore, #tpu.memory_space<semaphore_mem>>) {add = true}
      %dma_wait3A_252 = arith.constant 0 : i32
      %dma_wait3A_253 = tpu.memref_slice %arg7[%add3A_148, %dma_wait3A_252] : memref<80x128xi32, #tpu.memory_space<vmem>> -> memref<1x128xi32, #tpu.memory_space<vmem>>
      %dma_wait3A_254 = tpu.memref_squeeze %dma_wait3A_253 : memref<1x128xi32, #tpu.memory_space<vmem>> -> memref<128xi32, #tpu.memory_space<vmem>>
      %dma_wait3A_255 = arith.constant 0 : i32
      %dma_wait3A_256 = arith.constant 0 : i32
      %dma_wait3A_257 = tpu.memref_slice %arg18[%dma_wait3A_255, %dma_wait3A_256] : memref<10112x32xf32, #tpu.memory_space<vmem_shared>> -> memref<10112x32xf32, #tpu.memory_space<vmem_shared>>
      tpu.wait_indirect_dma semaphore(%arg25 : memref<!tpu.dma_semaphore, #tpu.memory_space<semaphore_mem>>) src(%dma_wait3A_257 : memref<10112x32xf32, #tpu.memory_space<vmem_shared>>) dst(%arg15 : memref<128x32xf32, #tpu.memory_space<vmem>>)
      %add3A_258 = arith.constant 6 : i32
      %add3A_259 = arith.addi %mul3A_67, %add3A_258 : i32
      %dma_start3A_260 = arith.constant 0 : i32
      %dma_start3A_261 = tpu.memref_slice %arg8[%add3A_259, %dma_start3A_260] : memref<80x128xi32, #tpu.memory_space<vmem>> -> memref<1x128xi32, #tpu.memory_space<vmem>>
      %dma_start3A_262 = tpu.memref_squeeze %dma_start3A_261 : memref<1x128xi32, #tpu.memory_space<vmem>> -> memref<128xi32, #tpu.memory_space<vmem>>
      %dma_start3A_263 = arith.constant 0 : i32
      %dma_start3A_264 = arith.constant 0 : i32
      %dma_start3A_265 = tpu.memref_slice %arg17[%dma_start3A_263, %dma_start3A_264] : memref<10112x32xf32, #tpu.memory_space<vmem_shared>> -> memref<10112x32xf32, #tpu.memory_space<vmem_shared>>
      tpu.enqueue_indirect_dma source(%arg15 : memref<128x32xf32, #tpu.memory_space<vmem>>) target(%dma_start3A_265 : memref<10112x32xf32, #tpu.memory_space<vmem_shared>>) offsets(%dma_start3A_262 : memref<128xi32, #tpu.memory_space<vmem>>) semaphore(%arg33 : memref<!tpu.dma_semaphore, #tpu.memory_space<semaphore_mem>>) {add = true}
      %dma_wait3A_266 = arith.constant 0 : i32
      %dma_wait3A_267 = tpu.memref_slice %arg7[%add3A_161, %dma_wait3A_266] : memref<80x128xi32, #tpu.memory_space<vmem>> -> memref<1x128xi32, #tpu.memory_space<vmem>>
      %dma_wait3A_268 = tpu.memref_squeeze %dma_wait3A_267 : memref<1x128xi32, #tpu.memory_space<vmem>> -> memref<128xi32, #tpu.memory_space<vmem>>
      %dma_wait3A_269 = arith.constant 0 : i32
      %dma_wait3A_270 = arith.constant 0 : i32
      %dma_wait3A_271 = tpu.memref_slice %arg18[%dma_wait3A_269, %dma_wait3A_270] : memref<10112x32xf32, #tpu.memory_space<vmem_shared>> -> memref<10112x32xf32, #tpu.memory_space<vmem_shared>>
      tpu.wait_indirect_dma semaphore(%arg26 : memref<!tpu.dma_semaphore, #tpu.memory_space<semaphore_mem>>) src(%dma_wait3A_271 : memref<10112x32xf32, #tpu.memory_space<vmem_shared>>) dst(%arg16 : memref<128x32xf32, #tpu.memory_space<vmem>>)
      %add3A_272 = arith.constant 7 : i32
      %add3A_273 = arith.addi %mul3A_67, %add3A_272 : i32
      %dma_start3A_274 = arith.constant 0 : i32
      %dma_start3A_275 = tpu.memref_slice %arg8[%add3A_273, %dma_start3A_274] : memref<80x128xi32, #tpu.memory_space<vmem>> -> memref<1x128xi32, #tpu.memory_space<vmem>>
      %dma_start3A_276 = tpu.memref_squeeze %dma_start3A_275 : memref<1x128xi32, #tpu.memory_space<vmem>> -> memref<128xi32, #tpu.memory_space<vmem>>
      %dma_start3A_277 = arith.constant 0 : i32
      %dma_start3A_278 = arith.constant 0 : i32
      %dma_start3A_279 = tpu.memref_slice %arg17[%dma_start3A_277, %dma_start3A_278] : memref<10112x32xf32, #tpu.memory_space<vmem_shared>> -> memref<10112x32xf32, #tpu.memory_space<vmem_shared>>
      tpu.enqueue_indirect_dma source(%arg16 : memref<128x32xf32, #tpu.memory_space<vmem>>) target(%dma_start3A_279 : memref<10112x32xf32, #tpu.memory_space<vmem_shared>>) offsets(%dma_start3A_276 : memref<128xi32, #tpu.memory_space<vmem>>) semaphore(%arg34 : memref<!tpu.dma_semaphore, #tpu.memory_space<semaphore_mem>>) {add = true}
    }
    %scan3A_12 = arith.constant 10 : i32
    %dma_wait3A = arith.constant 0 : i32
    %dma_wait3A_13 = arith.constant 0 : i32
    %dma_wait3A_14 = tpu.memref_slice %arg2[%dma_wait3A, %dma_wait3A_13] : memref<10112x32xf32, #tpu.memory_space<hbm>> -> memref<128x32xf32, #tpu.memory_space<hbm>>
    %dma_wait3A_15 = arith.constant 0 : i32
    %dma_wait3A_16 = arith.constant 0 : i32
    %dma_wait3A_17 = tpu.memref_slice %arg2[%dma_wait3A_15, %dma_wait3A_16] : memref<10112x32xf32, #tpu.memory_space<hbm>> -> memref<128x32xf32, #tpu.memory_space<hbm>>
    tpu.wait_dma2 semaphore(%arg27 : memref<!tpu.dma_semaphore, #tpu.memory_space<semaphore_mem>>) src(%dma_wait3A_17 : memref<128x32xf32, #tpu.memory_space<hbm>>) dst(%arg9 : memref<128x32xf32, #tpu.memory_space<vmem>>)
    %dma_wait3A_18 = arith.constant 0 : i32
    %dma_wait3A_19 = arith.constant 0 : i32
    %dma_wait3A_20 = tpu.memref_slice %arg2[%dma_wait3A_18, %dma_wait3A_19] : memref<10112x32xf32, #tpu.memory_space<hbm>> -> memref<128x32xf32, #tpu.memory_space<hbm>>
    %dma_wait3A_21 = arith.constant 0 : i32
    %dma_wait3A_22 = arith.constant 0 : i32
    %dma_wait3A_23 = tpu.memref_slice %arg2[%dma_wait3A_21, %dma_wait3A_22] : memref<10112x32xf32, #tpu.memory_space<hbm>> -> memref<128x32xf32, #tpu.memory_space<hbm>>
    tpu.wait_dma2 semaphore(%arg28 : memref<!tpu.dma_semaphore, #tpu.memory_space<semaphore_mem>>) src(%dma_wait3A_23 : memref<128x32xf32, #tpu.memory_space<hbm>>) dst(%arg10 : memref<128x32xf32, #tpu.memory_space<vmem>>)
    %dma_wait3A_24 = arith.constant 0 : i32
    %dma_wait3A_25 = arith.constant 0 : i32
    %dma_wait3A_26 = tpu.memref_slice %arg2[%dma_wait3A_24, %dma_wait3A_25] : memref<10112x32xf32, #tpu.memory_space<hbm>> -> memref<128x32xf32, #tpu.memory_space<hbm>>
    %dma_wait3A_27 = arith.constant 0 : i32
    %dma_wait3A_28 = arith.constant 0 : i32
    %dma_wait3A_29 = tpu.memref_slice %arg2[%dma_wait3A_27, %dma_wait3A_28] : memref<10112x32xf32, #tpu.memory_space<hbm>> -> memref<128x32xf32, #tpu.memory_space<hbm>>
    tpu.wait_dma2 semaphore(%arg29 : memref<!tpu.dma_semaphore, #tpu.memory_space<semaphore_mem>>) src(%dma_wait3A_29 : memref<128x32xf32, #tpu.memory_space<hbm>>) dst(%arg11 : memref<128x32xf32, #tpu.memory_space<vmem>>)
    %dma_wait3A_30 = arith.constant 0 : i32
    %dma_wait3A_31 = arith.constant 0 : i32
    %dma_wait3A_32 = tpu.memref_slice %arg2[%dma_wait3A_30, %dma_wait3A_31] : memref<10112x32xf32, #tpu.memory_space<hbm>> -> memref<128x32xf32, #tpu.memory_space<hbm>>
    %dma_wait3A_33 = arith.constant 0 : i32
    %dma_wait3A_34 = arith.constant 0 : i32
    %dma_wait3A_35 = tpu.memref_slice %arg2[%dma_wait3A_33, %dma_wait3A_34] : memref<10112x32xf32, #tpu.memory_space<hbm>> -> memref<128x32xf32, #tpu.memory_space<hbm>>
    tpu.wait_dma2 semaphore(%arg30 : memref<!tpu.dma_semaphore, #tpu.memory_space<semaphore_mem>>) src(%dma_wait3A_35 : memref<128x32xf32, #tpu.memory_space<hbm>>) dst(%arg12 : memref<128x32xf32, #tpu.memory_space<vmem>>)
    %dma_wait3A_36 = arith.constant 0 : i32
    %dma_wait3A_37 = arith.constant 0 : i32
    %dma_wait3A_38 = tpu.memref_slice %arg2[%dma_wait3A_36, %dma_wait3A_37] : memref<10112x32xf32, #tpu.memory_space<hbm>> -> memref<128x32xf32, #tpu.memory_space<hbm>>
    %dma_wait3A_39 = arith.constant 0 : i32
    %dma_wait3A_40 = arith.constant 0 : i32
    %dma_wait3A_41 = tpu.memref_slice %arg2[%dma_wait3A_39, %dma_wait3A_40] : memref<10112x32xf32, #tpu.memory_space<hbm>> -> memref<128x32xf32, #tpu.memory_space<hbm>>
    tpu.wait_dma2 semaphore(%arg31 : memref<!tpu.dma_semaphore, #tpu.memory_space<semaphore_mem>>) src(%dma_wait3A_41 : memref<128x32xf32, #tpu.memory_space<hbm>>) dst(%arg13 : memref<128x32xf32, #tpu.memory_space<vmem>>)
    %dma_wait3A_42 = arith.constant 0 : i32
    %dma_wait3A_43 = arith.constant 0 : i32
    %dma_wait3A_44 = tpu.memref_slice %arg2[%dma_wait3A_42, %dma_wait3A_43] : memref<10112x32xf32, #tpu.memory_space<hbm>> -> memref<128x32xf32, #tpu.memory_space<hbm>>
    %dma_wait3A_45 = arith.constant 0 : i32
    %dma_wait3A_46 = arith.constant 0 : i32
    %dma_wait3A_47 = tpu.memref_slice %arg2[%dma_wait3A_45, %dma_wait3A_46] : memref<10112x32xf32, #tpu.memory_space<hbm>> -> memref<128x32xf32, #tpu.memory_space<hbm>>
    tpu.wait_dma2 semaphore(%arg32 : memref<!tpu.dma_semaphore, #tpu.memory_space<semaphore_mem>>) src(%dma_wait3A_47 : memref<128x32xf32, #tpu.memory_space<hbm>>) dst(%arg14 : memref<128x32xf32, #tpu.memory_space<vmem>>)
    %dma_wait3A_48 = arith.constant 0 : i32
    %dma_wait3A_49 = arith.constant 0 : i32
    %dma_wait3A_50 = tpu.memref_slice %arg2[%dma_wait3A_48, %dma_wait3A_49] : memref<10112x32xf32, #tpu.memory_space<hbm>> -> memref<128x32xf32, #tpu.memory_space<hbm>>
    %dma_wait3A_51 = arith.constant 0 : i32
    %dma_wait3A_52 = arith.constant 0 : i32
    %dma_wait3A_53 = tpu.memref_slice %arg2[%dma_wait3A_51, %dma_wait3A_52] : memref<10112x32xf32, #tpu.memory_space<hbm>> -> memref<128x32xf32, #tpu.memory_space<hbm>>
    tpu.wait_dma2 semaphore(%arg33 : memref<!tpu.dma_semaphore, #tpu.memory_space<semaphore_mem>>) src(%dma_wait3A_53 : memref<128x32xf32, #tpu.memory_space<hbm>>) dst(%arg15 : memref<128x32xf32, #tpu.memory_space<vmem>>)
    %dma_wait3A_54 = arith.constant 0 : i32
    %dma_wait3A_55 = arith.constant 0 : i32
    %dma_wait3A_56 = tpu.memref_slice %arg2[%dma_wait3A_54, %dma_wait3A_55] : memref<10112x32xf32, #tpu.memory_space<hbm>> -> memref<128x32xf32, #tpu.memory_space<hbm>>
    %dma_wait3A_57 = arith.constant 0 : i32
    %dma_wait3A_58 = arith.constant 0 : i32
    %dma_wait3A_59 = tpu.memref_slice %arg2[%dma_wait3A_57, %dma_wait3A_58] : memref<10112x32xf32, #tpu.memory_space<hbm>> -> memref<128x32xf32, #tpu.memory_space<hbm>>
    tpu.wait_dma2 semaphore(%arg34 : memref<!tpu.dma_semaphore, #tpu.memory_space<semaphore_mem>>) src(%dma_wait3A_59 : memref<128x32xf32, #tpu.memory_space<hbm>>) dst(%arg16 : memref<128x32xf32, #tpu.memory_space<vmem>>)
    %barrier3A_60 = arith.constant 0 : index
    tpu.barrier barrier_id(%barrier3A_60)
    %mul3A_61 = arith.constant 632 : i32
    %mul3A_62 = arith.muli %arg1, %mul3A_61 : i32
    %mul3A_63 = arith.constant 632 : i32
    %mul3A_64 = arith.muli %arg1, %mul3A_63 : i32
    "tpu.region"() ({
      %run_scoped3A = tpu.sem_alloc : memref<!tpu.dma_semaphore, #tpu.memory_space<semaphore_mem>>
      %dma_start3A = arith.constant 0 : i32
      %dma_start3A_65 = tpu.memref_slice %arg6[%arg0, %mul3A_64, %dma_start3A] : memref<2x10112x32xf32, #tpu.memory_space<hbm>> -> memref<1x632x32xf32, #tpu.memory_space<hbm>>
      %dma_start3A_66 = tpu.memref_squeeze %dma_start3A_65 : memref<1x632x32xf32, #tpu.memory_space<hbm>> -> memref<632x32xf32, #tpu.memory_space<hbm>>
      %dma_start3A_67 = arith.constant 0 : i32
      %dma_start3A_68 = tpu.memref_slice %arg17[%mul3A_62, %dma_start3A_67] : memref<10112x32xf32, #tpu.memory_space<vmem_shared>> -> memref<632x32xf32, #tpu.memory_space<vmem_shared>>
      tpu.enqueue_dma source(%dma_start3A_68 : memref<632x32xf32, #tpu.memory_space<vmem_shared>>) target(%dma_start3A_66 : memref<632x32xf32, #tpu.memory_space<hbm>>) target_semaphore(%run_scoped3A : memref<!tpu.dma_semaphore, #tpu.memory_space<semaphore_mem>>)
      %dma_wait3A_69 = arith.constant 0 : i32
      %dma_wait3A_70 = tpu.memref_slice %arg6[%arg0, %mul3A_64, %dma_wait3A_69] : memref<2x10112x32xf32, #tpu.memory_space<hbm>> -> memref<1x632x32xf32, #tpu.memory_space<hbm>>
      %dma_wait3A_71 = tpu.memref_squeeze %dma_wait3A_70 : memref<1x632x32xf32, #tpu.memory_space<hbm>> -> memref<632x32xf32, #tpu.memory_space<hbm>>
      %dma_wait3A_72 = arith.constant 0 : i32
      %dma_wait3A_73 = tpu.memref_slice %arg17[%mul3A_62, %dma_wait3A_72] : memref<10112x32xf32, #tpu.memory_space<vmem_shared>> -> memref<632x32xf32, #tpu.memory_space<vmem_shared>>
      tpu.wait_dma2 semaphore(%run_scoped3A : memref<!tpu.dma_semaphore, #tpu.memory_space<semaphore_mem>>) src(%dma_wait3A_73 : memref<632x32xf32, #tpu.memory_space<vmem_shared>>) dst(%dma_wait3A_71 : memref<632x32xf32, #tpu.memory_space<hbm>>)
      tpu.yield
    }) : () -> ()
    return
  }
}

module attributes {stable_mosaic.version = 14 : i64} {
  func.func @body(%arg0: i32, %arg1: memref<200x20000xf32, #tpu.memory_space<vmem>>, %arg2: memref<20000x128xbf16, #tpu.memory_space<vmem>>, %arg3: memref<200x128xf32, #tpu.memory_space<vmem>>, %arg4: memref<128x128xf32, #tpu.memory_space<vmem>>, %arg5: memref<1x128xf32, #tpu.memory_space<vmem>>, %arg6: memref<128x128xf32, #tpu.memory_space<vmem>>, %arg7: memref<1x128xf32, #tpu.memory_space<vmem>>, %arg8: memref<128x128xf32, #tpu.memory_space<vmem>>, %arg9: memref<200x32xf32, #tpu.memory_space<vmem>>) attributes {dimension_semantics = [#tpu.dimension_semantics<arbitrary>], iteration_bounds = array<i64: 50>, scalar_prefetch = 0 : i64, scratch_operands = 0 : i64, tpu.core_type = #tpu.core_type<tc>, window_params = [{transform_indices = @transform_0, window_bounds = array<i64: 200, 20000>}, {pipeline_mode = #tpu.pipeline_mode<synchronous>, transform_indices = @transform_1, window_bounds = array<i64: 20000, 128>}, {transform_indices = @transform_2, window_bounds = array<i64: 200, 128>}, {pipeline_mode = #tpu.pipeline_mode<synchronous>, transform_indices = @transform_3, window_bounds = array<i64: 128, 128>}, {pipeline_mode = #tpu.pipeline_mode<synchronous>, transform_indices = @transform_4, window_bounds = array<i64: 1, 128>}, {pipeline_mode = #tpu.pipeline_mode<synchronous>, transform_indices = @transform_5, window_bounds = array<i64: 128, 128>}, {pipeline_mode = #tpu.pipeline_mode<synchronous>, transform_indices = @transform_6, window_bounds = array<i64: 1, 128>}, {pipeline_mode = #tpu.pipeline_mode<synchronous>, transform_indices = @transform_7, window_bounds = array<i64: 128, 128>}, {transform_indices = @transform_8, window_bounds = array<i64: 200, 32>}]} {
    %get3A = arith.constant 0 : index
    %get3A_0 = arith.constant 0 : index
    %get3A_1 = vector.load %arg1[%get3A, %get3A_0] : memref<200x20000xf32, #tpu.memory_space<vmem>>, vector<200x20000xf32>
    %convert_element_type3A = arith.truncf %get3A_1 : vector<200x20000xf32> to vector<200x20000xbf16>
    %get3A_2 = arith.constant 0 : index
    %get3A_3 = arith.constant 0 : index
    %get3A_4 = vector.load %arg2[%get3A_2, %get3A_3] : memref<20000x128xbf16, #tpu.memory_space<vmem>>, vector<20000x128xbf16>
    %dot_general3A = arith.constant dense<0.000000e+00> : vector<200x128xf32>
    %dot_general3A_5 = tpu.matmul %convert_element_type3A, %get3A_4, %dot_general3A {dimension_numbers = #tpu.dot_dimension_numbers<[1], [0], [0], [1], [0, 0, 1, 1], [], []>, transpose_lhs_hint = false} : vector<200x20000xbf16>, vector<20000x128xbf16>, vector<200x128xf32> -> vector<200x128xf32>
    %get3A_6 = arith.constant 0 : index
    %get3A_7 = arith.constant 0 : index
    %get3A_8 = vector.load %arg3[%get3A_6, %get3A_7] : memref<200x128xf32, #tpu.memory_space<vmem>>, vector<200x128xf32>
    %add3A = arith.addf %get3A_8, %dot_general3A_5 : vector<200x128xf32>
    %get3A_9 = arith.constant 0 : index
    %get3A_10 = arith.constant 0 : index
    %get3A_11 = vector.load %arg4[%get3A_9, %get3A_10] : memref<128x128xf32, #tpu.memory_space<vmem>>, vector<128x128xf32>
    %dot_general3A_12 = arith.constant dense<0.000000e+00> : vector<200x128xf32>
    %dot_general3A_13 = tpu.matmul %add3A, %get3A_11, %dot_general3A_12 {dimension_numbers = #tpu.dot_dimension_numbers<[1], [0], [0], [1], [0, 0, 1, 1], [], []>, transpose_lhs_hint = false} : vector<200x128xf32>, vector<128x128xf32>, vector<200x128xf32> -> vector<200x128xf32>
    %get3A_14 = arith.constant 0 : index
    %get3A_15 = arith.constant 0 : index
    %get3A_16 = vector.load %arg5[%get3A_14, %get3A_15] : memref<1x128xf32, #tpu.memory_space<vmem>>, vector<1x128xf32>
    %add3A_17 = vector.broadcast %get3A_16 : vector<1x128xf32> to vector<200x128xf32>
    %add3A_18 = arith.addf %dot_general3A_13, %add3A_17 : vector<200x128xf32>
    %tanh3A = math.tanh %add3A_18 : vector<200x128xf32>
    %get3A_19 = arith.constant 0 : index
    %get3A_20 = arith.constant 0 : index
    %get3A_21 = vector.load %arg6[%get3A_19, %get3A_20] : memref<128x128xf32, #tpu.memory_space<vmem>>, vector<128x128xf32>
    %dot_general3A_22 = arith.constant dense<0.000000e+00> : vector<200x128xf32>
    %dot_general3A_23 = tpu.matmul %tanh3A, %get3A_21, %dot_general3A_22 {dimension_numbers = #tpu.dot_dimension_numbers<[1], [0], [0], [1], [0, 0, 1, 1], [], []>, transpose_lhs_hint = false} : vector<200x128xf32>, vector<128x128xf32>, vector<200x128xf32> -> vector<200x128xf32>
    %get3A_24 = arith.constant 0 : index
    %get3A_25 = arith.constant 0 : index
    %get3A_26 = vector.load %arg7[%get3A_24, %get3A_25] : memref<1x128xf32, #tpu.memory_space<vmem>>, vector<1x128xf32>
    %add3A_27 = vector.broadcast %get3A_26 : vector<1x128xf32> to vector<200x128xf32>
    %add3A_28 = arith.addf %dot_general3A_23, %add3A_27 : vector<200x128xf32>
    %tanh3A_29 = math.tanh %add3A_28 : vector<200x128xf32>
    %get3A_30 = arith.constant 0 : index
    %get3A_31 = arith.constant 0 : index
    %get3A_32 = vector.load %arg8[%get3A_30, %get3A_31] : memref<128x128xf32, #tpu.memory_space<vmem>>, vector<128x128xf32>
    %dot_general3A_33 = arith.constant dense<0.000000e+00> : vector<200x128xf32>
    %dot_general3A_34 = tpu.matmul %tanh3A_29, %get3A_32, %dot_general3A_33 {dimension_numbers = #tpu.dot_dimension_numbers<[1], [0], [0], [1], [0, 0, 1, 1], [], []>, transpose_lhs_hint = false} : vector<200x128xf32>, vector<128x128xf32>, vector<200x128xf32> -> vector<200x128xf32>
    %slice3A = vector.extract_strided_slice %dot_general3A_34 {offsets = [0, 0], sizes = [200, 32], strides = [1, 1]} : vector<200x128xf32> to vector<200x32xf32>
    %swap3A = arith.constant 0 : index
    %swap3A_35 = arith.constant 0 : index
    %swap3A_36 = vector.load %arg9[%swap3A, %swap3A_35] : memref<200x32xf32, #tpu.memory_space<vmem>>, vector<200x32xf32>
    tpu.vector_store %arg9[%swap3A, %swap3A_35], %slice3A {strides = array<i32>} : memref<200x32xf32, #tpu.memory_space<vmem>>, vector<200x32xf32>,
    return
  }
  func.func @transform_0(%arg0: i32) -> (i32, i32) {
    %c0_i32 = arith.constant 0 : i32
    %c0_i32_0 = arith.constant 0 : i32
    return %arg0, %c0_i32 : i32, i32
  }
  func.func @transform_1(%arg0: i32) -> (i32, i32) {
    %c0_i32 = arith.constant 0 : i32
    %c0_i32_0 = arith.constant 0 : i32
    %c0_i32_1 = arith.constant 0 : i32
    return %c0_i32, %c0_i32_0 : i32, i32
  }
  func.func @transform_2(%arg0: i32) -> (i32, i32) {
    %c0_i32 = arith.constant 0 : i32
    %c0_i32_0 = arith.constant 0 : i32
    return %arg0, %c0_i32 : i32, i32
  }
  func.func @transform_3(%arg0: i32) -> (i32, i32) {
    %c0_i32 = arith.constant 0 : i32
    %c0_i32_0 = arith.constant 0 : i32
    %c0_i32_1 = arith.constant 0 : i32
    return %c0_i32, %c0_i32_0 : i32, i32
  }
  func.func @transform_4(%arg0: i32) -> (i32, i32) {
    %c0_i32 = arith.constant 0 : i32
    %c0_i32_0 = arith.constant 0 : i32
    %c0_i32_1 = arith.constant 0 : i32
    return %c0_i32, %c0_i32_0 : i32, i32
  }
  func.func @transform_5(%arg0: i32) -> (i32, i32) {
    %c0_i32 = arith.constant 0 : i32
    %c0_i32_0 = arith.constant 0 : i32
    %c0_i32_1 = arith.constant 0 : i32
    return %c0_i32, %c0_i32_0 : i32, i32
  }
  func.func @transform_6(%arg0: i32) -> (i32, i32) {
    %c0_i32 = arith.constant 0 : i32
    %c0_i32_0 = arith.constant 0 : i32
    %c0_i32_1 = arith.constant 0 : i32
    return %c0_i32, %c0_i32_0 : i32, i32
  }
  func.func @transform_7(%arg0: i32) -> (i32, i32) {
    %c0_i32 = arith.constant 0 : i32
    %c0_i32_0 = arith.constant 0 : i32
    %c0_i32_1 = arith.constant 0 : i32
    return %c0_i32, %c0_i32_0 : i32, i32
  }
  func.func @transform_8(%arg0: i32) -> (i32, i32) {
    %c0_i32 = arith.constant 0 : i32
    %c0_i32_0 = arith.constant 0 : i32
    return %arg0, %c0_i32 : i32, i32
  }
}

module attributes {stable_mosaic.version = 14 : i64} {
  func.func @body(%arg0: i32, %arg1: memref<2000x32xf32, #tpu.memory_space<vmem>>, %arg2: memref<2x2000x1xf32, #tpu.memory_space<vmem>>, %arg3: memref<2000x32xf32, #tpu.memory_space<vmem>>, %arg4: memref<2000x1xf32, #tpu.memory_space<vmem>>) attributes {dimension_semantics = [#tpu.dimension_semantics<arbitrary>], iteration_bounds = array<i64: 5>, scalar_prefetch = 0 : i64, scratch_operands = 0 : i64, tpu.core_type = #tpu.core_type<tc>, window_params = [{transform_indices = @transform_0, window_bounds = array<i64: 2000, 32>}, {transform_indices = @transform_1, window_bounds = array<i64: 2, 2000, 1>}, {transform_indices = @transform_2, window_bounds = array<i64: 2000, 32>}, {transform_indices = @transform_3, window_bounds = array<i64: 2000, 1>}]} {
    %get3A = arith.constant 0 : index
    %get3A_0 = arith.constant 0 : index
    %get3A_1 = arith.constant 0 : index
    %get3A_2 = vector.load %arg2[%get3A, %get3A_0, %get3A_1] : memref<2x2000x1xf32, #tpu.memory_space<vmem>>, vector<1x2000x1xf32>
    %get3A_3 = vector.shape_cast %get3A_2 : vector<1x2000x1xf32> to vector<2000x1xf32>
    %get3A_4 = arith.constant 1 : index
    %get3A_5 = arith.constant 0 : index
    %get3A_6 = arith.constant 0 : index
    %get3A_7 = vector.load %arg2[%get3A_4, %get3A_5, %get3A_6] : memref<2x2000x1xf32, #tpu.memory_space<vmem>>, vector<1x2000x1xf32>
    %get3A_8 = vector.shape_cast %get3A_7 : vector<1x2000x1xf32> to vector<2000x1xf32>
    %add3A = arith.addf %get3A_3, %get3A_8 : vector<2000x1xf32>
    %add3A_9 = arith.constant 1.000000e+00 : f32
    %add3A_10 = vector.broadcast %add3A_9 : f32 to vector<2000x1xf32>
    %add3A_11 = arith.addf %add3A, %add3A_10 : vector<2000x1xf32>
    %rsqrt3A = math.rsqrt %add3A_11 : vector<2000x1xf32>
    %get3A_12 = arith.constant 0 : index
    %get3A_13 = arith.constant 0 : index
    %get3A_14 = vector.load %arg1[%get3A_12, %get3A_13] : memref<2000x32xf32, #tpu.memory_space<vmem>>, vector<2000x32xf32>
    %mul3A = vector.broadcast %rsqrt3A : vector<2000x1xf32> to vector<2000x32xf32>
    %mul3A_15 = arith.mulf %get3A_14, %mul3A : vector<2000x32xf32>
    %swap3A = arith.constant 0 : index
    %swap3A_16 = arith.constant 0 : index
    %swap3A_17 = vector.load %arg3[%swap3A, %swap3A_16] : memref<2000x32xf32, #tpu.memory_space<vmem>>, vector<2000x32xf32>
    tpu.vector_store %arg3[%swap3A, %swap3A_16], %mul3A_15 {strides = array<i32>} : memref<2000x32xf32, #tpu.memory_space<vmem>>, vector<2000x32xf32>,
    %swap3A_18 = arith.constant 0 : index
    %swap3A_19 = arith.constant 0 : index
    %swap3A_20 = vector.load %arg4[%swap3A_18, %swap3A_19] : memref<2000x1xf32, #tpu.memory_space<vmem>>, vector<2000x1xf32>
    tpu.vector_store %arg4[%swap3A_18, %swap3A_19], %rsqrt3A {strides = array<i32>} : memref<2000x1xf32, #tpu.memory_space<vmem>>, vector<2000x1xf32>,
    return
  }
  func.func @transform_0(%arg0: i32) -> (i32, i32) {
    %c0_i32 = arith.constant 0 : i32
    %c0_i32_0 = arith.constant 0 : i32
    return %arg0, %c0_i32 : i32, i32
  }
  func.func @transform_1(%arg0: i32) -> (i32, i32, i32) {
    %c0_i32 = arith.constant 0 : i32
    %c0_i32_0 = arith.constant 0 : i32
    %c0_i32_1 = arith.constant 0 : i32
    return %c0_i32, %arg0, %c0_i32_0 : i32, i32, i32
  }
  func.func @transform_2(%arg0: i32) -> (i32, i32) {
    %c0_i32 = arith.constant 0 : i32
    %c0_i32_0 = arith.constant 0 : i32
    return %arg0, %c0_i32 : i32, i32
  }
  func.func @transform_3(%arg0: i32) -> (i32, i32) {
    %c0_i32 = arith.constant 0 : i32
    %c0_i32_0 = arith.constant 0 : i32
    return %arg0, %c0_i32 : i32, i32
  }
}

module attributes {stable_mosaic.version = 14 : i64} {
  func.func @body(%arg0: i32, %arg1: memref<2x2000x32xf32, #tpu.memory_space<vmem>>, %arg2: memref<2000x32xf32, #tpu.memory_space<vmem>>, %arg3: memref<2000x1xf32, #tpu.memory_space<vmem>>, %arg4: memref<1x32xf32, #tpu.memory_space<vmem>>, %arg5: memref<128x128xf32, #tpu.memory_space<vmem>>, %arg6: memref<2000x32xf32, #tpu.memory_space<vmem>>) attributes {dimension_semantics = [#tpu.dimension_semantics<arbitrary>], iteration_bounds = array<i64: 5>, scalar_prefetch = 0 : i64, scratch_operands = 0 : i64, tpu.core_type = #tpu.core_type<tc>, window_params = [{transform_indices = @transform_0, window_bounds = array<i64: 2, 2000, 32>}, {transform_indices = @transform_1, window_bounds = array<i64: 2000, 32>}, {transform_indices = @transform_2, window_bounds = array<i64: 2000, 1>}, {pipeline_mode = #tpu.pipeline_mode<synchronous>, transform_indices = @transform_3, window_bounds = array<i64: 1, 32>}, {pipeline_mode = #tpu.pipeline_mode<synchronous>, transform_indices = @transform_4, window_bounds = array<i64: 128, 128>}, {transform_indices = @transform_5, window_bounds = array<i64: 2000, 32>}]} {
    %get3A = arith.constant 0 : index
    %get3A_0 = arith.constant 0 : index
    %get3A_1 = arith.constant 0 : index
    %get3A_2 = vector.load %arg1[%get3A, %get3A_0, %get3A_1] : memref<2x2000x32xf32, #tpu.memory_space<vmem>>, vector<1x2000x32xf32>
    %get3A_3 = vector.shape_cast %get3A_2 : vector<1x2000x32xf32> to vector<2000x32xf32>
    %get3A_4 = arith.constant 1 : index
    %get3A_5 = arith.constant 0 : index
    %get3A_6 = arith.constant 0 : index
    %get3A_7 = vector.load %arg1[%get3A_4, %get3A_5, %get3A_6] : memref<2x2000x32xf32, #tpu.memory_space<vmem>>, vector<1x2000x32xf32>
    %get3A_8 = vector.shape_cast %get3A_7 : vector<1x2000x32xf32> to vector<2000x32xf32>
    %add3A = arith.addf %get3A_3, %get3A_8 : vector<2000x32xf32>
    %get3A_9 = arith.constant 0 : index
    %get3A_10 = arith.constant 0 : index
    %get3A_11 = vector.load %arg2[%get3A_9, %get3A_10] : memref<2000x32xf32, #tpu.memory_space<vmem>>, vector<2000x32xf32>
    %add3A_12 = arith.addf %add3A, %get3A_11 : vector<2000x32xf32>
    %get3A_13 = arith.constant 0 : index
    %get3A_14 = arith.constant 0 : index
    %get3A_15 = vector.load %arg3[%get3A_13, %get3A_14] : memref<2000x1xf32, #tpu.memory_space<vmem>>, vector<2000x1xf32>
    %mul3A = vector.broadcast %get3A_15 : vector<2000x1xf32> to vector<2000x32xf32>
    %mul3A_16 = arith.mulf %add3A_12, %mul3A : vector<2000x32xf32>
    %get3A_17 = arith.constant 0 : index
    %get3A_18 = arith.constant 0 : index
    %get3A_19 = vector.load %arg4[%get3A_17, %get3A_18] : memref<1x32xf32, #tpu.memory_space<vmem>>, vector<1x32xf32>
    %add3A_20 = vector.broadcast %get3A_19 : vector<1x32xf32> to vector<2000x32xf32>
    %add3A_21 = arith.addf %mul3A_16, %add3A_20 : vector<2000x32xf32>
    %max3A = arith.constant 0.000000e+00 : f32
    %max3A_22 = vector.broadcast %max3A : f32 to vector<2000x32xf32>
    %max3A_23 = arith.maximumf %add3A_21, %max3A_22 : vector<2000x32xf32>
    %broadcast_in_dim3A = arith.constant 0.000000e+00 : f32
    %broadcast_in_dim3A_24 = vector.broadcast %broadcast_in_dim3A : f32 to vector<2000x96xf32>
    %concatenate3A = tpu.concatenate %max3A_23, %broadcast_in_dim3A_24 in 1 : vector<2000x32xf32>, vector<2000x96xf32> -> vector<2000x128xf32>
    %get3A_25 = arith.constant 0 : index
    %get3A_26 = arith.constant 0 : index
    %get3A_27 = vector.load %arg5[%get3A_25, %get3A_26] : memref<128x128xf32, #tpu.memory_space<vmem>>, vector<128x128xf32>
    %dot_general3A = arith.constant dense<0.000000e+00> : vector<2000x128xf32>
    %dot_general3A_28 = tpu.matmul %concatenate3A, %get3A_27, %dot_general3A {dimension_numbers = #tpu.dot_dimension_numbers<[1], [0], [0], [1], [0, 0, 1, 1], [], []>, transpose_lhs_hint = false} : vector<2000x128xf32>, vector<128x128xf32>, vector<2000x128xf32> -> vector<2000x128xf32>
    %get3A_29 = arith.constant 0 : index
    %get3A_30 = arith.constant 0 : index
    %get3A_31 = vector.load %arg3[%get3A_29, %get3A_30] : memref<2000x1xf32, #tpu.memory_space<vmem>>, vector<2000x1xf32>
    %mul3A_32 = vector.broadcast %get3A_31 : vector<2000x1xf32> to vector<2000x128xf32>
    %mul3A_33 = arith.mulf %dot_general3A_28, %mul3A_32 : vector<2000x128xf32>
    %slice3A = vector.extract_strided_slice %mul3A_33 {offsets = [0, 0], sizes = [2000, 32], strides = [1, 1]} : vector<2000x128xf32> to vector<2000x32xf32>
    %swap3A = arith.constant 0 : index
    %swap3A_34 = arith.constant 0 : index
    %swap3A_35 = vector.load %arg6[%swap3A, %swap3A_34] : memref<2000x32xf32, #tpu.memory_space<vmem>>, vector<2000x32xf32>
    tpu.vector_store %arg6[%swap3A, %swap3A_34], %slice3A {strides = array<i32>} : memref<2000x32xf32, #tpu.memory_space<vmem>>, vector<2000x32xf32>,
    return
  }
  func.func @transform_0(%arg0: i32) -> (i32, i32, i32) {
    %c0_i32 = arith.constant 0 : i32
    %c0_i32_0 = arith.constant 0 : i32
    %c0_i32_1 = arith.constant 0 : i32
    return %c0_i32, %arg0, %c0_i32_0 : i32, i32, i32
  }
  func.func @transform_1(%arg0: i32) -> (i32, i32) {
    %c0_i32 = arith.constant 0 : i32
    %c0_i32_0 = arith.constant 0 : i32
    return %arg0, %c0_i32 : i32, i32
  }
  func.func @transform_2(%arg0: i32) -> (i32, i32) {
    %c0_i32 = arith.constant 0 : i32
    %c0_i32_0 = arith.constant 0 : i32
    return %arg0, %c0_i32 : i32, i32
  }
  func.func @transform_3(%arg0: i32) -> (i32, i32) {
    %c0_i32 = arith.constant 0 : i32
    %c0_i32_0 = arith.constant 0 : i32
    %c0_i32_1 = arith.constant 0 : i32
    return %c0_i32, %c0_i32_0 : i32, i32
  }
  func.func @transform_4(%arg0: i32) -> (i32, i32) {
    %c0_i32 = arith.constant 0 : i32
    %c0_i32_0 = arith.constant 0 : i32
    %c0_i32_1 = arith.constant 0 : i32
    return %c0_i32, %c0_i32_0 : i32, i32
  }
  func.func @transform_5(%arg0: i32) -> (i32, i32) {
    %c0_i32 = arith.constant 0 : i32
    %c0_i32_0 = arith.constant 0 : i32
    return %arg0, %c0_i32 : i32, i32
  }
}

module attributes {stable_mosaic.version = 14 : i64} {
  func.func @body(%arg0: i32, %arg1: memref<2x2000x32xf32, #tpu.memory_space<vmem>>, %arg2: memref<2000x32xf32, #tpu.memory_space<vmem>>, %arg3: memref<2000x1xf32, #tpu.memory_space<vmem>>, %arg4: memref<1x32xf32, #tpu.memory_space<vmem>>, %arg5: memref<128x128xf32, #tpu.memory_space<vmem>>, %arg6: memref<1x128xf32, #tpu.memory_space<vmem>>, %arg7: memref<128x128xf32, #tpu.memory_space<vmem>>, %arg8: memref<1x128xf32, #tpu.memory_space<vmem>>, %arg9: memref<2000x1xf32, #tpu.memory_space<vmem>>) attributes {dimension_semantics = [#tpu.dimension_semantics<arbitrary>], iteration_bounds = array<i64: 5>, scalar_prefetch = 0 : i64, scratch_operands = 0 : i64, tpu.core_type = #tpu.core_type<tc>, window_params = [{transform_indices = @transform_0, window_bounds = array<i64: 2, 2000, 32>}, {transform_indices = @transform_1, window_bounds = array<i64: 2000, 32>}, {transform_indices = @transform_2, window_bounds = array<i64: 2000, 1>}, {pipeline_mode = #tpu.pipeline_mode<synchronous>, transform_indices = @transform_3, window_bounds = array<i64: 1, 32>}, {pipeline_mode = #tpu.pipeline_mode<synchronous>, transform_indices = @transform_4, window_bounds = array<i64: 128, 128>}, {pipeline_mode = #tpu.pipeline_mode<synchronous>, transform_indices = @transform_5, window_bounds = array<i64: 1, 128>}, {pipeline_mode = #tpu.pipeline_mode<synchronous>, transform_indices = @transform_6, window_bounds = array<i64: 128, 128>}, {pipeline_mode = #tpu.pipeline_mode<synchronous>, transform_indices = @transform_7, window_bounds = array<i64: 1, 128>}, {transform_indices = @transform_8, window_bounds = array<i64: 2000, 1>}]} {
    %get3A = arith.constant 0 : index
    %get3A_0 = arith.constant 0 : index
    %get3A_1 = arith.constant 0 : index
    %get3A_2 = vector.load %arg1[%get3A, %get3A_0, %get3A_1] : memref<2x2000x32xf32, #tpu.memory_space<vmem>>, vector<1x2000x32xf32>
    %get3A_3 = vector.shape_cast %get3A_2 : vector<1x2000x32xf32> to vector<2000x32xf32>
    %get3A_4 = arith.constant 1 : index
    %get3A_5 = arith.constant 0 : index
    %get3A_6 = arith.constant 0 : index
    %get3A_7 = vector.load %arg1[%get3A_4, %get3A_5, %get3A_6] : memref<2x2000x32xf32, #tpu.memory_space<vmem>>, vector<1x2000x32xf32>
    %get3A_8 = vector.shape_cast %get3A_7 : vector<1x2000x32xf32> to vector<2000x32xf32>
    %add3A = arith.addf %get3A_3, %get3A_8 : vector<2000x32xf32>
    %get3A_9 = arith.constant 0 : index
    %get3A_10 = arith.constant 0 : index
    %get3A_11 = vector.load %arg2[%get3A_9, %get3A_10] : memref<2000x32xf32, #tpu.memory_space<vmem>>, vector<2000x32xf32>
    %add3A_12 = arith.addf %add3A, %get3A_11 : vector<2000x32xf32>
    %get3A_13 = arith.constant 0 : index
    %get3A_14 = arith.constant 0 : index
    %get3A_15 = vector.load %arg3[%get3A_13, %get3A_14] : memref<2000x1xf32, #tpu.memory_space<vmem>>, vector<2000x1xf32>
    %mul3A = vector.broadcast %get3A_15 : vector<2000x1xf32> to vector<2000x32xf32>
    %mul3A_16 = arith.mulf %add3A_12, %mul3A : vector<2000x32xf32>
    %get3A_17 = arith.constant 0 : index
    %get3A_18 = arith.constant 0 : index
    %get3A_19 = vector.load %arg4[%get3A_17, %get3A_18] : memref<1x32xf32, #tpu.memory_space<vmem>>, vector<1x32xf32>
    %add3A_20 = vector.broadcast %get3A_19 : vector<1x32xf32> to vector<2000x32xf32>
    %add3A_21 = arith.addf %mul3A_16, %add3A_20 : vector<2000x32xf32>
    %max3A = arith.constant 0.000000e+00 : f32
    %max3A_22 = vector.broadcast %max3A : f32 to vector<2000x32xf32>
    %max3A_23 = arith.maximumf %add3A_21, %max3A_22 : vector<2000x32xf32>
    %broadcast_in_dim3A = arith.constant 0.000000e+00 : f32
    %broadcast_in_dim3A_24 = vector.broadcast %broadcast_in_dim3A : f32 to vector<2000x96xf32>
    %concatenate3A = tpu.concatenate %max3A_23, %broadcast_in_dim3A_24 in 1 : vector<2000x32xf32>, vector<2000x96xf32> -> vector<2000x128xf32>
    %get3A_25 = arith.constant 0 : index
    %get3A_26 = arith.constant 0 : index
    %get3A_27 = vector.load %arg5[%get3A_25, %get3A_26] : memref<128x128xf32, #tpu.memory_space<vmem>>, vector<128x128xf32>
    %dot_general3A = arith.constant dense<0.000000e+00> : vector<2000x128xf32>
    %dot_general3A_28 = tpu.matmul %concatenate3A, %get3A_27, %dot_general3A {dimension_numbers = #tpu.dot_dimension_numbers<[1], [0], [0], [1], [0, 0, 1, 1], [], []>, transpose_lhs_hint = false} : vector<2000x128xf32>, vector<128x128xf32>, vector<2000x128xf32> -> vector<2000x128xf32>
    %get3A_29 = arith.constant 0 : index
    %get3A_30 = arith.constant 0 : index
    %get3A_31 = vector.load %arg6[%get3A_29, %get3A_30] : memref<1x128xf32, #tpu.memory_space<vmem>>, vector<1x128xf32>
    %add3A_32 = vector.broadcast %get3A_31 : vector<1x128xf32> to vector<2000x128xf32>
    %add3A_33 = arith.addf %dot_general3A_28, %add3A_32 : vector<2000x128xf32>
    %tanh3A = math.tanh %add3A_33 : vector<2000x128xf32>
    %get3A_34 = arith.constant 0 : index
    %get3A_35 = arith.constant 0 : index
    %get3A_36 = vector.load %arg7[%get3A_34, %get3A_35] : memref<128x128xf32, #tpu.memory_space<vmem>>, vector<128x128xf32>
    %dot_general3A_37 = arith.constant dense<0.000000e+00> : vector<2000x128xf32>
    %dot_general3A_38 = tpu.matmul %tanh3A, %get3A_36, %dot_general3A_37 {dimension_numbers = #tpu.dot_dimension_numbers<[1], [0], [0], [1], [0, 0, 1, 1], [], []>, transpose_lhs_hint = false} : vector<2000x128xf32>, vector<128x128xf32>, vector<2000x128xf32> -> vector<2000x128xf32>
    %get3A_39 = arith.constant 0 : index
    %get3A_40 = arith.constant 0 : index
    %get3A_41 = vector.load %arg8[%get3A_39, %get3A_40] : memref<1x128xf32, #tpu.memory_space<vmem>>, vector<1x128xf32>
    %add3A_42 = vector.broadcast %get3A_41 : vector<1x128xf32> to vector<2000x128xf32>
    %add3A_43 = arith.addf %dot_general3A_38, %add3A_42 : vector<2000x128xf32>
    %tanh3A_44 = math.tanh %add3A_43 : vector<2000x128xf32>
    %slice3A = vector.extract_strided_slice %tanh3A_44 {offsets = [0, 0], sizes = [2000, 1], strides = [1, 1]} : vector<2000x128xf32> to vector<2000x1xf32>
    %swap3A = arith.constant 0 : index
    %swap3A_45 = arith.constant 0 : index
    %swap3A_46 = vector.load %arg9[%swap3A, %swap3A_45] : memref<2000x1xf32, #tpu.memory_space<vmem>>, vector<2000x1xf32>
    tpu.vector_store %arg9[%swap3A, %swap3A_45], %slice3A {strides = array<i32>} : memref<2000x1xf32, #tpu.memory_space<vmem>>, vector<2000x1xf32>,
    return
  }
  func.func @transform_0(%arg0: i32) -> (i32, i32, i32) {
    %c0_i32 = arith.constant 0 : i32
    %c0_i32_0 = arith.constant 0 : i32
    %c0_i32_1 = arith.constant 0 : i32
    return %c0_i32, %arg0, %c0_i32_0 : i32, i32, i32
  }
  func.func @transform_1(%arg0: i32) -> (i32, i32) {
    %c0_i32 = arith.constant 0 : i32
    %c0_i32_0 = arith.constant 0 : i32
    return %arg0, %c0_i32 : i32, i32
  }
  func.func @transform_2(%arg0: i32) -> (i32, i32) {
    %c0_i32 = arith.constant 0 : i32
    %c0_i32_0 = arith.constant 0 : i32
    return %arg0, %c0_i32 : i32, i32
  }
  func.func @transform_3(%arg0: i32) -> (i32, i32) {
    %c0_i32 = arith.constant 0 : i32
    %c0_i32_0 = arith.constant 0 : i32
    %c0_i32_1 = arith.constant 0 : i32
    return %c0_i32, %c0_i32_0 : i32, i32
  }
  func.func @transform_4(%arg0: i32) -> (i32, i32) {
    %c0_i32 = arith.constant 0 : i32
    %c0_i32_0 = arith.constant 0 : i32
    %c0_i32_1 = arith.constant 0 : i32
    return %c0_i32, %c0_i32_0 : i32, i32
  }
  func.func @transform_5(%arg0: i32) -> (i32, i32) {
    %c0_i32 = arith.constant 0 : i32
    %c0_i32_0 = arith.constant 0 : i32
    %c0_i32_1 = arith.constant 0 : i32
    return %c0_i32, %c0_i32_0 : i32, i32
  }
  func.func @transform_6(%arg0: i32) -> (i32, i32) {
    %c0_i32 = arith.constant 0 : i32
    %c0_i32_0 = arith.constant 0 : i32
    %c0_i32_1 = arith.constant 0 : i32
    return %c0_i32, %c0_i32_0 : i32, i32
  }
  func.func @transform_7(%arg0: i32) -> (i32, i32) {
    %c0_i32 = arith.constant 0 : i32
    %c0_i32_0 = arith.constant 0 : i32
    %c0_i32_1 = arith.constant 0 : i32
    return %c0_i32, %c0_i32_0 : i32, i32
  }
  func.func @transform_8(%arg0: i32) -> (i32, i32) {
    %c0_i32 = arith.constant 0 : i32
    %c0_i32_0 = arith.constant 0 : i32
    return %arg0, %c0_i32 : i32, i32
  }
}

</mosaic_0001>

<sc_bundles>
// kernel: kernel.12.cloned.1.call-start
scs
__scs_entry_jumppad:
0x0: {  	(pc) =	sbr.rel $0x88, $3  }
0x1: {  	(tag) =	ssettag $0x0;
	lr =	simm.s32 $0x1  }
0x2: {  	[smem:$0x3F91] =	sst lr;
	_ =	strace $0xD0000000  }
0x3: {  	_ = 	snop  }
0x4: {  	_ = 	snop  }
0x5: {  	_ = 	snop  }
0x6: {  	_ = 	snop  }
0x7: {  	_ = 	snop  }
__scs_overlays_trampoline_lowered:
0x8: {  	[smem:$0x3FA0] =	sst s0  }
0x9: {  	[smem:$0x3FA1] =	sst s1  }
0xa: {  	[smem:$0x3FA2] =	sst s2  }
0xb: {  	[smem:$0x3FA3] =	sst s3  }
0xc: {  	[smem:$0x3FA4] =	sst s4  }
0xd: {  	[smem:$0x3FA5] =	sst s5  }
0xe: {  	[smem:$0x3FA6] =	sst s6  }
0xf: {  	[smem:$0x3FA7] =	sst s7  }
0x10: {  	[smem:$0x3FA8] =	sst s8  }
0x11: {  	[smem:$0x3FA9] =	sst s9;
	s0 =	simm.s32 @!p0 $0x0  }
0x12: {  	s1 =	sld [smem:$0x3F8F];
	s0 =	simm.s32 @p0 $0x1  }
0x13: {  	[smem:$0x3FAA] =	sst s0;
	s0 =	simm.s32 @!p1 $0x0  }
0x14: {  	s2 =	sld [smem:$0x3F8E];
	s0 =	simm.s32 @p1 $0x1  }
0x15: {  	[smem:$0x3FAB] =	sst s0;
	s0 =	simm.s32 @!p2 $0x0  }
0x16: {  	s3 =	sld [smem:$0x3FDB];
	s0 =	simm.s32 @p2 $0x1  }
0x17: {  	s4 =	simm.s32 $0x1BF5;
	[smem:$0x3FAD] =	sst s0  }
0x18: {  	s0 =	sld [smem:$0x3F90];
	_ =	swait.ge [sflag:s4], $0x0  }
0x19: {  	s7 =	sld [smem:$0x3F91]  }
0x1a: {  	s8 =	sadd.s32 $0xFFFFE003, lr  }
0x1b: {  	s9 =	sadd.s32 $0xFFFFFEF7, lr;
	s5 =	simm.s32 $0xFFFFFFFF;
	p2 =	slt.u32 s8, $0xFFFFF086  }
0x1c: {  	p1 =	slt.u32 s9, $0xF7A;
	s5 =	simm.s32 @!p2 $0x0  }
0x1d: {  	s5 =	simm.s32 @p1 $0x1;
	p0 =	seq.s32 s7, s2  }
0x1e: {  	s7 =	smul.u32 @!p0 $0xF7A, s2;
	p2 =	seq.s32 @!p0 s5, $0x0  }
0x1f: {  	s9 =	smul.u32 $0xF7A, s1;
	s8 =	simm.s32 @!p0 $0x1BF5;
	p2 =	por !p2, p0  }
0x20: {  	[sflag:s8] =	ssyncset.s32 @!p0 $0xFFFFF086;
	s6 =	sadd.s32 @!p0 s3, s7;
	s7 =	simm.s32 @!p0 $0x108  }
0x21: {  	s3 =	sadd.s32 s3, s9;
	s6 =	sadd.s32 @!p0 $0x88, s6;
	s7 =	simm.s32 @p2 $0x1082  }
0x22: {  	[simem:s7], [sflag:s8] =	dma.local @!p0 [hbm:s6], $0xF7A  }
0x23: {  	s9 =	sor.u32 $0xD0000000, s2;
	s6 =	simm.s32 $0x108;
	_ =	swait.ge @!p0 [sflag:s8], $0x0  }
0x24: {  	s3 =	sadd.s32 $0x88, s3;
	s6 =	simm.s32 @!p1 $0x1082;
	[sflag:s4] =	ssyncset.s32 $0xFFFFF086  }
0x25: {  	[simem:s6], [sflag:s4] =	dma.local [hbm:s3], $0xF7A  }
0x26: {  	[smem:$0x3F91] =	sst s1;
	(tag) =	ssettag s2;
	_ =	strace s9  }
0x27: {  	s1 =	sld [smem:$0x3FA1]  }
0x28: {  	s2 =	sld [smem:$0x3FA2]  }
0x29: {  	s4 =	sld [smem:$0x3FA4]  }
0x2a: {  	p0 =	seq.s32 s5, $0x0;
	s5 =	sld [smem:$0x3FA5]  }
0x2b: {  	s6 =	sld [smem:$0x3FA6]  }
0x2c: {  	s7 =	sld [smem:$0x3FA7]  }
0x2d: {  	s3 =	simm.s32 $0x108;
	s8 =	sld [smem:$0x3FA8]  }
0x2e: {  	s3 =	simm.s32 @!p0 $0x1082;
	s9 =	sld [smem:$0x3FA9]  }
0x2f: {  	lr =	sadd.s32 s0, s3;
	s0 =	sld [smem:$0x3FA0]  }
0x30: {  	s3 =	sld [smem:$0x3FA3]  }
0x31: {  	[smem:$0x3FAC] =	sst s10  }
0x32: {  	s10 =	sld [smem:$0x3FAA];
	_ =	sdelay $0x3  }
0x33: {  	p0 =	seq.s32 s10, $0x1;
	s10 =	sld [smem:$0x3FAC];
	_ =	sdelay $0x3  }
0x34: {  	[smem:$0x3FAC] =	sst s10  }
0x35: {  	s10 =	sld [smem:$0x3FAB];
	_ =	sdelay $0x3  }
0x36: {  	p1 =	seq.s32 s10, $0x1;
	s10 =	sld [smem:$0x3FAC];
	_ =	sdelay $0x3  }
0x37: {  	[smem:$0x3FAC] =	sst s10  }
0x38: {  	s10 =	sld [smem:$0x3FAD]  }
0x39: {  	_ = 	snop;
	(pc) =	sbr.ind lr, $3  }
0x3a: {  	_ = 	snop  }
0x3b: {  	_ = 	snop  }
0x3c: {  	p2 =	seq.s32 s10, $0x1;
	s10 =	sld [smem:$0x3FAC]  }
0x3d: {  	_ =	shalt  }
0x3e: {  	_ =	shalt  }
0x3f: {  	_ =	shalt  }
0x40: {  	_ =	shalt  }
0x41: {  	_ =	shalt  }
0x42: {  	_ =	shalt  }
0x43: {  	_ =	shalt  }
0x44: {  	_ =	shalt  }
0x45: {  	_ =	shalt  }
0x46: {  	_ =	shalt  }
0x47: {  	_ =	shalt  }
0x48: {  	_ =	shalt  }
0x49: {  	_ =	shalt  }
0x4a: {  	_ =	shalt  }
0x4b: {  	_ =	shalt  }
0x4c: {  	_ =	shalt  }
0x4d: {  	_ =	shalt  }
0x4e: {  	_ =	shalt  }
0x4f: {  	_ =	shalt  }
0x50: {  	_ =	shalt  }
0x51: {  	_ =	shalt  }
0x52: {  	_ =	shalt  }
0x53: {  	_ =	shalt  }
0x54: {  	_ =	shalt  }
0x55: {  	_ =	shalt  }
0x56: {  	_ =	shalt  }
0x57: {  	_ =	shalt  }
0x58: {  	_ =	shalt  }
0x59: {  	_ =	shalt  }
0x5a: {  	_ =	shalt  }
0x5b: {  	_ =	shalt  }
0x5c: {  	_ =	shalt  }
0x5d: {  	_ =	shalt  }
0x5e: {  	_ =	shalt  }
0x5f: {  	_ =	shalt  }
0x60: {  	_ =	shalt  }
0x61: {  	_ =	shalt  }
0x62: {  	_ =	shalt  }
0x63: {  	_ =	shalt  }
0x64: {  	_ =	shalt  }
0x65: {  	_ =	shalt  }
0x66: {  	_ =	shalt  }
0x67: {  	_ =	shalt  }
0x68: {  	_ =	shalt  }
0x69: {  	_ =	shalt  }
0x6a: {  	_ =	shalt  }
0x6b: {  	_ =	shalt  }
0x6c: {  	_ =	shalt  }
0x6d: {  	_ =	shalt  }
0x6e: {  	_ =	shalt  }
0x6f: {  	_ =	shalt  }
0x70: {  	_ =	shalt  }
0x71: {  	_ =	shalt  }
0x72: {  	_ =	shalt  }
0x73: {  	_ =	shalt  }
0x74: {  	_ =	shalt  }
0x75: {  	_ =	shalt  }
0x76: {  	_ =	shalt  }
0x77: {  	_ =	shalt  }
0x78: {  	_ =	shalt  }
0x79: {  	_ =	shalt  }
0x7a: {  	_ =	shalt  }
0x7b: {  	_ =	shalt  }
0x7c: {  	_ =	shalt  }
0x7d: {  	_ =	shalt  }
0x7e: {  	_ =	shalt  }
0x7f: {  	_ =	shalt  }
0x80: {  	_ =	shalt  }
0x81: {  	_ =	shalt  }
0x82: {  	_ =	shalt  }
0x83: {  	_ =	shalt  }
0x84: {  	_ =	shalt  }
0x85: {  	_ =	shalt  }
0x86: {  	_ =	shalt  }
0x87: {  	_ =	shalt  }
.Lfunc_end0:
.L_simem_size_0:
called_computation.1_lowered:
.L_overlay_start_0:
0x88: {  	s2 =	sld [smem:$0x3FD9]  }
0x89: {  	s3 =	sld [smem:$0x3FFE];
	_ =	sdelay $0x1  }
0x8a: {  	s1 =	srdreg.scid  }
0x8b: {  	s0 =	sand.u32 $0x1, s1  }
0x8c: {  	s16 =	sshll.u32 s0, $0xA;
	s2 =	sadd.s32 s3, s2  }
0x8d: {  	s2 =	sadd.s32 s2, s16  }
0x8e: {  	[smem:$0x3FB8] =	sst s2  }
0x8f: {  	_ = 	snop  }
0x90: {  	(tm) =	ssettm $0x1  }
0x91: {  	s17 =	sld [smem:$0x3FFB];
	_ =	sdelay $0x3  }
0x92: {  	_ =	strace s17  }
0x93: {  	s2 =	sld [smem:$0x3FFC];
	_ =	sdelay $0x3  }
0x94: {  	_ =	strace s2  }
0x95: {  	s2 =	sld [smem:$0x3FFD];
	_ =	sdelay $0x3  }
0x96: {  	_ =	strace s2  }
0x97: {  	_ =	strace $0x8FFFFFFF  }
0x98: {  	s18 =	sld [smem:$0x3FDB];
	_ =	sdelay $0x1  }
0x99: {  	s19 =	simm.s32 $_scs_section_size  }
0x9a: {  	s4 =	simm.s32 $_size__tile_overlayer_lowered;
	s5 =	simm.s32 $_tile_overlayer_lowered  }
0x9b: {  	s22 =	simm.s32 $0x1BFF;
	s21 =	sshll.u32 s5, $0x1;
	s2 =	sadd.s32 s19, s18  }
0x9c: {  	s6 =	simm.s32 $0x0;
	s20 =	sshll.u32 s4, $0x1;
	s4 =	sadd.s32 s21, s2  }
0x9d: {  	[timem:s6], [sflag:s22] =	dma.local [hbm:s4], s20  }
0x9e: {  	_ =	swait.ge [sflag:s22], s20  }
0x9f: {  	s3 =	ssub.s32 $0x0, s20;
	[sflag:s22] =	ssyncset.done $0x0  }
0xa0: {  	[sflag:s22] =	ssyncadd.s32 s3;
	_ =	sdelay $0x1  }
0xa1: {  	s23 =	simm.s32 $0x1B8B  }
0xa2: {  	_ =	swait.ge [sflag:s23], $0x1  }
0xa3: {  	[sflag:s23] =	ssyncset.done $0x0  }
0xa4: {  	s25 =	simm.s32 $0x1B8E;
	s24 =	sld [smem:$0x3FFE];
	[sflag:s23] =	ssyncadd.s32 $0xFFFFFFFF  }
0xa5: {  	s26 =	simm.s32 $execute0_lowered;
	[smem:$0x3FD2] =	sst s25  }
0xa6: {  	s4 =	sshll.u32 s26, $0x1;
	_ =	strace $0x80000049;
	[dreg:$0x1] =	wrdreg $0xFFFFFFFF  }
0xa7: {  	s28 =	simm.s32 $_size_execute0_lowered;
	s2 =	sadd.s32 s2, s4;
	[dreg:$0x0] =	wrdreg $0x0  }
0xa8: {  	s4 =	sshll.u32 s28, $0x1;
	[dreg:$0x2] =	wrdreg s2  }
0xa9: {  	[dreg:$0x3] =	wrdreg s4  }
0xaa: {  	[dreg:$0x4] =	wrdreg $0xC0  }
0xab: {  	_ =	task [dreg:s6], $0x5FFFF  }
0xac: {  	[dreg:$0x1] =	wrdreg $0xFFFFFFFF  }
0xad: {  	[dreg:$0x0] =	wrdreg $0x60  }
0xae: {  	[dreg:$0x2] =	wrdreg s24  }
0xaf: {  	[dreg:$0x3] =	wrdreg $0xD0000  }
0xb0: {  	[dreg:$0x4] =	wrdreg $0x11F000  }
0xb1: {  	[dreg:$0x5] =	wrdreg $0x9  }
0xb2: {  	_ =	task.clear_ibuf [dreg:s6], $0x6FFFF;
	_ =	strace $0x90000049  }
0xb3: {  	s29 =	simm.s32 $0x9;
	_ =	strace $0x8000004B  }
0xb4: {  	_ =	swait.ge [sflag:s29], $0x1  }
0xb5: {  	[sflag:s29] =	ssyncadd.s32 $0xFFFFFFFF  }
0xb6: {  	_ =	strace $0x9000004B  }
0xb7: {  	_ =	sfence  }
0xb8: {  	s30 =	sld [smem:$0x0];
	_ =	sdelay $0x2  }
0xb9: {  	s31 =	sshll.u32 s1, $0xD;
	s1 =	sshrl.u32 s1, $0x2  }
0xba: {  	s3 =	sand.u32 $0x4000, s31;
	s1 =	sadd.s32 s1, s30  }
0xbb: {  	s0 =	sor.u32 s3, s0;
	s1 =	sshll.u32 s1, $0x11  }
0xbc: {  	s0 =	sor.u32 s1, s0  }
0xbd: {  	s0 =	sadd.s32 $0x8F2B, s0  }
0xbe: {  	[sflag:s0] =	ssyncadd.remote.s32 $0x1  }
0xbf: {  	_ =	sfence.sel $0xFFFF  }
0xc0: {  	[dreg:$0x0] =	wrdreg $0xFFFFFFFF;
	(pc) =	sbr.abs _section_cstart, $3  }
0xc1: {  	[dreg:$0x1] =	wrdreg $0xFFFFFFFF  }
0xc2: {  	_ =	task.clear_ibuf [dreg:s6], $0x2FFFF;
	_ =	strace $0x9FFFFFFF  }
0xc3: {  	(tm) =	ssettm $0x7FFFFFFF  }
tec
execute0_lowered:
.L_overlay_start_1:
0x0: {  	(tag) =	ssettag $0x1  }
0x1: {  	s0 =	rddreg [dreg:$0x0]  }
0x2: {  	s2 =	rddreg [dreg:$0x1]  }
0x3: {  	s3 =	rddreg [dreg:$0x2]  }
0x4: {  	s9 =	stileid.u32;
	s1 =	srdreg.scid  }
0x5: {  	s5 =	simm.s32 $0x0;
	s13 =	simm.s32 $0x11;
	s16 =	simm.s32 $0x80  }
0x6: {  	s24 =	simm.s32 $0x5000;
	s25 =	simm.s32 $0x6000;
	[smem:$0x7FF] =	sst s5  }
0x7: {  	s26 =	simm.s32 $0x7000;
	_ =	strace $0x8000004A;
	[dreg:$0x4] =	wrdreg s24  }
0x8: {  	s28 =	simm.s32 $0x8000;
	s29 =	simm.s32 $0x9000;
	[dreg:$0x5] =	wrdreg s25  }
0x9: {  	s30 =	simm.s32 $0xA000;
	s31 =	simm.s32 $0xB000;
	[dreg:$0x6] =	wrdreg s26  }
0xa: {  	s15 =	simm.s32 $0x10;
	s4 =	smul.u32 $0x4F00, s9;
	[dreg:$0x7] =	wrdreg s28  }
0xb: {  	s1 =	sand.u32 $0x1, s1;
	s19 =	sshll.u32 s9, $0x6;
	[dreg:$0x8] =	wrdreg s29  }
0xc: {  	s17 =	sshll.u32 s1, $0x4;
	s6 =	smul.u32 $0x4F000, s1;
	[dreg:$0x9] =	wrdreg s30  }
0xd: {  	s1 =	ssub.s32 $0x2, s1;
	s24 =	simm.s32 $0x7;
	[dreg:$0xa] =	wrdreg s31  }
0xe: {  	s25 =	simm.s32 $0x8;
	s5 =	sor.u32 s9, s17;
	s7 =	sshrl.u32 s4, $0x3  }
0xf: {  	s18 =	sshrl.u32 s1, $0x1;
	s8 =	sadd.s32 s4, s2;
	s17 =	simm.s32 $0xC000  }
0x10: {  	s5 =	smul.u32 $0x500, s5;
	s6 =	sadd.s32 s4, s6;
	s7 =	sadd.s32 s7, s0  }
0x11: {  	s1 =	ssub.s32 s1, s18;
	s4 =	sadd.s32 s4, s3;
	s12 =	sshrl.u32 s8, $0x3  }
0x12: {  	s18 =	simm.s32 $0x1;
	s6 =	sshrl.u32 s6, $0x3;
	s20 =	sadd.s32 $0x23800, s7  }
0x13: {  	s7 =	sadd.s32 $0xA600, s7;
	s22 =	smax.u32 s1, $0x1;
	[dreg:$0xb] =	wrdreg s20  }
0x14: {  	s23 =	sshrl.u32 s4, $0x3;
	s1 =	simm.s32 $0xF;
	[dreg:$0xc] =	wrdreg s7  }
0x15: {  	s4 =	simm.s32 $0x0;
	s5 =	sadd.s32 s5, s0;
	[dreg:$0x10] =	wrdreg s22  }
0x16: {  	s0 =	sadd.s32 s6, s0;
	s6 =	sor.u32 $0x1C11, s19;
	[dreg:$0x11] =	wrdreg s23  }
0x17: {  	s19 =	simm.s32 $0x2;
	s20 =	simm.s32 $0x3;
	s21 =	sadd.s32 $0x19800, s5  }
0x18: {  	s22 =	simm.s32 $0x5;
	s5 =	sadd.s32 $0x600, s5;
	[dreg:$0xd] =	wrdreg s21  }
0x19: {  	s23 =	simm.s32 $0x6;
	s0 =	sadd.s32 $0x2D600, s0;
	[dreg:$0xe] =	wrdreg s5  }
0x1a: {  	[dreg:$0xf] =	wrdreg s0;
	s21 =	simm.s32 $0x4;
	s0 =	simm.s32 $0xE  }
.LBB2_1:
0x1b: {  	s5 =	rddreg [dreg:$0xb]  }
0x1c: {  	[spmem:s12], [sflag:s6] =	dma.local [hbm:s5], $0x9E0  }
0x1d: {  	_ =	swait.ge [sflag:s13], $0x9E0  }
0x1e: {  	[sflag:s13] =	ssyncset.done $0x0;
	s28 =	rddreg [dreg:$0xc]  }
0x1f: {  	s7 =	rddreg [dreg:$0x11];
	[sflag:s13] =	ssyncadd.s32 $0xFFFFF620  }
0x20: {  	[spmem:s7], [sflag:s6] =	dma.local [hbm:s28], $0x9E0  }
0x21: {  	_ =	swait.ge [sflag:s13], $0x9E0  }
0x22: {  	[sflag:s13] =	ssyncset.done $0x0  }
0x23: {  	s29 =	simm.s32 $0x0;
	s30 =	rddreg [dreg:$0xd];
	[sflag:s13] =	ssyncadd.s32 $0xFFFFF620  }
0x24: {  	[tilespmem:s29], [sflag:$0x11] =	stream.linear.gather [hbm4b:s30+s29], $0x2800, $0x38;
	[tilespmem:$0x16E00] =	vst v63  }
0x25: {  	_ =	swait.ge [sflag:s13], $0x2800  }
0x26: {  	[sflag:s13] =	ssyncset.done $0x0  }
0x27: {  	s8 =	simm.s32 $0x2800;
	s31 =	rddreg [dreg:$0xe];
	[sflag:s13] =	ssyncadd.s32 $0xFFFFD800  }
0x28: {  	[tilespmem:s8], [sflag:$0x11] =	stream.linear.gather [hbm4b:s31+s29], $0x2800, $0x38;
	[tilespmem:$0x16E00] =	vst v63  }
0x29: {  	_ =	swait.ge [sflag:s13], $0x2800  }
0x2a: {  	[sflag:s13] =	ssyncset.done $0x0  }
0x2b: {  	p0 =	por $0x0, $0x0;
	[sflag:s13] =	ssyncadd.s32 $0xFFFFD800  }
0x2c: {  	s5 =	simm.s32 @p0 $0x9;
	[bflag:$0x0] =	sbarrier.arrive $0xFFFF  }
0x2d: {  	_ =	swait.ge @p0 [sflag:s5], $0x1000  }
0x2e: {  	s9 =	simm.s32 @p0 $0x80;
	s7 =	simm.s32 @p0 $0x5000;
	[sflag:s5] =	ssyncset.done @p0 $0x0  }
0x2f: {  	s8 =	simm.s32 @p0 $0xA;
	[sflag:s5] =	ssyncadd.s32 @p0 $0xFFFFF000;
	s5 =	simm.s32 @p0 $0x0  }
0x30: {  	[tilespmem:s7], [sflag:$0x1] =	stream.indirect.gather @p0 [spmem:s3], $0x20, s5, s9, $0xb8;
	[tilespmem:$0x16E00] =	vst v63  }
0x31: {  	_ =	swait.ge @p0 [sflag:s8], $0x1000  }
0x32: {  	s5 =	simm.s32 @p0 $0x80;
	[sflag:s8] =	ssyncset.done @p0 $0x0  }
0x33: {  	s7 =	simm.s32 @p0 $0x6000;
	[sflag:s8] =	ssyncadd.s32 @p0 $0xFFFFF000;
	s8 =	simm.s32 @p0 $0xB  }
0x34: {  	[tilespmem:s7], [sflag:$0x2] =	stream.indirect.gather @p0 [spmem:s3], $0x20, s5, s9, $0xb8;
	[tilespmem:$0x16E00] =	vst v63  }
0x35: {  	_ =	swait.ge @p0 [sflag:s8], $0x1000  }
0x36: {  	s5 =	simm.s32 @p0 $0x100;
	[sflag:s8] =	ssyncset.done @p0 $0x0  }
0x37: {  	s7 =	simm.s32 @p0 $0x7000;
	[sflag:s8] =	ssyncadd.s32 @p0 $0xFFFFF000;
	s8 =	simm.s32 @p0 $0xC  }
0x38: {  	[tilespmem:s7], [sflag:$0x3] =	stream.indirect.gather @p0 [spmem:s3], $0x20, s5, s9, $0xb8;
	[tilespmem:$0x16E00] =	vst v63  }
0x39: {  	_ =	swait.ge @p0 [sflag:s8], $0x1000  }
0x3a: {  	s5 =	simm.s32 @p0 $0x180;
	[sflag:s8] =	ssyncset.done @p0 $0x0  }
0x3b: {  	s7 =	simm.s32 @p0 $0x8000;
	[sflag:s8] =	ssyncadd.s32 @p0 $0xFFFFF000;
	s8 =	simm.s32 @p0 $0xD  }
0x3c: {  	[tilespmem:s7], [sflag:$0x4] =	stream.indirect.gather @p0 [spmem:s3], $0x20, s5, s9, $0xb8;
	[tilespmem:$0x16E00] =	vst v63  }
0x3d: {  	_ =	swait.ge @p0 [sflag:s8], $0x1000  }
0x3e: {  	s5 =	simm.s32 @p0 $0x200;
	[sflag:s8] =	ssyncset.done @p0 $0x0  }
0x3f: {  	s7 =	simm.s32 @p0 $0x9000;
	[sflag:s8] =	ssyncadd.s32 @p0 $0xFFFFF000;
	s8 =	simm.s32 @p0 $0xE  }
0x40: {  	[tilespmem:s7], [sflag:$0x5] =	stream.indirect.gather @p0 [spmem:s3], $0x20, s5, s9, $0xb8;
	[tilespmem:$0x16E00] =	vst v63  }
0x41: {  	_ =	swait.ge @p0 [sflag:s8], $0x1000  }
0x42: {  	s5 =	simm.s32 @p0 $0x280;
	[sflag:s8] =	ssyncset.done @p0 $0x0  }
0x43: {  	s7 =	simm.s32 @p0 $0xA000;
	[sflag:s8] =	ssyncadd.s32 @p0 $0xFFFFF000;
	s8 =	simm.s32 @p0 $0xF  }
0x44: {  	[tilespmem:s7], [sflag:$0x6] =	stream.indirect.gather @p0 [spmem:s3], $0x20, s5, s9, $0xb8;
	[tilespmem:$0x16E00] =	vst v63  }
0x45: {  	_ =	swait.ge @p0 [sflag:s8], $0x1000  }
0x46: {  	s5 =	simm.s32 @p0 $0x300;
	[sflag:s8] =	ssyncset.done @p0 $0x0  }
0x47: {  	s7 =	simm.s32 @p0 $0xB000;
	[sflag:s8] =	ssyncadd.s32 @p0 $0xFFFFF000;
	s8 =	simm.s32 @p0 $0x10  }
0x48: {  	[tilespmem:s7], [sflag:$0x7] =	stream.indirect.gather @p0 [spmem:s3], $0x20, s5, s9, $0xb8;
	[tilespmem:$0x16E00] =	vst v63  }
0x49: {  	_ =	swait.ge @p0 [sflag:s8], $0x1000  }
0x4a: {  	s5 =	simm.s32 @!p0 $0x5000;
	[sflag:s8] =	ssyncset.done @p0 $0x0  }
0x4b: {  	s7 =	simm.s32 @!p0 $0x0;
	[sflag:s8] =	ssyncadd.s32 @p0 $0xFFFFF000;
	s8 =	simm.s32 @!p0 $0x80  }
0x4c: {  	[tilespmem:s5], [sflag:$0x1] =	stream.indirect.gather @!p0 [spmem:s3], $0x20, s7, s8, $0xb8;
	[tilespmem:$0x16E00] =	vst v63  }
0x4d: {  	s5 =	simm.s32 @!p0 $0x6000  }
0x4e: {  	[tilespmem:s5], [sflag:$0x2] =	stream.indirect.gather @!p0 [spmem:s3], $0x20, s8, s8, $0xb8;
	[tilespmem:$0x16E00] =	vst v63  }
0x4f: {  	s7 =	simm.s32 @!p0 $0x7000;
	s5 =	simm.s32 @!p0 $0x100  }
0x50: {  	[tilespmem:s7], [sflag:$0x3] =	stream.indirect.gather @!p0 [spmem:s3], $0x20, s5, s8, $0xb8;
	[tilespmem:$0x16E00] =	vst v63  }
0x51: {  	s5 =	simm.s32 @!p0 $0x180;
	s7 =	simm.s32 @!p0 $0x8000  }
0x52: {  	[tilespmem:s7], [sflag:$0x4] =	stream.indirect.gather @!p0 [spmem:s3], $0x20, s5, s8, $0xb8;
	[tilespmem:$0x16E00] =	vst v63  }
0x53: {  	s5 =	simm.s32 @!p0 $0x200;
	s7 =	simm.s32 @!p0 $0x9000  }
0x54: {  	[tilespmem:s7], [sflag:$0x5] =	stream.indirect.gather @!p0 [spmem:s3], $0x20, s5, s8, $0xb8;
	[tilespmem:$0x16E00] =	vst v63  }
0x55: {  	s5 =	simm.s32 @!p0 $0x280;
	s7 =	simm.s32 @!p0 $0xA000  }
0x56: {  	[tilespmem:s7], [sflag:$0x6] =	stream.indirect.gather @!p0 [spmem:s3], $0x20, s5, s8, $0xb8;
	[tilespmem:$0x16E00] =	vst v63  }
0x57: {  	s5 =	simm.s32 @!p0 $0x300;
	s7 =	simm.s32 @!p0 $0xB000  }
0x58: {  	[tilespmem:s7], [sflag:$0x7] =	stream.indirect.gather @!p0 [spmem:s3], $0x20, s5, s8, $0xb8;
	[tilespmem:$0x16E00] =	vst v63  }
0x59: {  	s9 =	simm.s32 $0x380  }
0x5a: {  	[tilespmem:s17], [sflag:$0x8] =	stream.indirect.gather [spmem:s3], $0x20, s9, s16, $0xb8;
	[tilespmem:$0x16E00] =	vst v63  }
0x5b: {  	_ =	swait.ge [sflag:s18], $0x1000  }
0x5c: {  	[sflag:s18] =	ssyncset.done $0x0  }
0x5d: {  	s11 =	simm.s32 $0x2800;
	s10 =	rddreg [dreg:$0x4];
	[sflag:s18] =	ssyncadd.s32 $0xFFFFF000  }
0x5e: {  	[spmem:s2] =	stream.indirect.scatter.add.f32 [tilespmem:s10], [sflag:$0x9], $0x20, s11, s16, $0xb8;
	[tilespmem:$0x16E00] =	vst v63  }
0x5f: {  	s5 =	simm.s32 @p0 $0x80;
	_ =	swait.ge [sflag:s19], $0x1000  }
0x60: {  	s5 =	simm.s32 @!p0 $0x80;
	[sflag:s19] =	ssyncset.done $0x0  }
0x61: {  	s5 =	sadd.s32 $0x2800, s5;
	s14 =	rddreg [dreg:$0x5];
	[sflag:s19] =	ssyncadd.s32 $0xFFFFF000  }
0x62: {  	[spmem:s2] =	stream.indirect.scatter.add.f32 [tilespmem:s14], [sflag:$0xA], $0x20, s5, s16, $0xb8;
	[tilespmem:$0x16E00] =	vst v63  }
0x63: {  	s5 =	simm.s32 @p0 $0x100;
	_ =	swait.ge [sflag:s20], $0x1000  }
0x64: {  	s5 =	simm.s32 @!p0 $0x100;
	[sflag:s20] =	ssyncset.done $0x0  }
0x65: {  	s26 =	rddreg [dreg:$0x6];
	s5 =	sadd.s32 $0x2800, s5;
	[sflag:s20] =	ssyncadd.s32 $0xFFFFF000  }
0x66: {  	[spmem:s2] =	stream.indirect.scatter.add.f32 [tilespmem:s26], [sflag:$0xB], $0x20, s5, s16, $0xb8;
	[tilespmem:$0x16E00] =	vst v63  }
0x67: {  	s5 =	simm.s32 @p0 $0x180;
	_ =	swait.ge [sflag:s21], $0x1000  }
0x68: {  	s5 =	simm.s32 @!p0 $0x180;
	[sflag:s21] =	ssyncset.done $0x0  }
0x69: {  	s28 =	rddreg [dreg:$0x7];
	s5 =	sadd.s32 $0x2800, s5;
	[sflag:s21] =	ssyncadd.s32 $0xFFFFF000  }
0x6a: {  	[spmem:s2] =	stream.indirect.scatter.add.f32 [tilespmem:s28], [sflag:$0xC], $0x20, s5, s16, $0xb8;
	[tilespmem:$0x16E00] =	vst v63  }
0x6b: {  	s5 =	simm.s32 @p0 $0x200;
	_ =	swait.ge [sflag:s22], $0x1000  }
0x6c: {  	s5 =	simm.s32 @!p0 $0x200;
	[sflag:s22] =	ssyncset.done $0x0  }
0x6d: {  	s29 =	rddreg [dreg:$0x8];
	s5 =	sadd.s32 $0x2800, s5;
	[sflag:s22] =	ssyncadd.s32 $0xFFFFF000  }
0x6e: {  	[spmem:s2] =	stream.indirect.scatter.add.f32 [tilespmem:s29], [sflag:$0xD], $0x20, s5, s16, $0xb8;
	[tilespmem:$0x16E00] =	vst v63  }
0x6f: {  	s5 =	simm.s32 @p0 $0x280;
	_ =	swait.ge [sflag:s23], $0x1000  }
0x70: {  	s5 =	simm.s32 @!p0 $0x280;
	[sflag:s23] =	ssyncset.done $0x0  }
0x71: {  	s30 =	rddreg [dreg:$0x9];
	s5 =	sadd.s32 $0x2800, s5;
	[sflag:s23] =	ssyncadd.s32 $0xFFFFF000  }
0x72: {  	[spmem:s2] =	stream.indirect.scatter.add.f32 [tilespmem:s30], [sflag:$0xE], $0x20, s5, s16, $0xb8;
	[tilespmem:$0x16E00] =	vst v63  }
0x73: {  	s5 =	simm.s32 $0x300;
	_ =	swait.ge [sflag:s24], $0x1000  }
0x74: {  	s7 =	simm.s32 $0x1000;
	s5 =	simm.s32 @!p0 $0x300;
	[sflag:s24] =	ssyncset.done $0x0  }
0x75: {  	s31 =	rddreg [dreg:$0xa];
	s5 =	sadd.s32 $0x2800, s5;
	[sflag:s24] =	ssyncadd.s32 $0xFFFFF000  }
0x76: {  	[spmem:s2] =	stream.indirect.scatter.add.f32 [tilespmem:s31], [sflag:$0xF], $0x20, s5, s16, $0xb8;
	[tilespmem:$0x16E00] =	vst v63  }
0x77: {  	s8 =	simm.s32 $0x2000;
	s10 =	simm.s32 $0x2B80;
	_ =	swait.ge [sflag:s25], $0x1000  }
0x78: {  	p0 =	por $0x1, $0x1;
	s5 =	simm.s32 $0x700;
	[sflag:s25] =	ssyncset.done $0x0  }
.LBB2_2:
0x79: {  	s11 =	simm.s32 @p0 $0x9;
	[sflag:s25] =	ssyncadd.s32 $0xFFFFF000  }
0x7a: {  	[spmem:s2] =	stream.indirect.scatter.add.f32 [tilespmem:s17], [sflag:$0x10], $0x20, s10, s16, $0xb8;
	[tilespmem:$0x16E00] =	vst v63  }
0x7b: {  	_ =	swait.ge @p0 [sflag:s11], $0x1000  }
0x7c: {  	s14 =	simm.s32 @p0 $0x5000;
	s26 =	simm.s32 @p0 $0xA;
	[sflag:s11] =	ssyncset.done @p0 $0x0  }
0x7d: {  	s10 =	simm.s32 @p0 $0x80;
	[sflag:s11] =	ssyncadd.s32 @p0 $0xFFFFF000;
	s11 =	sshra.s32 @p0 s7, $0x2  }
0x7e: {  	[tilespmem:s14], [sflag:$0x1] =	stream.indirect.gather @p0 [spmem:s3], $0x20, s11, s10, $0xb8;
	[tilespmem:$0x16E00] =	vst v63  }
0x7f: {  	_ =	swait.ge @p0 [sflag:s26], $0x1000  }
0x80: {  	s31 =	simm.s32 @p0 $0xB;
	[sflag:s26] =	ssyncset.done @p0 $0x0  }
0x81: {  	s14 =	sadd.s32 @p0 $0x80, s11;
	[sflag:s26] =	ssyncadd.s32 @p0 $0xFFFFF000;
	s26 =	simm.s32 @p0 $0x6000  }
0x82: {  	[tilespmem:s26], [sflag:$0x2] =	stream.indirect.gather @p0 [spmem:s3], $0x20, s14, s10, $0xb8;
	[tilespmem:$0x16E00] =	vst v63  }
0x83: {  	_ =	swait.ge @p0 [sflag:s31], $0x1000  }
0x84: {  	s28 =	sadd.s32 @p0 $0x100, s11;
	[sflag:s31] =	ssyncset.done @p0 $0x0  }
0x85: {  	s26 =	simm.s32 @p0 $0x7000;
	[sflag:s31] =	ssyncadd.s32 @p0 $0xFFFFF000;
	s31 =	simm.s32 @p0 $0xC  }
0x86: {  	[tilespmem:s26], [sflag:$0x3] =	stream.indirect.gather @p0 [spmem:s3], $0x20, s28, s10, $0xb8;
	[tilespmem:$0x16E00] =	vst v63  }
0x87: {  	_ =	swait.ge @p0 [sflag:s31], $0x1000  }
0x88: {  	s29 =	sadd.s32 @p0 $0x180, s11;
	[sflag:s31] =	ssyncset.done @p0 $0x0  }
0x89: {  	s26 =	simm.s32 @p0 $0x8000;
	s28 =	simm.s32 @p0 $0xD;
	[sflag:s31] =	ssyncadd.s32 @p0 $0xFFFFF000  }
0x8a: {  	[tilespmem:s26], [sflag:$0x4] =	stream.indirect.gather @p0 [spmem:s3], $0x20, s29, s10, $0xb8;
	[tilespmem:$0x16E00] =	vst v63  }
0x8b: {  	_ =	swait.ge @p0 [sflag:s28], $0x1000  }
0x8c: {  	s30 =	sadd.s32 @p0 $0x200, s11;
	[sflag:s28] =	ssyncset.done @p0 $0x0  }
0x8d: {  	s26 =	simm.s32 @p0 $0x9000;
	[sflag:s28] =	ssyncadd.s32 @p0 $0xFFFFF000;
	s28 =	simm.s32 @p0 $0xE  }
0x8e: {  	[tilespmem:s26], [sflag:$0x5] =	stream.indirect.gather @p0 [spmem:s3], $0x20, s30, s10, $0xb8;
	[tilespmem:$0x16E00] =	vst v63  }
0x8f: {  	_ =	swait.ge @p0 [sflag:s28], $0x1000  }
0x90: {  	s14 =	sadd.s32 @p0 $0x280, s11;
	[sflag:s28] =	ssyncset.done @p0 $0x0  }
0x91: {  	s26 =	simm.s32 @p0 $0xA000;
	[sflag:s28] =	ssyncadd.s32 @p0 $0xFFFFF000;
	s28 =	simm.s32 @p0 $0xF  }
0x92: {  	[tilespmem:s26], [sflag:$0x6] =	stream.indirect.gather @p0 [spmem:s3], $0x20, s14, s10, $0xb8;
	[tilespmem:$0x16E00] =	vst v63  }
0x93: {  	_ =	swait.ge @p0 [sflag:s28], $0x1000  }
0x94: {  	s11 =	sadd.s32 @p0 $0x300, s11;
	[sflag:s28] =	ssyncset.done @p0 $0x0  }
0x95: {  	s14 =	simm.s32 @p0 $0xB000;
	s26 =	simm.s32 @p0 $0x10;
	[sflag:s28] =	ssyncadd.s32 @p0 $0xFFFFF000  }
0x96: {  	[tilespmem:s14], [sflag:$0x7] =	stream.indirect.gather @p0 [spmem:s3], $0x20, s11, s10, $0xb8;
	[tilespmem:$0x16E00] =	vst v63  }
0x97: {  	_ =	swait.ge @p0 [sflag:s26], $0x1000  }
0x98: {  	s10 =	simm.s32 @!p0 $0x5000;
	[sflag:s26] =	ssyncset.done @p0 $0x0  }
0x99: {  	s11 =	sshra.s32 @!p0 s7, $0x2;
	s14 =	simm.s32 @!p0 $0x80;
	[sflag:s26] =	ssyncadd.s32 @p0 $0xFFFFF000  }
0x9a: {  	[tilespmem:s10], [sflag:$0x1] =	stream.indirect.gather @!p0 [spmem:s3], $0x20, s11, s14, $0xb8;
	[tilespmem:$0x16E00] =	vst v63  }
0x9b: {  	s10 =	simm.s32 @!p0 $0x6000  }
0x9c: {  	[tilespmem:s10], [sflag:$0x2] =	stream.indirect.gather @!p0 [spmem:s3], $0x20, s14, s14, $0xb8;
	[tilespmem:$0x16E00] =	vst v63  }
0x9d: {  	s11 =	simm.s32 @!p0 $0x7000;
	s10 =	simm.s32 @!p0 $0x100  }
0x9e: {  	[tilespmem:s11], [sflag:$0x3] =	stream.indirect.gather @!p0 [spmem:s3], $0x20, s10, s14, $0xb8;
	[tilespmem:$0x16E00] =	vst v63  }
0x9f: {  	s10 =	simm.s32 @!p0 $0x180;
	s11 =	simm.s32 @!p0 $0x8000  }
0xa0: {  	[tilespmem:s11], [sflag:$0x4] =	stream.indirect.gather @!p0 [spmem:s3], $0x20, s10, s14, $0xb8;
	[tilespmem:$0x16E00] =	vst v63  }
0xa1: {  	s10 =	simm.s32 @!p0 $0x200;
	s11 =	simm.s32 @!p0 $0x9000  }
0xa2: {  	[tilespmem:s11], [sflag:$0x5] =	stream.indirect.gather @!p0 [spmem:s3], $0x20, s10, s14, $0xb8;
	[tilespmem:$0x16E00] =	vst v63  }
0xa3: {  	s10 =	simm.s32 @!p0 $0x280;
	s11 =	simm.s32 @!p0 $0xA000  }
0xa4: {  	[tilespmem:s11], [sflag:$0x6] =	stream.indirect.gather @!p0 [spmem:s3], $0x20, s10, s14, $0xb8;
	[tilespmem:$0x16E00] =	vst v63  }
0xa5: {  	s26 =	simm.s32 @!p0 $0xB000;
	s11 =	simm.s32 @!p0 $0x300;
	s10 =	sshra.s32 s7, $0x2  }
0xa6: {  	[tilespmem:s26], [sflag:$0x7] =	stream.indirect.gather @!p0 [spmem:s3], $0x20, s11, s14, $0xb8;
	[tilespmem:$0x16E00] =	vst v63  }
0xa7: {  	s29 =	sadd.s32 $0x380, s10  }
0xa8: {  	[tilespmem:s17], [sflag:$0x8] =	stream.indirect.gather [spmem:s3], $0x20, s29, s16, $0xb8;
	[tilespmem:$0x16E00] =	vst v63  }
0xa9: {  	_ =	swait.ge [sflag:s18], $0x1000  }
0xaa: {  	s9 =	smov.u32 s8;
	[sflag:s18] =	ssyncset.done $0x0  }
0xab: {  	s31 =	sadd.s32 $0x2800, s10;
	s30 =	rddreg [dreg:$0x4];
	[sflag:s18] =	ssyncadd.s32 $0xFFFFF000  }
0xac: {  	[spmem:s2] =	stream.indirect.scatter.add.f32 [tilespmem:s30], [sflag:$0x9], $0x20, s31, s16, $0xb8;
	[tilespmem:$0x16E00] =	vst v63  }
0xad: {  	s7 =	smov.u32 s9;
	s9 =	sadd.s32 @p0 $0xFFFFFD80, s5;
	_ =	swait.ge [sflag:s19], $0x1000  }
0xae: {  	s9 =	simm.s32 @!p0 $0x80;
	[sflag:s19] =	ssyncset.done $0x0  }
0xaf: {  	s9 =	sadd.s32 $0x2800, s9;
	s14 =	rddreg [dreg:$0x5];
	[sflag:s19] =	ssyncadd.s32 $0xFFFFF000  }
0xb0: {  	[spmem:s2] =	stream.indirect.scatter.add.f32 [tilespmem:s14], [sflag:$0xA], $0x20, s9, s16, $0xb8;
	[tilespmem:$0x16E00] =	vst v63  }
0xb1: {  	s9 =	sadd.s32 @p0 $0xFFFFFE00, s5;
	_ =	swait.ge [sflag:s20], $0x1000  }
0xb2: {  	s9 =	simm.s32 @!p0 $0x100;
	[sflag:s20] =	ssyncset.done $0x0  }
0xb3: {  	s26 =	rddreg [dreg:$0x6];
	s9 =	sadd.s32 $0x2800, s9;
	[sflag:s20] =	ssyncadd.s32 $0xFFFFF000  }
0xb4: {  	[spmem:s2] =	stream.indirect.scatter.add.f32 [tilespmem:s26], [sflag:$0xB], $0x20, s9, s16, $0xb8;
	[tilespmem:$0x16E00] =	vst v63  }
0xb5: {  	s9 =	sadd.s32 @p0 $0xFFFFFE80, s5;
	_ =	swait.ge [sflag:s21], $0x1000  }
0xb6: {  	s9 =	simm.s32 @!p0 $0x180;
	[sflag:s21] =	ssyncset.done $0x0  }
0xb7: {  	s28 =	rddreg [dreg:$0x7];
	s9 =	sadd.s32 $0x2800, s9;
	[sflag:s21] =	ssyncadd.s32 $0xFFFFF000  }
0xb8: {  	[spmem:s2] =	stream.indirect.scatter.add.f32 [tilespmem:s28], [sflag:$0xC], $0x20, s9, s16, $0xb8;
	[tilespmem:$0x16E00] =	vst v63  }
0xb9: {  	s9 =	sadd.s32 @p0 $0xFFFFFF00, s5;
	_ =	swait.ge [sflag:s22], $0x1000  }
0xba: {  	s9 =	simm.s32 @!p0 $0x200;
	[sflag:s22] =	ssyncset.done $0x0  }
0xbb: {  	s29 =	rddreg [dreg:$0x8];
	s9 =	sadd.s32 $0x2800, s9;
	[sflag:s22] =	ssyncadd.s32 $0xFFFFF000  }
0xbc: {  	[spmem:s2] =	stream.indirect.scatter.add.f32 [tilespmem:s29], [sflag:$0xD], $0x20, s9, s16, $0xb8;
	[tilespmem:$0x16E00] =	vst v63  }
0xbd: {  	s9 =	sadd.s32 @p0 $0xFFFFFF80, s5;
	_ =	swait.ge [sflag:s23], $0x1000  }
0xbe: {  	s8 =	sadd.s32 $0x1000, s8;
	s9 =	simm.s32 @!p0 $0x280;
	[sflag:s23] =	ssyncset.done $0x0  }
0xbf: {  	s30 =	rddreg [dreg:$0x9];
	s9 =	sadd.s32 $0x2800, s9;
	[sflag:s23] =	ssyncadd.s32 $0xFFFFF000  }
0xc0: {  	[spmem:s2] =	stream.indirect.scatter.add.f32 [tilespmem:s30], [sflag:$0xE], $0x20, s9, s16, $0xb8;
	[tilespmem:$0x16E00] =	vst v63  }
0xc1: {  	p1 =	sne.s32 s8, $0xA000;
	s11 =	smov.u32 s5;
	_ =	swait.ge [sflag:s24], $0x1000  }
.Ltmp0:
0xc2: {  	s11 =	simm.s32 @!p0 $0x300;
	[sflag:s24] =	ssyncset.done $0x0;
	(pc) =	sbr.rel @p1 .LBB2_2-.Ltmp0, $4  }
0xc3: {  	s11 =	sadd.s32 $0x2800, s11;
	s31 =	rddreg [dreg:$0xa];
	[sflag:s24] =	ssyncadd.s32 $0xFFFFF000  }
0xc4: {  	[spmem:s2] =	stream.indirect.scatter.add.f32 [tilespmem:s31], [sflag:$0xF], $0x20, s11, s16, $0xb8;
	[tilespmem:$0x16E00] =	vst v63  }
0xc5: {  	s10 =	sadd.s32 $0x2B80, s10;
	_ =	swait.ge [sflag:s25], $0x1000  }
0xc6: {  	s5 =	sadd.s32 $0x400, s5;
	p0 =	sne.s32 s7, $0x0;
	[sflag:s25] =	ssyncset.done $0x0  }
0xc7: {  	s8 =	simm.s32 @p0 $0x9;
	[sflag:s25] =	ssyncadd.s32 $0xFFFFF000  }
0xc8: {  	[spmem:s2] =	stream.indirect.scatter.add.f32 [tilespmem:s17], [sflag:$0x10], $0x20, s10, s16, $0xb8;
	[tilespmem:$0x16E00] =	vst v63  }
0xc9: {  	_ =	swait.ge @p0 [sflag:s8], $0x1000  }
0xca: {  	s9 =	simm.s32 @p0 $0x5000;
	s11 =	simm.s32 @p0 $0x80;
	[sflag:s8] =	ssyncset.done @p0 $0x0  }
0xcb: {  	s10 =	simm.s32 @p0 $0xA;
	[sflag:s8] =	ssyncadd.s32 @p0 $0xFFFFF000;
	s8 =	sshra.s32 @p0 s7, $0x2  }
0xcc: {  	[tilespmem:s9], [sflag:$0x1] =	stream.indirect.gather @p0 [spmem:s3], $0x20, s8, s11, $0xb8;
	[tilespmem:$0x16E00] =	vst v63  }
0xcd: {  	_ =	swait.ge @p0 [sflag:s10], $0x1000  }
0xce: {  	[sflag:s10] =	ssyncset.done @p0 $0x0  }
0xcf: {  	s9 =	sadd.s32 @p0 $0x80, s8;
	[sflag:s10] =	ssyncadd.s32 @p0 $0xFFFFF000;
	s10 =	simm.s32 @p0 $0x6000  }
0xd0: {  	[tilespmem:s10], [sflag:$0x2] =	stream.indirect.gather @p0 [spmem:s3], $0x20, s9, s11, $0xb8;
	[tilespmem:$0x16E00] =	vst v63  }
0xd1: {  	s9 =	simm.s32 @p0 $0xB  }
0xd2: {  	_ =	swait.ge @p0 [sflag:s9], $0x1000  }
0xd3: {  	[sflag:s9] =	ssyncset.done @p0 $0x0  }
0xd4: {  	s10 =	sadd.s32 @p0 $0x100, s8;
	[sflag:s9] =	ssyncadd.s32 @p0 $0xFFFFF000;
	s9 =	simm.s32 @p0 $0x7000  }
0xd5: {  	[tilespmem:s9], [sflag:$0x3] =	stream.indirect.gather @p0 [spmem:s3], $0x20, s10, s11, $0xb8;
	[tilespmem:$0x16E00] =	vst v63  }
0xd6: {  	s9 =	simm.s32 @p0 $0xC  }
0xd7: {  	_ =	swait.ge @p0 [sflag:s9], $0x1000  }
0xd8: {  	[sflag:s9] =	ssyncset.done @p0 $0x0  }
0xd9: {  	s10 =	sadd.s32 @p0 $0x180, s8;
	[sflag:s9] =	ssyncadd.s32 @p0 $0xFFFFF000;
	s9 =	simm.s32 @p0 $0x8000  }
0xda: {  	[tilespmem:s9], [sflag:$0x4] =	stream.indirect.gather @p0 [spmem:s3], $0x20, s10, s11, $0xb8;
	[tilespmem:$0x16E00] =	vst v63  }
0xdb: {  	s9 =	simm.s32 @p0 $0xD  }
0xdc: {  	_ =	swait.ge @p0 [sflag:s9], $0x1000  }
0xdd: {  	[sflag:s9] =	ssyncset.done @p0 $0x0  }
0xde: {  	s10 =	sadd.s32 @p0 $0x200, s8;
	[sflag:s9] =	ssyncadd.s32 @p0 $0xFFFFF000;
	s9 =	simm.s32 @p0 $0x9000  }
0xdf: {  	[tilespmem:s9], [sflag:$0x5] =	stream.indirect.gather @p0 [spmem:s3], $0x20, s10, s11, $0xb8;
	[tilespmem:$0x16E00] =	vst v63  }
0xe0: {  	s9 =	simm.s32 @p0 $0xE  }
0xe1: {  	_ =	swait.ge @p0 [sflag:s9], $0x1000  }
0xe2: {  	[sflag:s9] =	ssyncset.done @p0 $0x0  }
0xe3: {  	s10 =	sadd.s32 @p0 $0x280, s8;
	[sflag:s9] =	ssyncadd.s32 @p0 $0xFFFFF000;
	s9 =	simm.s32 @p0 $0xA000  }
0xe4: {  	[tilespmem:s9], [sflag:$0x6] =	stream.indirect.gather @p0 [spmem:s3], $0x20, s10, s11, $0xb8;
	[tilespmem:$0x16E00] =	vst v63  }
0xe5: {  	s9 =	simm.s32 @p0 $0xF  }
0xe6: {  	_ =	swait.ge @p0 [sflag:s9], $0x1000  }
0xe7: {  	[sflag:s9] =	ssyncset.done @p0 $0x0  }
0xe8: {  	s8 =	sadd.s32 @p0 $0x300, s8;
	[sflag:s9] =	ssyncadd.s32 @p0 $0xFFFFF000;
	s9 =	simm.s32 @p0 $0xB000  }
0xe9: {  	[tilespmem:s9], [sflag:$0x7] =	stream.indirect.gather @p0 [spmem:s3], $0x20, s8, s11, $0xb8;
	[tilespmem:$0x16E00] =	vst v63  }
0xea: {  	s8 =	simm.s32 @p0 $0x10  }
0xeb: {  	_ =	swait.ge @p0 [sflag:s8], $0x1000  }
0xec: {  	s10 =	simm.s32 @!p0 $0x80;
	[sflag:s8] =	ssyncset.done @p0 $0x0  }
0xed: {  	s9 =	simm.s32 @!p0 $0x5000;
	[sflag:s8] =	ssyncadd.s32 @p0 $0xFFFFF000;
	s8 =	sshra.s32 @!p0 s7, $0x2  }
0xee: {  	[tilespmem:s9], [sflag:$0x1] =	stream.indirect.gather @!p0 [spmem:s3], $0x20, s8, s10, $0xb8;
	[tilespmem:$0x16E00] =	vst v63  }
0xef: {  	s8 =	simm.s32 @!p0 $0x6000  }
0xf0: {  	[tilespmem:s8], [sflag:$0x2] =	stream.indirect.gather @!p0 [spmem:s3], $0x20, s10, s10, $0xb8;
	[tilespmem:$0x16E00] =	vst v63  }
0xf1: {  	s9 =	simm.s32 @!p0 $0x7000;
	s8 =	simm.s32 @!p0 $0x100  }
0xf2: {  	[tilespmem:s9], [sflag:$0x3] =	stream.indirect.gather @!p0 [spmem:s3], $0x20, s8, s10, $0xb8;
	[tilespmem:$0x16E00] =	vst v63  }
0xf3: {  	s8 =	simm.s32 @!p0 $0x180;
	s9 =	simm.s32 @!p0 $0x8000  }
0xf4: {  	[tilespmem:s9], [sflag:$0x4] =	stream.indirect.gather @!p0 [spmem:s3], $0x20, s8, s10, $0xb8;
	[tilespmem:$0x16E00] =	vst v63  }
0xf5: {  	s8 =	simm.s32 @!p0 $0x200;
	s9 =	simm.s32 @!p0 $0x9000  }
0xf6: {  	[tilespmem:s9], [sflag:$0x5] =	stream.indirect.gather @!p0 [spmem:s3], $0x20, s8, s10, $0xb8;
	[tilespmem:$0x16E00] =	vst v63  }
0xf7: {  	s8 =	simm.s32 @!p0 $0x280;
	s9 =	simm.s32 @!p0 $0xA000  }
0xf8: {  	[tilespmem:s9], [sflag:$0x6] =	stream.indirect.gather @!p0 [spmem:s3], $0x20, s8, s10, $0xb8;
	[tilespmem:$0x16E00] =	vst v63  }
0xf9: {  	s7 =	sshra.s32 s7, $0x2;
	s8 =	simm.s32 @!p0 $0x300;
	s9 =	simm.s32 @!p0 $0xB000  }
0xfa: {  	[tilespmem:s9], [sflag:$0x7] =	stream.indirect.gather @!p0 [spmem:s3], $0x20, s8, s10, $0xb8;
	[tilespmem:$0x16E00] =	vst v63  }
0xfb: {  	s10 =	sadd.s32 $0x380, s7  }
0xfc: {  	[tilespmem:s17], [sflag:$0x8] =	stream.indirect.gather [spmem:s3], $0x20, s10, s16, $0xb8;
	[tilespmem:$0x16E00] =	vst v63  }
0xfd: {  	_ =	swait.ge [sflag:s18], $0x1000  }
0xfe: {  	[sflag:s18] =	ssyncset.done $0x0  }
0xff: {  	s14 =	sadd.s32 $0x2800, s7;
	s11 =	rddreg [dreg:$0x4];
	[sflag:s18] =	ssyncadd.s32 $0xFFFFF000  }
0x100: {  	[spmem:s2] =	stream.indirect.scatter.add.f32 [tilespmem:s11], [sflag:$0x9], $0x20, s14, s16, $0xb8;
	[tilespmem:$0x16E00] =	vst v63  }
0x101: {  	s8 =	sadd.s32 @p0 $0xFFFFFD80, s5;
	_ =	swait.ge [sflag:s19], $0x1000  }
0x102: {  	s8 =	simm.s32 @!p0 $0x80;
	[sflag:s19] =	ssyncset.done $0x0  }
0x103: {  	s8 =	sadd.s32 $0x2800, s8;
	s26 =	rddreg [dreg:$0x5];
	[sflag:s19] =	ssyncadd.s32 $0xFFFFF000  }
0x104: {  	[spmem:s2] =	stream.indirect.scatter.add.f32 [tilespmem:s26], [sflag:$0xA], $0x20, s8, s16, $0xb8;
	[tilespmem:$0x16E00] =	vst v63  }
0x105: {  	s8 =	sadd.s32 @p0 $0xFFFFFE00, s5;
	_ =	swait.ge [sflag:s20], $0x1000  }
0x106: {  	s8 =	simm.s32 @!p0 $0x100;
	[sflag:s20] =	ssyncset.done $0x0  }
0x107: {  	s28 =	rddreg [dreg:$0x6];
	s8 =	sadd.s32 $0x2800, s8;
	[sflag:s20] =	ssyncadd.s32 $0xFFFFF000  }
0x108: {  	[spmem:s2] =	stream.indirect.scatter.add.f32 [tilespmem:s28], [sflag:$0xB], $0x20, s8, s16, $0xb8;
	[tilespmem:$0x16E00] =	vst v63  }
0x109: {  	s8 =	sadd.s32 @p0 $0xFFFFFE80, s5;
	_ =	swait.ge [sflag:s21], $0x1000  }
0x10a: {  	s8 =	simm.s32 @!p0 $0x180;
	[sflag:s21] =	ssyncset.done $0x0  }
0x10b: {  	s29 =	rddreg [dreg:$0x7];
	s8 =	sadd.s32 $0x2800, s8;
	[sflag:s21] =	ssyncadd.s32 $0xFFFFF000  }
0x10c: {  	[spmem:s2] =	stream.indirect.scatter.add.f32 [tilespmem:s29], [sflag:$0xC], $0x20, s8, s16, $0xb8;
	[tilespmem:$0x16E00] =	vst v63  }
0x10d: {  	s8 =	sadd.s32 @p0 $0xFFFFFF00, s5;
	_ =	swait.ge [sflag:s22], $0x1000  }
0x10e: {  	s8 =	simm.s32 @!p0 $0x200;
	[sflag:s22] =	ssyncset.done $0x0  }
0x10f: {  	s30 =	rddreg [dreg:$0x8];
	s8 =	sadd.s32 $0x2800, s8;
	[sflag:s22] =	ssyncadd.s32 $0xFFFFF000  }
0x110: {  	[spmem:s2] =	stream.indirect.scatter.add.f32 [tilespmem:s30], [sflag:$0xD], $0x20, s8, s16, $0xb8;
	[tilespmem:$0x16E00] =	vst v63  }
0x111: {  	s8 =	sadd.s32 @p0 $0xFFFFFF80, s5;
	_ =	swait.ge [sflag:s23], $0x1000  }
0x112: {  	s8 =	simm.s32 @!p0 $0x280;
	[sflag:s23] =	ssyncset.done $0x0  }
0x113: {  	s31 =	rddreg [dreg:$0x9];
	s8 =	sadd.s32 $0x2800, s8;
	[sflag:s23] =	ssyncadd.s32 $0xFFFFF000  }
0x114: {  	[spmem:s2] =	stream.indirect.scatter.add.f32 [tilespmem:s31], [sflag:$0xE], $0x20, s8, s16, $0xb8;
	[tilespmem:$0x16E00] =	vst v63  }
0x115: {  	_ =	swait.ge [sflag:s24], $0x1000  }
0x116: {  	s5 =	simm.s32 @!p0 $0x300;
	[sflag:s24] =	ssyncset.done $0x0  }
0x117: {  	s5 =	sadd.s32 $0x2800, s5;
	s9 =	rddreg [dreg:$0xa];
	[sflag:s24] =	ssyncadd.s32 $0xFFFFF000  }
0x118: {  	[spmem:s2] =	stream.indirect.scatter.add.f32 [tilespmem:s9], [sflag:$0xF], $0x20, s5, s16, $0xb8;
	[tilespmem:$0x16E00] =	vst v63  }
0x119: {  	_ =	swait.ge [sflag:s25], $0x1000  }
0x11a: {  	[sflag:s25] =	ssyncset.done $0x0  }
0x11b: {  	s10 =	sadd.s32 $0x2B80, s7;
	s11 =	simm.s32 $0x9;
	[sflag:s25] =	ssyncadd.s32 $0xFFFFF000  }
0x11c: {  	[spmem:s2] =	stream.indirect.scatter.add.f32 [tilespmem:s17], [sflag:$0x10], $0x20, s10, s16, $0xb8;
	[tilespmem:$0x16E00] =	vst v63  }
0x11d: {  	_ =	swait.ge [sflag:s11], $0x1000  }
0x11e: {  	[sflag:s11] =	ssyncset.done $0x0  }
0x11f: {  	s14 =	simm.s32 $0xA;
	[sflag:s11] =	ssyncadd.s32 $0xFFFFF000  }
0x120: {  	_ =	swait.ge [sflag:s14], $0x1000  }
0x121: {  	[sflag:s14] =	ssyncset.done $0x0  }
0x122: {  	s26 =	simm.s32 $0xB;
	[sflag:s14] =	ssyncadd.s32 $0xFFFFF000  }
0x123: {  	_ =	swait.ge [sflag:s26], $0x1000  }
0x124: {  	[sflag:s26] =	ssyncset.done $0x0  }
0x125: {  	s28 =	simm.s32 $0xC;
	[sflag:s26] =	ssyncadd.s32 $0xFFFFF000  }
0x126: {  	_ =	swait.ge [sflag:s28], $0x1000  }
0x127: {  	[sflag:s28] =	ssyncset.done $0x0  }
0x128: {  	s29 =	simm.s32 $0xD;
	[sflag:s28] =	ssyncadd.s32 $0xFFFFF000  }
0x129: {  	_ =	swait.ge [sflag:s29], $0x1000  }
0x12a: {  	[sflag:s29] =	ssyncset.done $0x0  }
0x12b: {  	[sflag:s29] =	ssyncadd.s32 $0xFFFFF000  }
0x12c: {  	_ =	swait.ge [sflag:s0], $0x1000  }
0x12d: {  	[sflag:s0] =	ssyncset.done $0x0  }
0x12e: {  	[sflag:s0] =	ssyncadd.s32 $0xFFFFF000  }
0x12f: {  	_ =	swait.ge [sflag:s1], $0x1000  }
0x130: {  	[sflag:s1] =	ssyncset.done $0x0  }
0x131: {  	[sflag:s1] =	ssyncadd.s32 $0xFFFFF000  }
0x132: {  	_ =	swait.ge [sflag:s15], $0x1000  }
0x133: {  	[sflag:s15] =	ssyncset.done $0x0  }
0x134: {  	[sflag:s15] =	ssyncadd.s32 $0xFFFFF000  }
0x135: {  	[bflag:$0x0] =	sbarrier.arrive $0xFFFF  }
0x136: {  	s30 =	rddreg [dreg:$0xf]  }
0x137: {  	[hbm:s30], [sflag:s6] =	dma.local [spmem:s12], $0x9E0  }
0x138: {  	_ =	swait.ge [sflag:s13], $0x9E0  }
0x139: {  	s4 =	sadd.s32 $0x1, s4;
	s31 =	rddreg [dreg:$0x10]  }
0x13a: {  	p0 =	sne.s32 s4, s31  }
.Ltmp1:
0x13b: {  	_ = 	snop;
	(pc) =	sbr.rel @p0 .LBB2_1-.Ltmp1, $3  }
0x13c: {  	_ =	sdelay $0x1  }
0x13d: {  	[sflag:s13] =	ssyncset.done $0x0  }
0x13e: {  	[sflag:s13] =	ssyncadd.s32 $0xFFFFF620  }
0x13f: {  	_ =	sfence.sel $0x180000  }
0x140: {  	[bflag:$0x0] =	sbarrier.arrive $0xFFFF  }
0x141: {  	_ =	strace $0x9000004A  }
0x142: {  	s0 =	stileid.u32;
	[bflag:$0x2] =	sbarrier.arrive $0xFFFF  }
0x143: {  	p0 =	sne.s32 s0, $0x0;
	s0 =	rddreg [dreg:$0x3]  }
0x144: {  	s0 =	sadd.s32 @!p0 $0x100000, s0  }
0x145: {  	[sflag:s0] =	ssyncadd.tile.s32 @!p0 $0x1;
	_ =	shalt  }
.Lfunc_end2:
_tile_overlayer_lowered:
.L_overlay_start_2:
0x146: {  	(tag) =	ssettag $0x2  }
0x147: {  	s0 =	rddreg [dreg:$0x0];
	s2 =	stileid.u32  }
0x148: {  	s1 =	rddreg [dreg:$0x1];
	p0 =	sne.s32 s2, $0x0  }
0x149: {  	s3 =	rddreg [dreg:$0x2];
	[bflag:$0x3] =	sbarrier.arrive $0xFFFF;
	s2 =	simm.s32 @!p0 $0x1C11  }
0x14a: {  	[timem:s3], [sflag:s2] =	dma.local @!p0 [hbm:s0], s1  }
0x14b: {  	s0 =	simm.s32 @!p0 $0x11  }
0x14c: {  	_ =	swait.ge @!p0 [sflag:s0], s1  }
0x14d: {  	s1 =	ssub.s32 @!p0 $0x0, s1;
	[sflag:s0] =	ssyncset.done @!p0 $0x0  }
0x14e: {  	[sflag:s0] =	ssyncadd.s32 @!p0 s1  }
0x14f: {  	[bflag:$0x3] =	sbarrier.arrive $0xFFFF  }
0x150: {  	_ =	shalt  }

// kernel: kernel.15.cloned.1.call-start
scs
__scs_entry_jumppad:
0x0: {  	(pc) =	sbr.rel $0x88, $3  }
0x1: {  	(tag) =	ssettag $0x0;
	lr =	simm.s32 $0x1  }
0x2: {  	[smem:$0x3F91] =	sst lr;
	_ =	strace $0xD0000000  }
0x3: {  	_ = 	snop  }
0x4: {  	_ = 	snop  }
0x5: {  	_ = 	snop  }
0x6: {  	_ = 	snop  }
0x7: {  	_ = 	snop  }
__scs_overlays_trampoline_lowered:
0x8: {  	[smem:$0x3FA0] =	sst s0  }
0x9: {  	[smem:$0x3FA1] =	sst s1  }
0xa: {  	[smem:$0x3FA2] =	sst s2  }
0xb: {  	[smem:$0x3FA3] =	sst s3  }
0xc: {  	[smem:$0x3FA4] =	sst s4  }
0xd: {  	[smem:$0x3FA5] =	sst s5  }
0xe: {  	[smem:$0x3FA6] =	sst s6  }
0xf: {  	[smem:$0x3FA7] =	sst s7  }
0x10: {  	[smem:$0x3FA8] =	sst s8  }
0x11: {  	[smem:$0x3FA9] =	sst s9;
	s0 =	simm.s32 @!p0 $0x0  }
0x12: {  	s1 =	sld [smem:$0x3F8F];
	s0 =	simm.s32 @p0 $0x1  }
0x13: {  	[smem:$0x3FAA] =	sst s0;
	s0 =	simm.s32 @!p1 $0x0  }
0x14: {  	s2 =	sld [smem:$0x3F8E];
	s0 =	simm.s32 @p1 $0x1  }
0x15: {  	[smem:$0x3FAB] =	sst s0;
	s0 =	simm.s32 @!p2 $0x0  }
0x16: {  	s3 =	sld [smem:$0x3FDB];
	s0 =	simm.s32 @p2 $0x1  }
0x17: {  	s4 =	simm.s32 $0x1BF5;
	[smem:$0x3FAD] =	sst s0  }
0x18: {  	s0 =	sld [smem:$0x3F90];
	_ =	swait.ge [sflag:s4], $0x0  }
0x19: {  	s7 =	sld [smem:$0x3F91]  }
0x1a: {  	s8 =	sadd.s32 $0xFFFFE003, lr  }
0x1b: {  	s9 =	sadd.s32 $0xFFFFFEF7, lr;
	s5 =	simm.s32 $0xFFFFFFFF;
	p2 =	slt.u32 s8, $0xFFFFF086  }
0x1c: {  	p1 =	slt.u32 s9, $0xF7A;
	s5 =	simm.s32 @!p2 $0x0  }
0x1d: {  	s5 =	simm.s32 @p1 $0x1;
	p0 =	seq.s32 s7, s2  }
0x1e: {  	s7 =	smul.u32 @!p0 $0xF7A, s2;
	p2 =	seq.s32 @!p0 s5, $0x0  }
0x1f: {  	s9 =	smul.u32 $0xF7A, s1;
	s8 =	simm.s32 @!p0 $0x1BF5;
	p2 =	por !p2, p0  }
0x20: {  	[sflag:s8] =	ssyncset.s32 @!p0 $0xFFFFF086;
	s6 =	sadd.s32 @!p0 s3, s7;
	s7 =	simm.s32 @!p0 $0x108  }
0x21: {  	s3 =	sadd.s32 s3, s9;
	s6 =	sadd.s32 @!p0 $0x88, s6;
	s7 =	simm.s32 @p2 $0x1082  }
0x22: {  	[simem:s7], [sflag:s8] =	dma.local @!p0 [hbm:s6], $0xF7A  }
0x23: {  	s9 =	sor.u32 $0xD0000000, s2;
	s6 =	simm.s32 $0x108;
	_ =	swait.ge @!p0 [sflag:s8], $0x0  }
0x24: {  	s3 =	sadd.s32 $0x88, s3;
	s6 =	simm.s32 @!p1 $0x1082;
	[sflag:s4] =	ssyncset.s32 $0xFFFFF086  }
0x25: {  	[simem:s6], [sflag:s4] =	dma.local [hbm:s3], $0xF7A  }
0x26: {  	[smem:$0x3F91] =	sst s1;
	(tag) =	ssettag s2;
	_ =	strace s9  }
0x27: {  	s1 =	sld [smem:$0x3FA1]  }
0x28: {  	s2 =	sld [smem:$0x3FA2]  }
0x29: {  	s4 =	sld [smem:$0x3FA4]  }
0x2a: {  	p0 =	seq.s32 s5, $0x0;
	s5 =	sld [smem:$0x3FA5]  }
0x2b: {  	s6 =	sld [smem:$0x3FA6]  }
0x2c: {  	s7 =	sld [smem:$0x3FA7]  }
0x2d: {  	s3 =	simm.s32 $0x108;
	s8 =	sld [smem:$0x3FA8]  }
0x2e: {  	s3 =	simm.s32 @!p0 $0x1082;
	s9 =	sld [smem:$0x3FA9]  }
0x2f: {  	lr =	sadd.s32 s0, s3;
	s0 =	sld [smem:$0x3FA0]  }
0x30: {  	s3 =	sld [smem:$0x3FA3]  }
0x31: {  	[smem:$0x3FAC] =	sst s10  }
0x32: {  	s10 =	sld [smem:$0x3FAA];
	_ =	sdelay $0x3  }
0x33: {  	p0 =	seq.s32 s10, $0x1;
	s10 =	sld [smem:$0x3FAC];
	_ =	sdelay $0x3  }
0x34: {  	[smem:$0x3FAC] =	sst s10  }
0x35: {  	s10 =	sld [smem:$0x3FAB];
	_ =	sdelay $0x3  }
0x36: {  	p1 =	seq.s32 s10, $0x1;
	s10 =	sld [smem:$0x3FAC];
	_ =	sdelay $0x3  }
0x37: {  	[smem:$0x3FAC] =	sst s10  }
0x38: {  	s10 =	sld [smem:$0x3FAD]  }
0x39: {  	_ = 	snop;
	(pc) =	sbr.ind lr, $3  }
0x3a: {  	_ = 	snop  }
0x3b: {  	_ = 	snop  }
0x3c: {  	p2 =	seq.s32 s10, $0x1;
	s10 =	sld [smem:$0x3FAC]  }
0x3d: {  	_ =	shalt  }
0x3e: {  	_ =	shalt  }
0x3f: {  	_ =	shalt  }
0x40: {  	_ =	shalt  }
0x41: {  	_ =	shalt  }
0x42: {  	_ =	shalt  }
0x43: {  	_ =	shalt  }
0x44: {  	_ =	shalt  }
0x45: {  	_ =	shalt  }
0x46: {  	_ =	shalt  }
0x47: {  	_ =	shalt  }
0x48: {  	_ =	shalt  }
0x49: {  	_ =	shalt  }
0x4a: {  	_ =	shalt  }
0x4b: {  	_ =	shalt  }
0x4c: {  	_ =	shalt  }
0x4d: {  	_ =	shalt  }
0x4e: {  	_ =	shalt  }
0x4f: {  	_ =	shalt  }
0x50: {  	_ =	shalt  }
0x51: {  	_ =	shalt  }
0x52: {  	_ =	shalt  }
0x53: {  	_ =	shalt  }
0x54: {  	_ =	shalt  }
0x55: {  	_ =	shalt  }
0x56: {  	_ =	shalt  }
0x57: {  	_ =	shalt  }
0x58: {  	_ =	shalt  }
0x59: {  	_ =	shalt  }
0x5a: {  	_ =	shalt  }
0x5b: {  	_ =	shalt  }
0x5c: {  	_ =	shalt  }
0x5d: {  	_ =	shalt  }
0x5e: {  	_ =	shalt  }
0x5f: {  	_ =	shalt  }
0x60: {  	_ =	shalt  }
0x61: {  	_ =	shalt  }
0x62: {  	_ =	shalt  }
0x63: {  	_ =	shalt  }
0x64: {  	_ =	shalt  }
0x65: {  	_ =	shalt  }
0x66: {  	_ =	shalt  }
0x67: {  	_ =	shalt  }
0x68: {  	_ =	shalt  }
0x69: {  	_ =	shalt  }
0x6a: {  	_ =	shalt  }
0x6b: {  	_ =	shalt  }
0x6c: {  	_ =	shalt  }
0x6d: {  	_ =	shalt  }
0x6e: {  	_ =	shalt  }
0x6f: {  	_ =	shalt  }
0x70: {  	_ =	shalt  }
0x71: {  	_ =	shalt  }
0x72: {  	_ =	shalt  }
0x73: {  	_ =	shalt  }
0x74: {  	_ =	shalt  }
0x75: {  	_ =	shalt  }
0x76: {  	_ =	shalt  }
0x77: {  	_ =	shalt  }
0x78: {  	_ =	shalt  }
0x79: {  	_ =	shalt  }
0x7a: {  	_ =	shalt  }
0x7b: {  	_ =	shalt  }
0x7c: {  	_ =	shalt  }
0x7d: {  	_ =	shalt  }
0x7e: {  	_ =	shalt  }
0x7f: {  	_ =	shalt  }
0x80: {  	_ =	shalt  }
0x81: {  	_ =	shalt  }
0x82: {  	_ =	shalt  }
0x83: {  	_ =	shalt  }
0x84: {  	_ =	shalt  }
0x85: {  	_ =	shalt  }
0x86: {  	_ =	shalt  }
0x87: {  	_ =	shalt  }
.Lfunc_end0:
.L_simem_size_0:
called_computation.2_lowered:
.L_overlay_start_0:
0x88: {  	s2 =	sld [smem:$0x3FD9]  }
0x89: {  	s3 =	sld [smem:$0x3FFE];
	_ =	sdelay $0x1  }
0x8a: {  	s1 =	srdreg.scid  }
0x8b: {  	s0 =	sand.u32 $0x1, s1  }
0x8c: {  	s16 =	sshll.u32 s0, $0xA;
	s2 =	sadd.s32 s3, s2  }
0x8d: {  	s2 =	sadd.s32 s2, s16  }
0x8e: {  	[smem:$0x3FB8] =	sst s2  }
0x8f: {  	_ = 	snop  }
0x90: {  	(tm) =	ssettm $0x1  }
0x91: {  	s17 =	sld [smem:$0x3FFB];
	_ =	sdelay $0x3  }
0x92: {  	_ =	strace s17  }
0x93: {  	s2 =	sld [smem:$0x3FFC];
	_ =	sdelay $0x3  }
0x94: {  	_ =	strace s2  }
0x95: {  	s2 =	sld [smem:$0x3FFD];
	_ =	sdelay $0x3  }
0x96: {  	_ =	strace s2  }
0x97: {  	_ =	strace $0x8FFFFFFF  }
0x98: {  	s18 =	sld [smem:$0x3FDB];
	_ =	sdelay $0x1  }
0x99: {  	s19 =	simm.s32 $_scs_section_size  }
0x9a: {  	s4 =	simm.s32 $_size__tile_overlayer_lowered;
	s5 =	simm.s32 $_tile_overlayer_lowered  }
0x9b: {  	s22 =	simm.s32 $0x1BFF;
	s21 =	sshll.u32 s5, $0x1;
	s2 =	sadd.s32 s19, s18  }
0x9c: {  	s6 =	simm.s32 $0x0;
	s20 =	sshll.u32 s4, $0x1;
	s4 =	sadd.s32 s21, s2  }
0x9d: {  	[timem:s6], [sflag:s22] =	dma.local [hbm:s4], s20  }
0x9e: {  	_ =	swait.ge [sflag:s22], s20  }
0x9f: {  	s3 =	ssub.s32 $0x0, s20;
	[sflag:s22] =	ssyncset.done $0x0  }
0xa0: {  	[sflag:s22] =	ssyncadd.s32 s3;
	_ =	sdelay $0x1  }
0xa1: {  	s23 =	simm.s32 $0x1B8B  }
0xa2: {  	_ =	swait.ge [sflag:s23], $0x1  }
0xa3: {  	[sflag:s23] =	ssyncset.done $0x0  }
0xa4: {  	s25 =	simm.s32 $0x1B8E;
	s24 =	sld [smem:$0x3FFE];
	[sflag:s23] =	ssyncadd.s32 $0xFFFFFFFF  }
0xa5: {  	s26 =	simm.s32 $execute0_lowered;
	[smem:$0x3FD2] =	sst s25  }
0xa6: {  	s4 =	sshll.u32 s26, $0x1;
	_ =	strace $0x8000004C;
	[dreg:$0x1] =	wrdreg $0xFFFFFFFF  }
0xa7: {  	s28 =	simm.s32 $_size_execute0_lowered;
	s2 =	sadd.s32 s2, s4;
	[dreg:$0x0] =	wrdreg $0x0  }
0xa8: {  	s4 =	sshll.u32 s28, $0x1;
	[dreg:$0x2] =	wrdreg s2  }
0xa9: {  	[dreg:$0x3] =	wrdreg s4  }
0xaa: {  	[dreg:$0x4] =	wrdreg $0xC0  }
0xab: {  	_ =	task [dreg:s6], $0x5FFFF  }
0xac: {  	[dreg:$0x1] =	wrdreg $0xFFFFFFFF  }
0xad: {  	[dreg:$0x0] =	wrdreg $0x60  }
0xae: {  	[dreg:$0x2] =	wrdreg s24  }
0xaf: {  	[dreg:$0x3] =	wrdreg $0xD0000  }
0xb0: {  	[dreg:$0x4] =	wrdreg $0x11F000  }
0xb1: {  	[dreg:$0x5] =	wrdreg $0x9  }
0xb2: {  	_ =	task.clear_ibuf [dreg:s6], $0x6FFFF;
	_ =	strace $0x9000004C  }
0xb3: {  	s29 =	simm.s32 $0x9;
	_ =	strace $0x8000004E  }
0xb4: {  	_ =	swait.ge [sflag:s29], $0x1  }
0xb5: {  	[sflag:s29] =	ssyncadd.s32 $0xFFFFFFFF  }
0xb6: {  	_ =	strace $0x9000004E  }
0xb7: {  	_ =	sfence  }
0xb8: {  	s30 =	sld [smem:$0x0];
	_ =	sdelay $0x2  }
0xb9: {  	s31 =	sshll.u32 s1, $0xD;
	s1 =	sshrl.u32 s1, $0x2  }
0xba: {  	s3 =	sand.u32 $0x4000, s31;
	s1 =	sadd.s32 s1, s30  }
0xbb: {  	s0 =	sor.u32 s3, s0;
	s1 =	sshll.u32 s1, $0x11  }
0xbc: {  	s0 =	sor.u32 s1, s0  }
0xbd: {  	s0 =	sadd.s32 $0x8F2B, s0  }
0xbe: {  	[sflag:s0] =	ssyncadd.remote.s32 $0x1  }
0xbf: {  	_ =	sfence.sel $0xFFFF  }
0xc0: {  	[dreg:$0x0] =	wrdreg $0xFFFFFFFF;
	(pc) =	sbr.abs _section_cstart, $3  }
0xc1: {  	[dreg:$0x1] =	wrdreg $0xFFFFFFFF  }
0xc2: {  	_ =	task.clear_ibuf [dreg:s6], $0x2FFFF;
	_ =	strace $0x9FFFFFFF  }
0xc3: {  	(tm) =	ssettm $0x7FFFFFFF  }
tec
execute0_lowered:
.L_overlay_start_1:
0x0: {  	(tag) =	ssettag $0x1  }
0x1: {  	s0 =	rddreg [dreg:$0x0]  }
0x2: {  	s2 =	rddreg [dreg:$0x1]  }
0x3: {  	s3 =	rddreg [dreg:$0x2]  }
0x4: {  	s9 =	stileid.u32;
	s1 =	srdreg.scid  }
0x5: {  	s5 =	simm.s32 $0x0;
	s13 =	simm.s32 $0x11;
	s16 =	simm.s32 $0x80  }
0x6: {  	s24 =	simm.s32 $0x5000;
	s25 =	simm.s32 $0x6000;
	[smem:$0x7FF] =	sst s5  }
0x7: {  	s26 =	simm.s32 $0x7000;
	_ =	strace $0x8000004D;
	[dreg:$0x4] =	wrdreg s24  }
0x8: {  	s28 =	simm.s32 $0x8000;
	s29 =	simm.s32 $0x9000;
	[dreg:$0x5] =	wrdreg s25  }
0x9: {  	s30 =	simm.s32 $0xA000;
	s31 =	simm.s32 $0xB000;
	[dreg:$0x6] =	wrdreg s26  }
0xa: {  	s15 =	simm.s32 $0x10;
	s4 =	smul.u32 $0x4F00, s9;
	[dreg:$0x7] =	wrdreg s28  }
0xb: {  	s1 =	sand.u32 $0x1, s1;
	s19 =	sshll.u32 s9, $0x6;
	[dreg:$0x8] =	wrdreg s29  }
0xc: {  	s17 =	sshll.u32 s1, $0x4;
	s6 =	smul.u32 $0x4F000, s1;
	[dreg:$0x9] =	wrdreg s30  }
0xd: {  	s1 =	ssub.s32 $0x2, s1;
	s24 =	simm.s32 $0x7;
	[dreg:$0xa] =	wrdreg s31  }
0xe: {  	s25 =	simm.s32 $0x8;
	s5 =	sor.u32 s9, s17;
	s7 =	sshrl.u32 s4, $0x3  }
0xf: {  	s18 =	sshrl.u32 s1, $0x1;
	s8 =	sadd.s32 s4, s2;
	s17 =	simm.s32 $0xC000  }
0x10: {  	s5 =	smul.u32 $0x500, s5;
	s6 =	sadd.s32 s4, s6;
	s7 =	sadd.s32 s7, s0  }
0x11: {  	s1 =	ssub.s32 s1, s18;
	s4 =	sadd.s32 s4, s3;
	s12 =	sshrl.u32 s8, $0x3  }
0x12: {  	s18 =	simm.s32 $0x1;
	s6 =	sshrl.u32 s6, $0x3;
	s20 =	sadd.s32 $0x23800, s7  }
0x13: {  	s7 =	sadd.s32 $0xA600, s7;
	s22 =	smax.u32 s1, $0x1;
	[dreg:$0xb] =	wrdreg s20  }
0x14: {  	s23 =	sshrl.u32 s4, $0x3;
	s1 =	simm.s32 $0xF;
	[dreg:$0xc] =	wrdreg s7  }
0x15: {  	s4 =	simm.s32 $0x0;
	s5 =	sadd.s32 s5, s0;
	[dreg:$0x10] =	wrdreg s22  }
0x16: {  	s0 =	sadd.s32 s6, s0;
	s6 =	sor.u32 $0x1C11, s19;
	[dreg:$0x11] =	wrdreg s23  }
0x17: {  	s19 =	simm.s32 $0x2;
	s20 =	simm.s32 $0x3;
	s21 =	sadd.s32 $0x19800, s5  }
0x18: {  	s22 =	simm.s32 $0x5;
	s5 =	sadd.s32 $0x600, s5;
	[dreg:$0xd] =	wrdreg s21  }
0x19: {  	s23 =	simm.s32 $0x6;
	s0 =	sadd.s32 $0x2D600, s0;
	[dreg:$0xe] =	wrdreg s5  }
0x1a: {  	[dreg:$0xf] =	wrdreg s0;
	s21 =	simm.s32 $0x4;
	s0 =	simm.s32 $0xE  }
.LBB2_1:
0x1b: {  	s5 =	rddreg [dreg:$0xb]  }
0x1c: {  	[spmem:s12], [sflag:s6] =	dma.local [hbm:s5], $0x9E0  }
0x1d: {  	_ =	swait.ge [sflag:s13], $0x9E0  }
0x1e: {  	[sflag:s13] =	ssyncset.done $0x0;
	s28 =	rddreg [dreg:$0xc]  }
0x1f: {  	s7 =	rddreg [dreg:$0x11];
	[sflag:s13] =	ssyncadd.s32 $0xFFFFF620  }
0x20: {  	[spmem:s7], [sflag:s6] =	dma.local [hbm:s28], $0x9E0  }
0x21: {  	_ =	swait.ge [sflag:s13], $0x9E0  }
0x22: {  	[sflag:s13] =	ssyncset.done $0x0  }
0x23: {  	s29 =	simm.s32 $0x0;
	s30 =	rddreg [dreg:$0xd];
	[sflag:s13] =	ssyncadd.s32 $0xFFFFF620  }
0x24: {  	[tilespmem:s29], [sflag:$0x11] =	stream.linear.gather [hbm4b:s30+s29], $0x2800, $0x38;
	[tilespmem:$0x16E00] =	vst v63  }
0x25: {  	_ =	swait.ge [sflag:s13], $0x2800  }
0x26: {  	[sflag:s13] =	ssyncset.done $0x0  }
0x27: {  	s8 =	simm.s32 $0x2800;
	s31 =	rddreg [dreg:$0xe];
	[sflag:s13] =	ssyncadd.s32 $0xFFFFD800  }
0x28: {  	[tilespmem:s8], [sflag:$0x11] =	stream.linear.gather [hbm4b:s31+s29], $0x2800, $0x38;
	[tilespmem:$0x16E00] =	vst v63  }
0x29: {  	_ =	swait.ge [sflag:s13], $0x2800  }
0x2a: {  	[sflag:s13] =	ssyncset.done $0x0  }
0x2b: {  	p0 =	por $0x0, $0x0;
	[sflag:s13] =	ssyncadd.s32 $0xFFFFD800  }
0x2c: {  	s5 =	simm.s32 @p0 $0x9;
	[bflag:$0x0] =	sbarrier.arrive $0xFFFF  }
0x2d: {  	_ =	swait.ge @p0 [sflag:s5], $0x1000  }
0x2e: {  	s9 =	simm.s32 @p0 $0x80;
	s7 =	simm.s32 @p0 $0x5000;
	[sflag:s5] =	ssyncset.done @p0 $0x0  }
0x2f: {  	s8 =	simm.s32 @p0 $0xA;
	[sflag:s5] =	ssyncadd.s32 @p0 $0xFFFFF000;
	s5 =	simm.s32 @p0 $0x0  }
0x30: {  	[tilespmem:s7], [sflag:$0x1] =	stream.indirect.gather @p0 [spmem:s3], $0x20, s5, s9, $0xb8;
	[tilespmem:$0x16E00] =	vst v63  }
0x31: {  	_ =	swait.ge @p0 [sflag:s8], $0x1000  }
0x32: {  	s5 =	simm.s32 @p0 $0x80;
	[sflag:s8] =	ssyncset.done @p0 $0x0  }
0x33: {  	s7 =	simm.s32 @p0 $0x6000;
	[sflag:s8] =	ssyncadd.s32 @p0 $0xFFFFF000;
	s8 =	simm.s32 @p0 $0xB  }
0x34: {  	[tilespmem:s7], [sflag:$0x2] =	stream.indirect.gather @p0 [spmem:s3], $0x20, s5, s9, $0xb8;
	[tilespmem:$0x16E00] =	vst v63  }
0x35: {  	_ =	swait.ge @p0 [sflag:s8], $0x1000  }
0x36: {  	s5 =	simm.s32 @p0 $0x100;
	[sflag:s8] =	ssyncset.done @p0 $0x0  }
0x37: {  	s7 =	simm.s32 @p0 $0x7000;
	[sflag:s8] =	ssyncadd.s32 @p0 $0xFFFFF000;
	s8 =	simm.s32 @p0 $0xC  }
0x38: {  	[tilespmem:s7], [sflag:$0x3] =	stream.indirect.gather @p0 [spmem:s3], $0x20, s5, s9, $0xb8;
	[tilespmem:$0x16E00] =	vst v63  }
0x39: {  	_ =	swait.ge @p0 [sflag:s8], $0x1000  }
0x3a: {  	s5 =	simm.s32 @p0 $0x180;
	[sflag:s8] =	ssyncset.done @p0 $0x0  }
0x3b: {  	s7 =	simm.s32 @p0 $0x8000;
	[sflag:s8] =	ssyncadd.s32 @p0 $0xFFFFF000;
	s8 =	simm.s32 @p0 $0xD  }
0x3c: {  	[tilespmem:s7], [sflag:$0x4] =	stream.indirect.gather @p0 [spmem:s3], $0x20, s5, s9, $0xb8;
	[tilespmem:$0x16E00] =	vst v63  }
0x3d: {  	_ =	swait.ge @p0 [sflag:s8], $0x1000  }
0x3e: {  	s5 =	simm.s32 @p0 $0x200;
	[sflag:s8] =	ssyncset.done @p0 $0x0  }
0x3f: {  	s7 =	simm.s32 @p0 $0x9000;
	[sflag:s8] =	ssyncadd.s32 @p0 $0xFFFFF000;
	s8 =	simm.s32 @p0 $0xE  }
0x40: {  	[tilespmem:s7], [sflag:$0x5] =	stream.indirect.gather @p0 [spmem:s3], $0x20, s5, s9, $0xb8;
	[tilespmem:$0x16E00] =	vst v63  }
0x41: {  	_ =	swait.ge @p0 [sflag:s8], $0x1000  }
0x42: {  	s5 =	simm.s32 @p0 $0x280;
	[sflag:s8] =	ssyncset.done @p0 $0x0  }
0x43: {  	s7 =	simm.s32 @p0 $0xA000;
	[sflag:s8] =	ssyncadd.s32 @p0 $0xFFFFF000;
	s8 =	simm.s32 @p0 $0xF  }
0x44: {  	[tilespmem:s7], [sflag:$0x6] =	stream.indirect.gather @p0 [spmem:s3], $0x20, s5, s9, $0xb8;
	[tilespmem:$0x16E00] =	vst v63  }
0x45: {  	_ =	swait.ge @p0 [sflag:s8], $0x1000  }
0x46: {  	s5 =	simm.s32 @p0 $0x300;
	[sflag:s8] =	ssyncset.done @p0 $0x0  }
0x47: {  	s7 =	simm.s32 @p0 $0xB000;
	[sflag:s8] =	ssyncadd.s32 @p0 $0xFFFFF000;
	s8 =	simm.s32 @p0 $0x10  }
0x48: {  	[tilespmem:s7], [sflag:$0x7] =	stream.indirect.gather @p0 [spmem:s3], $0x20, s5, s9, $0xb8;
	[tilespmem:$0x16E00] =	vst v63  }
0x49: {  	_ =	swait.ge @p0 [sflag:s8], $0x1000  }
0x4a: {  	s5 =	simm.s32 @!p0 $0x5000;
	[sflag:s8] =	ssyncset.done @p0 $0x0  }
0x4b: {  	s7 =	simm.s32 @!p0 $0x0;
	[sflag:s8] =	ssyncadd.s32 @p0 $0xFFFFF000;
	s8 =	simm.s32 @!p0 $0x80  }
0x4c: {  	[tilespmem:s5], [sflag:$0x1] =	stream.indirect.gather @!p0 [spmem:s3], $0x20, s7, s8, $0xb8;
	[tilespmem:$0x16E00] =	vst v63  }
0x4d: {  	s5 =	simm.s32 @!p0 $0x6000  }
0x4e: {  	[tilespmem:s5], [sflag:$0x2] =	stream.indirect.gather @!p0 [spmem:s3], $0x20, s8, s8, $0xb8;
	[tilespmem:$0x16E00] =	vst v63  }
0x4f: {  	s7 =	simm.s32 @!p0 $0x7000;
	s5 =	simm.s32 @!p0 $0x100  }
0x50: {  	[tilespmem:s7], [sflag:$0x3] =	stream.indirect.gather @!p0 [spmem:s3], $0x20, s5, s8, $0xb8;
	[tilespmem:$0x16E00] =	vst v63  }
0x51: {  	s5 =	simm.s32 @!p0 $0x180;
	s7 =	simm.s32 @!p0 $0x8000  }
0x52: {  	[tilespmem:s7], [sflag:$0x4] =	stream.indirect.gather @!p0 [spmem:s3], $0x20, s5, s8, $0xb8;
	[tilespmem:$0x16E00] =	vst v63  }
0x53: {  	s5 =	simm.s32 @!p0 $0x200;
	s7 =	simm.s32 @!p0 $0x9000  }
0x54: {  	[tilespmem:s7], [sflag:$0x5] =	stream.indirect.gather @!p0 [spmem:s3], $0x20, s5, s8, $0xb8;
	[tilespmem:$0x16E00] =	vst v63  }
0x55: {  	s5 =	simm.s32 @!p0 $0x280;
	s7 =	simm.s32 @!p0 $0xA000  }
0x56: {  	[tilespmem:s7], [sflag:$0x6] =	stream.indirect.gather @!p0 [spmem:s3], $0x20, s5, s8, $0xb8;
	[tilespmem:$0x16E00] =	vst v63  }
0x57: {  	s5 =	simm.s32 @!p0 $0x300;
	s7 =	simm.s32 @!p0 $0xB000  }
0x58: {  	[tilespmem:s7], [sflag:$0x7] =	stream.indirect.gather @!p0 [spmem:s3], $0x20, s5, s8, $0xb8;
	[tilespmem:$0x16E00] =	vst v63  }
0x59: {  	s9 =	simm.s32 $0x380  }
0x5a: {  	[tilespmem:s17], [sflag:$0x8] =	stream.indirect.gather [spmem:s3], $0x20, s9, s16, $0xb8;
	[tilespmem:$0x16E00] =	vst v63  }
0x5b: {  	_ =	swait.ge [sflag:s18], $0x1000  }
0x5c: {  	[sflag:s18] =	ssyncset.done $0x0  }
0x5d: {  	s11 =	simm.s32 $0x2800;
	s10 =	rddreg [dreg:$0x4];
	[sflag:s18] =	ssyncadd.s32 $0xFFFFF000  }
0x5e: {  	[spmem:s2] =	stream.indirect.scatter.add.f32 [tilespmem:s10], [sflag:$0x9], $0x20, s11, s16, $0xb8;
	[tilespmem:$0x16E00] =	vst v63  }
0x5f: {  	s5 =	simm.s32 @p0 $0x80;
	_ =	swait.ge [sflag:s19], $0x1000  }
0x60: {  	s5 =	simm.s32 @!p0 $0x80;
	[sflag:s19] =	ssyncset.done $0x0  }
0x61: {  	s5 =	sadd.s32 $0x2800, s5;
	s14 =	rddreg [dreg:$0x5];
	[sflag:s19] =	ssyncadd.s32 $0xFFFFF000  }
0x62: {  	[spmem:s2] =	stream.indirect.scatter.add.f32 [tilespmem:s14], [sflag:$0xA], $0x20, s5, s16, $0xb8;
	[tilespmem:$0x16E00] =	vst v63  }
0x63: {  	s5 =	simm.s32 @p0 $0x100;
	_ =	swait.ge [sflag:s20], $0x1000  }
0x64: {  	s5 =	simm.s32 @!p0 $0x100;
	[sflag:s20] =	ssyncset.done $0x0  }
0x65: {  	s26 =	rddreg [dreg:$0x6];
	s5 =	sadd.s32 $0x2800, s5;
	[sflag:s20] =	ssyncadd.s32 $0xFFFFF000  }
0x66: {  	[spmem:s2] =	stream.indirect.scatter.add.f32 [tilespmem:s26], [sflag:$0xB], $0x20, s5, s16, $0xb8;
	[tilespmem:$0x16E00] =	vst v63  }
0x67: {  	s5 =	simm.s32 @p0 $0x180;
	_ =	swait.ge [sflag:s21], $0x1000  }
0x68: {  	s5 =	simm.s32 @!p0 $0x180;
	[sflag:s21] =	ssyncset.done $0x0  }
0x69: {  	s28 =	rddreg [dreg:$0x7];
	s5 =	sadd.s32 $0x2800, s5;
	[sflag:s21] =	ssyncadd.s32 $0xFFFFF000  }
0x6a: {  	[spmem:s2] =	stream.indirect.scatter.add.f32 [tilespmem:s28], [sflag:$0xC], $0x20, s5, s16, $0xb8;
	[tilespmem:$0x16E00] =	vst v63  }
0x6b: {  	s5 =	simm.s32 @p0 $0x200;
	_ =	swait.ge [sflag:s22], $0x1000  }
0x6c: {  	s5 =	simm.s32 @!p0 $0x200;
	[sflag:s22] =	ssyncset.done $0x0  }
0x6d: {  	s29 =	rddreg [dreg:$0x8];
	s5 =	sadd.s32 $0x2800, s5;
	[sflag:s22] =	ssyncadd.s32 $0xFFFFF000  }
0x6e: {  	[spmem:s2] =	stream.indirect.scatter.add.f32 [tilespmem:s29], [sflag:$0xD], $0x20, s5, s16, $0xb8;
	[tilespmem:$0x16E00] =	vst v63  }
0x6f: {  	s5 =	simm.s32 @p0 $0x280;
	_ =	swait.ge [sflag:s23], $0x1000  }
0x70: {  	s5 =	simm.s32 @!p0 $0x280;
	[sflag:s23] =	ssyncset.done $0x0  }
0x71: {  	s30 =	rddreg [dreg:$0x9];
	s5 =	sadd.s32 $0x2800, s5;
	[sflag:s23] =	ssyncadd.s32 $0xFFFFF000  }
0x72: {  	[spmem:s2] =	stream.indirect.scatter.add.f32 [tilespmem:s30], [sflag:$0xE], $0x20, s5, s16, $0xb8;
	[tilespmem:$0x16E00] =	vst v63  }
0x73: {  	s5 =	simm.s32 $0x300;
	_ =	swait.ge [sflag:s24], $0x1000  }
0x74: {  	s7 =	simm.s32 $0x1000;
	s5 =	simm.s32 @!p0 $0x300;
	[sflag:s24] =	ssyncset.done $0x0  }
0x75: {  	s31 =	rddreg [dreg:$0xa];
	s5 =	sadd.s32 $0x2800, s5;
	[sflag:s24] =	ssyncadd.s32 $0xFFFFF000  }
0x76: {  	[spmem:s2] =	stream.indirect.scatter.add.f32 [tilespmem:s31], [sflag:$0xF], $0x20, s5, s16, $0xb8;
	[tilespmem:$0x16E00] =	vst v63  }
0x77: {  	s8 =	simm.s32 $0x2000;
	s10 =	simm.s32 $0x2B80;
	_ =	swait.ge [sflag:s25], $0x1000  }
0x78: {  	p0 =	por $0x1, $0x1;
	s5 =	simm.s32 $0x700;
	[sflag:s25] =	ssyncset.done $0x0  }
.LBB2_2:
0x79: {  	s11 =	simm.s32 @p0 $0x9;
	[sflag:s25] =	ssyncadd.s32 $0xFFFFF000  }
0x7a: {  	[spmem:s2] =	stream.indirect.scatter.add.f32 [tilespmem:s17], [sflag:$0x10], $0x20, s10, s16, $0xb8;
	[tilespmem:$0x16E00] =	vst v63  }
0x7b: {  	_ =	swait.ge @p0 [sflag:s11], $0x1000  }
0x7c: {  	s14 =	simm.s32 @p0 $0x5000;
	s26 =	simm.s32 @p0 $0xA;
	[sflag:s11] =	ssyncset.done @p0 $0x0  }
0x7d: {  	s10 =	simm.s32 @p0 $0x80;
	[sflag:s11] =	ssyncadd.s32 @p0 $0xFFFFF000;
	s11 =	sshra.s32 @p0 s7, $0x2  }
0x7e: {  	[tilespmem:s14], [sflag:$0x1] =	stream.indirect.gather @p0 [spmem:s3], $0x20, s11, s10, $0xb8;
	[tilespmem:$0x16E00] =	vst v63  }
0x7f: {  	_ =	swait.ge @p0 [sflag:s26], $0x1000  }
0x80: {  	s31 =	simm.s32 @p0 $0xB;
	[sflag:s26] =	ssyncset.done @p0 $0x0  }
0x81: {  	s14 =	sadd.s32 @p0 $0x80, s11;
	[sflag:s26] =	ssyncadd.s32 @p0 $0xFFFFF000;
	s26 =	simm.s32 @p0 $0x6000  }
0x82: {  	[tilespmem:s26], [sflag:$0x2] =	stream.indirect.gather @p0 [spmem:s3], $0x20, s14, s10, $0xb8;
	[tilespmem:$0x16E00] =	vst v63  }
0x83: {  	_ =	swait.ge @p0 [sflag:s31], $0x1000  }
0x84: {  	s28 =	sadd.s32 @p0 $0x100, s11;
	[sflag:s31] =	ssyncset.done @p0 $0x0  }
0x85: {  	s26 =	simm.s32 @p0 $0x7000;
	[sflag:s31] =	ssyncadd.s32 @p0 $0xFFFFF000;
	s31 =	simm.s32 @p0 $0xC  }
0x86: {  	[tilespmem:s26], [sflag:$0x3] =	stream.indirect.gather @p0 [spmem:s3], $0x20, s28, s10, $0xb8;
	[tilespmem:$0x16E00] =	vst v63  }
0x87: {  	_ =	swait.ge @p0 [sflag:s31], $0x1000  }
0x88: {  	s29 =	sadd.s32 @p0 $0x180, s11;
	[sflag:s31] =	ssyncset.done @p0 $0x0  }
0x89: {  	s26 =	simm.s32 @p0 $0x8000;
	s28 =	simm.s32 @p0 $0xD;
	[sflag:s31] =	ssyncadd.s32 @p0 $0xFFFFF000  }
0x8a: {  	[tilespmem:s26], [sflag:$0x4] =	stream.indirect.gather @p0 [spmem:s3], $0x20, s29, s10, $0xb8;
	[tilespmem:$0x16E00] =	vst v63  }
0x8b: {  	_ =	swait.ge @p0 [sflag:s28], $0x1000  }
0x8c: {  	s30 =	sadd.s32 @p0 $0x200, s11;
	[sflag:s28] =	ssyncset.done @p0 $0x0  }
0x8d: {  	s26 =	simm.s32 @p0 $0x9000;
	[sflag:s28] =	ssyncadd.s32 @p0 $0xFFFFF000;
	s28 =	simm.s32 @p0 $0xE  }
0x8e: {  	[tilespmem:s26], [sflag:$0x5] =	stream.indirect.gather @p0 [spmem:s3], $0x20, s30, s10, $0xb8;
	[tilespmem:$0x16E00] =	vst v63  }
0x8f: {  	_ =	swait.ge @p0 [sflag:s28], $0x1000  }
0x90: {  	s14 =	sadd.s32 @p0 $0x280, s11;
	[sflag:s28] =	ssyncset.done @p0 $0x0  }
0x91: {  	s26 =	simm.s32 @p0 $0xA000;
	[sflag:s28] =	ssyncadd.s32 @p0 $0xFFFFF000;
	s28 =	simm.s32 @p0 $0xF  }
0x92: {  	[tilespmem:s26], [sflag:$0x6] =	stream.indirect.gather @p0 [spmem:s3], $0x20, s14, s10, $0xb8;
	[tilespmem:$0x16E00] =	vst v63  }
0x93: {  	_ =	swait.ge @p0 [sflag:s28], $0x1000  }
0x94: {  	s11 =	sadd.s32 @p0 $0x300, s11;
	[sflag:s28] =	ssyncset.done @p0 $0x0  }
0x95: {  	s14 =	simm.s32 @p0 $0xB000;
	s26 =	simm.s32 @p0 $0x10;
	[sflag:s28] =	ssyncadd.s32 @p0 $0xFFFFF000  }
0x96: {  	[tilespmem:s14], [sflag:$0x7] =	stream.indirect.gather @p0 [spmem:s3], $0x20, s11, s10, $0xb8;
	[tilespmem:$0x16E00] =	vst v63  }
0x97: {  	_ =	swait.ge @p0 [sflag:s26], $0x1000  }
0x98: {  	s10 =	simm.s32 @!p0 $0x5000;
	[sflag:s26] =	ssyncset.done @p0 $0x0  }
0x99: {  	s11 =	sshra.s32 @!p0 s7, $0x2;
	s14 =	simm.s32 @!p0 $0x80;
	[sflag:s26] =	ssyncadd.s32 @p0 $0xFFFFF000  }
0x9a: {  	[tilespmem:s10], [sflag:$0x1] =	stream.indirect.gather @!p0 [spmem:s3], $0x20, s11, s14, $0xb8;
	[tilespmem:$0x16E00] =	vst v63  }
0x9b: {  	s10 =	simm.s32 @!p0 $0x6000  }
0x9c: {  	[tilespmem:s10], [sflag:$0x2] =	stream.indirect.gather @!p0 [spmem:s3], $0x20, s14, s14, $0xb8;
	[tilespmem:$0x16E00] =	vst v63  }
0x9d: {  	s11 =	simm.s32 @!p0 $0x7000;
	s10 =	simm.s32 @!p0 $0x100  }
0x9e: {  	[tilespmem:s11], [sflag:$0x3] =	stream.indirect.gather @!p0 [spmem:s3], $0x20, s10, s14, $0xb8;
	[tilespmem:$0x16E00] =	vst v63  }
0x9f: {  	s10 =	simm.s32 @!p0 $0x180;
	s11 =	simm.s32 @!p0 $0x8000  }
0xa0: {  	[tilespmem:s11], [sflag:$0x4] =	stream.indirect.gather @!p0 [spmem:s3], $0x20, s10, s14, $0xb8;
	[tilespmem:$0x16E00] =	vst v63  }
0xa1: {  	s10 =	simm.s32 @!p0 $0x200;
	s11 =	simm.s32 @!p0 $0x9000  }
0xa2: {  	[tilespmem:s11], [sflag:$0x5] =	stream.indirect.gather @!p0 [spmem:s3], $0x20, s10, s14, $0xb8;
	[tilespmem:$0x16E00] =	vst v63  }
0xa3: {  	s10 =	simm.s32 @!p0 $0x280;
	s11 =	simm.s32 @!p0 $0xA000  }
0xa4: {  	[tilespmem:s11], [sflag:$0x6] =	stream.indirect.gather @!p0 [spmem:s3], $0x20, s10, s14, $0xb8;
	[tilespmem:$0x16E00] =	vst v63  }
0xa5: {  	s26 =	simm.s32 @!p0 $0xB000;
	s11 =	simm.s32 @!p0 $0x300;
	s10 =	sshra.s32 s7, $0x2  }
0xa6: {  	[tilespmem:s26], [sflag:$0x7] =	stream.indirect.gather @!p0 [spmem:s3], $0x20, s11, s14, $0xb8;
	[tilespmem:$0x16E00] =	vst v63  }
0xa7: {  	s29 =	sadd.s32 $0x380, s10  }
0xa8: {  	[tilespmem:s17], [sflag:$0x8] =	stream.indirect.gather [spmem:s3], $0x20, s29, s16, $0xb8;
	[tilespmem:$0x16E00] =	vst v63  }
0xa9: {  	_ =	swait.ge [sflag:s18], $0x1000  }
0xaa: {  	s9 =	smov.u32 s8;
	[sflag:s18] =	ssyncset.done $0x0  }
0xab: {  	s31 =	sadd.s32 $0x2800, s10;
	s30 =	rddreg [dreg:$0x4];
	[sflag:s18] =	ssyncadd.s32 $0xFFFFF000  }
0xac: {  	[spmem:s2] =	stream.indirect.scatter.add.f32 [tilespmem:s30], [sflag:$0x9], $0x20, s31, s16, $0xb8;
	[tilespmem:$0x16E00] =	vst v63  }
0xad: {  	s7 =	smov.u32 s9;
	s9 =	sadd.s32 @p0 $0xFFFFFD80, s5;
	_ =	swait.ge [sflag:s19], $0x1000  }
0xae: {  	s9 =	simm.s32 @!p0 $0x80;
	[sflag:s19] =	ssyncset.done $0x0  }
0xaf: {  	s9 =	sadd.s32 $0x2800, s9;
	s14 =	rddreg [dreg:$0x5];
	[sflag:s19] =	ssyncadd.s32 $0xFFFFF000  }
0xb0: {  	[spmem:s2] =	stream.indirect.scatter.add.f32 [tilespmem:s14], [sflag:$0xA], $0x20, s9, s16, $0xb8;
	[tilespmem:$0x16E00] =	vst v63  }
0xb1: {  	s9 =	sadd.s32 @p0 $0xFFFFFE00, s5;
	_ =	swait.ge [sflag:s20], $0x1000  }
0xb2: {  	s9 =	simm.s32 @!p0 $0x100;
	[sflag:s20] =	ssyncset.done $0x0  }
0xb3: {  	s26 =	rddreg [dreg:$0x6];
	s9 =	sadd.s32 $0x2800, s9;
	[sflag:s20] =	ssyncadd.s32 $0xFFFFF000  }
0xb4: {  	[spmem:s2] =	stream.indirect.scatter.add.f32 [tilespmem:s26], [sflag:$0xB], $0x20, s9, s16, $0xb8;
	[tilespmem:$0x16E00] =	vst v63  }
0xb5: {  	s9 =	sadd.s32 @p0 $0xFFFFFE80, s5;
	_ =	swait.ge [sflag:s21], $0x1000  }
0xb6: {  	s9 =	simm.s32 @!p0 $0x180;
	[sflag:s21] =	ssyncset.done $0x0  }
0xb7: {  	s28 =	rddreg [dreg:$0x7];
	s9 =	sadd.s32 $0x2800, s9;
	[sflag:s21] =	ssyncadd.s32 $0xFFFFF000  }
0xb8: {  	[spmem:s2] =	stream.indirect.scatter.add.f32 [tilespmem:s28], [sflag:$0xC], $0x20, s9, s16, $0xb8;
	[tilespmem:$0x16E00] =	vst v63  }
0xb9: {  	s9 =	sadd.s32 @p0 $0xFFFFFF00, s5;
	_ =	swait.ge [sflag:s22], $0x1000  }
0xba: {  	s9 =	simm.s32 @!p0 $0x200;
	[sflag:s22] =	ssyncset.done $0x0  }
0xbb: {  	s29 =	rddreg [dreg:$0x8];
	s9 =	sadd.s32 $0x2800, s9;
	[sflag:s22] =	ssyncadd.s32 $0xFFFFF000  }
0xbc: {  	[spmem:s2] =	stream.indirect.scatter.add.f32 [tilespmem:s29], [sflag:$0xD], $0x20, s9, s16, $0xb8;
	[tilespmem:$0x16E00] =	vst v63  }
0xbd: {  	s9 =	sadd.s32 @p0 $0xFFFFFF80, s5;
	_ =	swait.ge [sflag:s23], $0x1000  }
0xbe: {  	s8 =	sadd.s32 $0x1000, s8;
	s9 =	simm.s32 @!p0 $0x280;
	[sflag:s23] =	ssyncset.done $0x0  }
0xbf: {  	s30 =	rddreg [dreg:$0x9];
	s9 =	sadd.s32 $0x2800, s9;
	[sflag:s23] =	ssyncadd.s32 $0xFFFFF000  }
0xc0: {  	[spmem:s2] =	stream.indirect.scatter.add.f32 [tilespmem:s30], [sflag:$0xE], $0x20, s9, s16, $0xb8;
	[tilespmem:$0x16E00] =	vst v63  }
0xc1: {  	p1 =	sne.s32 s8, $0xA000;
	s11 =	smov.u32 s5;
	_ =	swait.ge [sflag:s24], $0x1000  }
.Ltmp0:
0xc2: {  	s11 =	simm.s32 @!p0 $0x300;
	[sflag:s24] =	ssyncset.done $0x0;
	(pc) =	sbr.rel @p1 .LBB2_2-.Ltmp0, $4  }
0xc3: {  	s11 =	sadd.s32 $0x2800, s11;
	s31 =	rddreg [dreg:$0xa];
	[sflag:s24] =	ssyncadd.s32 $0xFFFFF000  }
0xc4: {  	[spmem:s2] =	stream.indirect.scatter.add.f32 [tilespmem:s31], [sflag:$0xF], $0x20, s11, s16, $0xb8;
	[tilespmem:$0x16E00] =	vst v63  }
0xc5: {  	s10 =	sadd.s32 $0x2B80, s10;
	_ =	swait.ge [sflag:s25], $0x1000  }
0xc6: {  	s5 =	sadd.s32 $0x400, s5;
	p0 =	sne.s32 s7, $0x0;
	[sflag:s25] =	ssyncset.done $0x0  }
0xc7: {  	s8 =	simm.s32 @p0 $0x9;
	[sflag:s25] =	ssyncadd.s32 $0xFFFFF000  }
0xc8: {  	[spmem:s2] =	stream.indirect.scatter.add.f32 [tilespmem:s17], [sflag:$0x10], $0x20, s10, s16, $0xb8;
	[tilespmem:$0x16E00] =	vst v63  }
0xc9: {  	_ =	swait.ge @p0 [sflag:s8], $0x1000  }
0xca: {  	s9 =	simm.s32 @p0 $0x5000;
	s11 =	simm.s32 @p0 $0x80;
	[sflag:s8] =	ssyncset.done @p0 $0x0  }
0xcb: {  	s10 =	simm.s32 @p0 $0xA;
	[sflag:s8] =	ssyncadd.s32 @p0 $0xFFFFF000;
	s8 =	sshra.s32 @p0 s7, $0x2  }
0xcc: {  	[tilespmem:s9], [sflag:$0x1] =	stream.indirect.gather @p0 [spmem:s3], $0x20, s8, s11, $0xb8;
	[tilespmem:$0x16E00] =	vst v63  }
0xcd: {  	_ =	swait.ge @p0 [sflag:s10], $0x1000  }
0xce: {  	[sflag:s10] =	ssyncset.done @p0 $0x0  }
0xcf: {  	s9 =	sadd.s32 @p0 $0x80, s8;
	[sflag:s10] =	ssyncadd.s32 @p0 $0xFFFFF000;
	s10 =	simm.s32 @p0 $0x6000  }
0xd0: {  	[tilespmem:s10], [sflag:$0x2] =	stream.indirect.gather @p0 [spmem:s3], $0x20, s9, s11, $0xb8;
	[tilespmem:$0x16E00] =	vst v63  }
0xd1: {  	s9 =	simm.s32 @p0 $0xB  }
0xd2: {  	_ =	swait.ge @p0 [sflag:s9], $0x1000  }
0xd3: {  	[sflag:s9] =	ssyncset.done @p0 $0x0  }
0xd4: {  	s10 =	sadd.s32 @p0 $0x100, s8;
	[sflag:s9] =	ssyncadd.s32 @p0 $0xFFFFF000;
	s9 =	simm.s32 @p0 $0x7000  }
0xd5: {  	[tilespmem:s9], [sflag:$0x3] =	stream.indirect.gather @p0 [spmem:s3], $0x20, s10, s11, $0xb8;
	[tilespmem:$0x16E00] =	vst v63  }
0xd6: {  	s9 =	simm.s32 @p0 $0xC  }
0xd7: {  	_ =	swait.ge @p0 [sflag:s9], $0x1000  }
0xd8: {  	[sflag:s9] =	ssyncset.done @p0 $0x0  }
0xd9: {  	s10 =	sadd.s32 @p0 $0x180, s8;
	[sflag:s9] =	ssyncadd.s32 @p0 $0xFFFFF000;
	s9 =	simm.s32 @p0 $0x8000  }
0xda: {  	[tilespmem:s9], [sflag:$0x4] =	stream.indirect.gather @p0 [spmem:s3], $0x20, s10, s11, $0xb8;
	[tilespmem:$0x16E00] =	vst v63  }
0xdb: {  	s9 =	simm.s32 @p0 $0xD  }
0xdc: {  	_ =	swait.ge @p0 [sflag:s9], $0x1000  }
0xdd: {  	[sflag:s9] =	ssyncset.done @p0 $0x0  }
0xde: {  	s10 =	sadd.s32 @p0 $0x200, s8;
	[sflag:s9] =	ssyncadd.s32 @p0 $0xFFFFF000;
	s9 =	simm.s32 @p0 $0x9000  }
0xdf: {  	[tilespmem:s9], [sflag:$0x5] =	stream.indirect.gather @p0 [spmem:s3], $0x20, s10, s11, $0xb8;
	[tilespmem:$0x16E00] =	vst v63  }
0xe0: {  	s9 =	simm.s32 @p0 $0xE  }
0xe1: {  	_ =	swait.ge @p0 [sflag:s9], $0x1000  }
0xe2: {  	[sflag:s9] =	ssyncset.done @p0 $0x0  }
0xe3: {  	s10 =	sadd.s32 @p0 $0x280, s8;
	[sflag:s9] =	ssyncadd.s32 @p0 $0xFFFFF000;
	s9 =	simm.s32 @p0 $0xA000  }
0xe4: {  	[tilespmem:s9], [sflag:$0x6] =	stream.indirect.gather @p0 [spmem:s3], $0x20, s10, s11, $0xb8;
	[tilespmem:$0x16E00] =	vst v63  }
0xe5: {  	s9 =	simm.s32 @p0 $0xF  }
0xe6: {  	_ =	swait.ge @p0 [sflag:s9], $0x1000  }
0xe7: {  	[sflag:s9] =	ssyncset.done @p0 $0x0  }
0xe8: {  	s8 =	sadd.s32 @p0 $0x300, s8;
	[sflag:s9] =	ssyncadd.s32 @p0 $0xFFFFF000;
	s9 =	simm.s32 @p0 $0xB000  }
0xe9: {  	[tilespmem:s9], [sflag:$0x7] =	stream.indirect.gather @p0 [spmem:s3], $0x20, s8, s11, $0xb8;
	[tilespmem:$0x16E00] =	vst v63  }
0xea: {  	s8 =	simm.s32 @p0 $0x10  }
0xeb: {  	_ =	swait.ge @p0 [sflag:s8], $0x1000  }
0xec: {  	s10 =	simm.s32 @!p0 $0x80;
	[sflag:s8] =	ssyncset.done @p0 $0x0  }
0xed: {  	s9 =	simm.s32 @!p0 $0x5000;
	[sflag:s8] =	ssyncadd.s32 @p0 $0xFFFFF000;
	s8 =	sshra.s32 @!p0 s7, $0x2  }
0xee: {  	[tilespmem:s9], [sflag:$0x1] =	stream.indirect.gather @!p0 [spmem:s3], $0x20, s8, s10, $0xb8;
	[tilespmem:$0x16E00] =	vst v63  }
0xef: {  	s8 =	simm.s32 @!p0 $0x6000  }
0xf0: {  	[tilespmem:s8], [sflag:$0x2] =	stream.indirect.gather @!p0 [spmem:s3], $0x20, s10, s10, $0xb8;
	[tilespmem:$0x16E00] =	vst v63  }
0xf1: {  	s9 =	simm.s32 @!p0 $0x7000;
	s8 =	simm.s32 @!p0 $0x100  }
0xf2: {  	[tilespmem:s9], [sflag:$0x3] =	stream.indirect.gather @!p0 [spmem:s3], $0x20, s8, s10, $0xb8;
	[tilespmem:$0x16E00] =	vst v63  }
0xf3: {  	s8 =	simm.s32 @!p0 $0x180;
	s9 =	simm.s32 @!p0 $0x8000  }
0xf4: {  	[tilespmem:s9], [sflag:$0x4] =	stream.indirect.gather @!p0 [spmem:s3], $0x20, s8, s10, $0xb8;
	[tilespmem:$0x16E00] =	vst v63  }
0xf5: {  	s8 =	simm.s32 @!p0 $0x200;
	s9 =	simm.s32 @!p0 $0x9000  }
0xf6: {  	[tilespmem:s9], [sflag:$0x5] =	stream.indirect.gather @!p0 [spmem:s3], $0x20, s8, s10, $0xb8;
	[tilespmem:$0x16E00] =	vst v63  }
0xf7: {  	s8 =	simm.s32 @!p0 $0x280;
	s9 =	simm.s32 @!p0 $0xA000  }
0xf8: {  	[tilespmem:s9], [sflag:$0x6] =	stream.indirect.gather @!p0 [spmem:s3], $0x20, s8, s10, $0xb8;
	[tilespmem:$0x16E00] =	vst v63  }
0xf9: {  	s7 =	sshra.s32 s7, $0x2;
	s8 =	simm.s32 @!p0 $0x300;
	s9 =	simm.s32 @!p0 $0xB000  }
0xfa: {  	[tilespmem:s9], [sflag:$0x7] =	stream.indirect.gather @!p0 [spmem:s3], $0x20, s8, s10, $0xb8;
	[tilespmem:$0x16E00] =	vst v63  }
0xfb: {  	s10 =	sadd.s32 $0x380, s7  }
0xfc: {  	[tilespmem:s17], [sflag:$0x8] =	stream.indirect.gather [spmem:s3], $0x20, s10, s16, $0xb8;
	[tilespmem:$0x16E00] =	vst v63  }
0xfd: {  	_ =	swait.ge [sflag:s18], $0x1000  }
0xfe: {  	[sflag:s18] =	ssyncset.done $0x0  }
0xff: {  	s14 =	sadd.s32 $0x2800, s7;
	s11 =	rddreg [dreg:$0x4];
	[sflag:s18] =	ssyncadd.s32 $0xFFFFF000  }
0x100: {  	[spmem:s2] =	stream.indirect.scatter.add.f32 [tilespmem:s11], [sflag:$0x9], $0x20, s14, s16, $0xb8;
	[tilespmem:$0x16E00] =	vst v63  }
0x101: {  	s8 =	sadd.s32 @p0 $0xFFFFFD80, s5;
	_ =	swait.ge [sflag:s19], $0x1000  }
0x102: {  	s8 =	simm.s32 @!p0 $0x80;
	[sflag:s19] =	ssyncset.done $0x0  }
0x103: {  	s8 =	sadd.s32 $0x2800, s8;
	s26 =	rddreg [dreg:$0x5];
	[sflag:s19] =	ssyncadd.s32 $0xFFFFF000  }
0x104: {  	[spmem:s2] =	stream.indirect.scatter.add.f32 [tilespmem:s26], [sflag:$0xA], $0x20, s8, s16, $0xb8;
	[tilespmem:$0x16E00] =	vst v63  }
0x105: {  	s8 =	sadd.s32 @p0 $0xFFFFFE00, s5;
	_ =	swait.ge [sflag:s20], $0x1000  }
0x106: {  	s8 =	simm.s32 @!p0 $0x100;
	[sflag:s20] =	ssyncset.done $0x0  }
0x107: {  	s28 =	rddreg [dreg:$0x6];
	s8 =	sadd.s32 $0x2800, s8;
	[sflag:s20] =	ssyncadd.s32 $0xFFFFF000  }
0x108: {  	[spmem:s2] =	stream.indirect.scatter.add.f32 [tilespmem:s28], [sflag:$0xB], $0x20, s8, s16, $0xb8;
	[tilespmem:$0x16E00] =	vst v63  }
0x109: {  	s8 =	sadd.s32 @p0 $0xFFFFFE80, s5;
	_ =	swait.ge [sflag:s21], $0x1000  }
0x10a: {  	s8 =	simm.s32 @!p0 $0x180;
	[sflag:s21] =	ssyncset.done $0x0  }
0x10b: {  	s29 =	rddreg [dreg:$0x7];
	s8 =	sadd.s32 $0x2800, s8;
	[sflag:s21] =	ssyncadd.s32 $0xFFFFF000  }
0x10c: {  	[spmem:s2] =	stream.indirect.scatter.add.f32 [tilespmem:s29], [sflag:$0xC], $0x20, s8, s16, $0xb8;
	[tilespmem:$0x16E00] =	vst v63  }
0x10d: {  	s8 =	sadd.s32 @p0 $0xFFFFFF00, s5;
	_ =	swait.ge [sflag:s22], $0x1000  }
0x10e: {  	s8 =	simm.s32 @!p0 $0x200;
	[sflag:s22] =	ssyncset.done $0x0  }
0x10f: {  	s30 =	rddreg [dreg:$0x8];
	s8 =	sadd.s32 $0x2800, s8;
	[sflag:s22] =	ssyncadd.s32 $0xFFFFF000  }
0x110: {  	[spmem:s2] =	stream.indirect.scatter.add.f32 [tilespmem:s30], [sflag:$0xD], $0x20, s8, s16, $0xb8;
	[tilespmem:$0x16E00] =	vst v63  }
0x111: {  	s8 =	sadd.s32 @p0 $0xFFFFFF80, s5;
	_ =	swait.ge [sflag:s23], $0x1000  }
0x112: {  	s8 =	simm.s32 @!p0 $0x280;
	[sflag:s23] =	ssyncset.done $0x0  }
0x113: {  	s31 =	rddreg [dreg:$0x9];
	s8 =	sadd.s32 $0x2800, s8;
	[sflag:s23] =	ssyncadd.s32 $0xFFFFF000  }
0x114: {  	[spmem:s2] =	stream.indirect.scatter.add.f32 [tilespmem:s31], [sflag:$0xE], $0x20, s8, s16, $0xb8;
	[tilespmem:$0x16E00] =	vst v63  }
0x115: {  	_ =	swait.ge [sflag:s24], $0x1000  }
0x116: {  	s5 =	simm.s32 @!p0 $0x300;
	[sflag:s24] =	ssyncset.done $0x0  }
0x117: {  	s5 =	sadd.s32 $0x2800, s5;
	s9 =	rddreg [dreg:$0xa];
	[sflag:s24] =	ssyncadd.s32 $0xFFFFF000  }
0x118: {  	[spmem:s2] =	stream.indirect.scatter.add.f32 [tilespmem:s9], [sflag:$0xF], $0x20, s5, s16, $0xb8;
	[tilespmem:$0x16E00] =	vst v63  }
0x119: {  	_ =	swait.ge [sflag:s25], $0x1000  }
0x11a: {  	[sflag:s25] =	ssyncset.done $0x0  }
0x11b: {  	s10 =	sadd.s32 $0x2B80, s7;
	s11 =	simm.s32 $0x9;
	[sflag:s25] =	ssyncadd.s32 $0xFFFFF000  }
0x11c: {  	[spmem:s2] =	stream.indirect.scatter.add.f32 [tilespmem:s17], [sflag:$0x10], $0x20, s10, s16, $0xb8;
	[tilespmem:$0x16E00] =	vst v63  }
0x11d: {  	_ =	swait.ge [sflag:s11], $0x1000  }
0x11e: {  	[sflag:s11] =	ssyncset.done $0x0  }
0x11f: {  	s14 =	simm.s32 $0xA;
	[sflag:s11] =	ssyncadd.s32 $0xFFFFF000  }
0x120: {  	_ =	swait.ge [sflag:s14], $0x1000  }
0x121: {  	[sflag:s14] =	ssyncset.done $0x0  }
0x122: {  	s26 =	simm.s32 $0xB;
	[sflag:s14] =	ssyncadd.s32 $0xFFFFF000  }
0x123: {  	_ =	swait.ge [sflag:s26], $0x1000  }
0x124: {  	[sflag:s26] =	ssyncset.done $0x0  }
0x125: {  	s28 =	simm.s32 $0xC;
	[sflag:s26] =	ssyncadd.s32 $0xFFFFF000  }
0x126: {  	_ =	swait.ge [sflag:s28], $0x1000  }
0x127: {  	[sflag:s28] =	ssyncset.done $0x0  }
0x128: {  	s29 =	simm.s32 $0xD;
	[sflag:s28] =	ssyncadd.s32 $0xFFFFF000  }
0x129: {  	_ =	swait.ge [sflag:s29], $0x1000  }
0x12a: {  	[sflag:s29] =	ssyncset.done $0x0  }
0x12b: {  	[sflag:s29] =	ssyncadd.s32 $0xFFFFF000  }
0x12c: {  	_ =	swait.ge [sflag:s0], $0x1000  }
0x12d: {  	[sflag:s0] =	ssyncset.done $0x0  }
0x12e: {  	[sflag:s0] =	ssyncadd.s32 $0xFFFFF000  }
0x12f: {  	_ =	swait.ge [sflag:s1], $0x1000  }
0x130: {  	[sflag:s1] =	ssyncset.done $0x0  }
0x131: {  	[sflag:s1] =	ssyncadd.s32 $0xFFFFF000  }
0x132: {  	_ =	swait.ge [sflag:s15], $0x1000  }
0x133: {  	[sflag:s15] =	ssyncset.done $0x0  }
0x134: {  	[sflag:s15] =	ssyncadd.s32 $0xFFFFF000  }
0x135: {  	[bflag:$0x0] =	sbarrier.arrive $0xFFFF  }
0x136: {  	s30 =	rddreg [dreg:$0xf]  }
0x137: {  	[hbm:s30], [sflag:s6] =	dma.local [spmem:s12], $0x9E0  }
0x138: {  	_ =	swait.ge [sflag:s13], $0x9E0  }
0x139: {  	s4 =	sadd.s32 $0x1, s4;
	s31 =	rddreg [dreg:$0x10]  }
0x13a: {  	p0 =	sne.s32 s4, s31  }
.Ltmp1:
0x13b: {  	_ = 	snop;
	(pc) =	sbr.rel @p0 .LBB2_1-.Ltmp1, $3  }
0x13c: {  	_ =	sdelay $0x1  }
0x13d: {  	[sflag:s13] =	ssyncset.done $0x0  }
0x13e: {  	[sflag:s13] =	ssyncadd.s32 $0xFFFFF620  }
0x13f: {  	_ =	sfence.sel $0x180000  }
0x140: {  	[bflag:$0x0] =	sbarrier.arrive $0xFFFF  }
0x141: {  	_ =	strace $0x9000004D  }
0x142: {  	s0 =	stileid.u32;
	[bflag:$0x2] =	sbarrier.arrive $0xFFFF  }
0x143: {  	p0 =	sne.s32 s0, $0x0;
	s0 =	rddreg [dreg:$0x3]  }
0x144: {  	s0 =	sadd.s32 @!p0 $0x100000, s0  }
0x145: {  	[sflag:s0] =	ssyncadd.tile.s32 @!p0 $0x1;
	_ =	shalt  }
.Lfunc_end2:
_tile_overlayer_lowered:
.L_overlay_start_2:
0x146: {  	(tag) =	ssettag $0x2  }
0x147: {  	s0 =	rddreg [dreg:$0x0];
	s2 =	stileid.u32  }
0x148: {  	s1 =	rddreg [dreg:$0x1];
	p0 =	sne.s32 s2, $0x0  }
0x149: {  	s3 =	rddreg [dreg:$0x2];
	[bflag:$0x3] =	sbarrier.arrive $0xFFFF;
	s2 =	simm.s32 @!p0 $0x1C11  }
0x14a: {  	[timem:s3], [sflag:s2] =	dma.local @!p0 [hbm:s0], s1  }
0x14b: {  	s0 =	simm.s32 @!p0 $0x11  }
0x14c: {  	_ =	swait.ge @!p0 [sflag:s0], s1  }
0x14d: {  	s1 =	ssub.s32 @!p0 $0x0, s1;
	[sflag:s0] =	ssyncset.done @!p0 $0x0  }
0x14e: {  	[sflag:s0] =	ssyncadd.s32 @!p0 s1  }
0x14f: {  	[bflag:$0x3] =	sbarrier.arrive $0xFFFF  }
0x150: {  	_ =	shalt  }

// kernel: kernel.9.cloned.1.call-start
scs
__scs_entry_jumppad:
0x0: {  	(pc) =	sbr.rel $0x88, $3  }
0x1: {  	(tag) =	ssettag $0x0;
	lr =	simm.s32 $0x1  }
0x2: {  	[smem:$0x3F91] =	sst lr;
	_ =	strace $0xD0000000  }
0x3: {  	_ = 	snop  }
0x4: {  	_ = 	snop  }
0x5: {  	_ = 	snop  }
0x6: {  	_ = 	snop  }
0x7: {  	_ = 	snop  }
__scs_overlays_trampoline_lowered:
0x8: {  	[smem:$0x3FA0] =	sst s0  }
0x9: {  	[smem:$0x3FA1] =	sst s1  }
0xa: {  	[smem:$0x3FA2] =	sst s2  }
0xb: {  	[smem:$0x3FA3] =	sst s3  }
0xc: {  	[smem:$0x3FA4] =	sst s4  }
0xd: {  	[smem:$0x3FA5] =	sst s5  }
0xe: {  	[smem:$0x3FA6] =	sst s6  }
0xf: {  	[smem:$0x3FA7] =	sst s7  }
0x10: {  	[smem:$0x3FA8] =	sst s8  }
0x11: {  	[smem:$0x3FA9] =	sst s9;
	s0 =	simm.s32 @!p0 $0x0  }
0x12: {  	s1 =	sld [smem:$0x3F8F];
	s0 =	simm.s32 @p0 $0x1  }
0x13: {  	[smem:$0x3FAA] =	sst s0;
	s0 =	simm.s32 @!p1 $0x0  }
0x14: {  	s2 =	sld [smem:$0x3F8E];
	s0 =	simm.s32 @p1 $0x1  }
0x15: {  	[smem:$0x3FAB] =	sst s0;
	s0 =	simm.s32 @!p2 $0x0  }
0x16: {  	s3 =	sld [smem:$0x3FDB];
	s0 =	simm.s32 @p2 $0x1  }
0x17: {  	s4 =	simm.s32 $0x1BF5;
	[smem:$0x3FAD] =	sst s0  }
0x18: {  	s0 =	sld [smem:$0x3F90];
	_ =	swait.ge [sflag:s4], $0x0  }
0x19: {  	s7 =	sld [smem:$0x3F91]  }
0x1a: {  	s8 =	sadd.s32 $0xFFFFE003, lr  }
0x1b: {  	s9 =	sadd.s32 $0xFFFFFEF7, lr;
	s5 =	simm.s32 $0xFFFFFFFF;
	p2 =	slt.u32 s8, $0xFFFFF086  }
0x1c: {  	p1 =	slt.u32 s9, $0xF7A;
	s5 =	simm.s32 @!p2 $0x0  }
0x1d: {  	s5 =	simm.s32 @p1 $0x1;
	p0 =	seq.s32 s7, s2  }
0x1e: {  	s7 =	smul.u32 @!p0 $0xF7A, s2;
	p2 =	seq.s32 @!p0 s5, $0x0  }
0x1f: {  	s9 =	smul.u32 $0xF7A, s1;
	s8 =	simm.s32 @!p0 $0x1BF5;
	p2 =	por !p2, p0  }
0x20: {  	[sflag:s8] =	ssyncset.s32 @!p0 $0xFFFFF086;
	s6 =	sadd.s32 @!p0 s3, s7;
	s7 =	simm.s32 @!p0 $0x108  }
0x21: {  	s3 =	sadd.s32 s3, s9;
	s6 =	sadd.s32 @!p0 $0x88, s6;
	s7 =	simm.s32 @p2 $0x1082  }
0x22: {  	[simem:s7], [sflag:s8] =	dma.local @!p0 [hbm:s6], $0xF7A  }
0x23: {  	s9 =	sor.u32 $0xD0000000, s2;
	s6 =	simm.s32 $0x108;
	_ =	swait.ge @!p0 [sflag:s8], $0x0  }
0x24: {  	s3 =	sadd.s32 $0x88, s3;
	s6 =	simm.s32 @!p1 $0x1082;
	[sflag:s4] =	ssyncset.s32 $0xFFFFF086  }
0x25: {  	[simem:s6], [sflag:s4] =	dma.local [hbm:s3], $0xF7A  }
0x26: {  	[smem:$0x3F91] =	sst s1;
	(tag) =	ssettag s2;
	_ =	strace s9  }
0x27: {  	s1 =	sld [smem:$0x3FA1]  }
0x28: {  	s2 =	sld [smem:$0x3FA2]  }
0x29: {  	s4 =	sld [smem:$0x3FA4]  }
0x2a: {  	p0 =	seq.s32 s5, $0x0;
	s5 =	sld [smem:$0x3FA5]  }
0x2b: {  	s6 =	sld [smem:$0x3FA6]  }
0x2c: {  	s7 =	sld [smem:$0x3FA7]  }
0x2d: {  	s3 =	simm.s32 $0x108;
	s8 =	sld [smem:$0x3FA8]  }
0x2e: {  	s3 =	simm.s32 @!p0 $0x1082;
	s9 =	sld [smem:$0x3FA9]  }
0x2f: {  	lr =	sadd.s32 s0, s3;
	s0 =	sld [smem:$0x3FA0]  }
0x30: {  	s3 =	sld [smem:$0x3FA3]  }
0x31: {  	[smem:$0x3FAC] =	sst s10  }
0x32: {  	s10 =	sld [smem:$0x3FAA];
	_ =	sdelay $0x3  }
0x33: {  	p0 =	seq.s32 s10, $0x1;
	s10 =	sld [smem:$0x3FAC];
	_ =	sdelay $0x3  }
0x34: {  	[smem:$0x3FAC] =	sst s10  }
0x35: {  	s10 =	sld [smem:$0x3FAB];
	_ =	sdelay $0x3  }
0x36: {  	p1 =	seq.s32 s10, $0x1;
	s10 =	sld [smem:$0x3FAC];
	_ =	sdelay $0x3  }
0x37: {  	[smem:$0x3FAC] =	sst s10  }
0x38: {  	s10 =	sld [smem:$0x3FAD]  }
0x39: {  	_ = 	snop;
	(pc) =	sbr.ind lr, $3  }
0x3a: {  	_ = 	snop  }
0x3b: {  	_ = 	snop  }
0x3c: {  	p2 =	seq.s32 s10, $0x1;
	s10 =	sld [smem:$0x3FAC]  }
0x3d: {  	_ =	shalt  }
0x3e: {  	_ =	shalt  }
0x3f: {  	_ =	shalt  }
0x40: {  	_ =	shalt  }
0x41: {  	_ =	shalt  }
0x42: {  	_ =	shalt  }
0x43: {  	_ =	shalt  }
0x44: {  	_ =	shalt  }
0x45: {  	_ =	shalt  }
0x46: {  	_ =	shalt  }
0x47: {  	_ =	shalt  }
0x48: {  	_ =	shalt  }
0x49: {  	_ =	shalt  }
0x4a: {  	_ =	shalt  }
0x4b: {  	_ =	shalt  }
0x4c: {  	_ =	shalt  }
0x4d: {  	_ =	shalt  }
0x4e: {  	_ =	shalt  }
0x4f: {  	_ =	shalt  }
0x50: {  	_ =	shalt  }
0x51: {  	_ =	shalt  }
0x52: {  	_ =	shalt  }
0x53: {  	_ =	shalt  }
0x54: {  	_ =	shalt  }
0x55: {  	_ =	shalt  }
0x56: {  	_ =	shalt  }
0x57: {  	_ =	shalt  }
0x58: {  	_ =	shalt  }
0x59: {  	_ =	shalt  }
0x5a: {  	_ =	shalt  }
0x5b: {  	_ =	shalt  }
0x5c: {  	_ =	shalt  }
0x5d: {  	_ =	shalt  }
0x5e: {  	_ =	shalt  }
0x5f: {  	_ =	shalt  }
0x60: {  	_ =	shalt  }
0x61: {  	_ =	shalt  }
0x62: {  	_ =	shalt  }
0x63: {  	_ =	shalt  }
0x64: {  	_ =	shalt  }
0x65: {  	_ =	shalt  }
0x66: {  	_ =	shalt  }
0x67: {  	_ =	shalt  }
0x68: {  	_ =	shalt  }
0x69: {  	_ =	shalt  }
0x6a: {  	_ =	shalt  }
0x6b: {  	_ =	shalt  }
0x6c: {  	_ =	shalt  }
0x6d: {  	_ =	shalt  }
0x6e: {  	_ =	shalt  }
0x6f: {  	_ =	shalt  }
0x70: {  	_ =	shalt  }
0x71: {  	_ =	shalt  }
0x72: {  	_ =	shalt  }
0x73: {  	_ =	shalt  }
0x74: {  	_ =	shalt  }
0x75: {  	_ =	shalt  }
0x76: {  	_ =	shalt  }
0x77: {  	_ =	shalt  }
0x78: {  	_ =	shalt  }
0x79: {  	_ =	shalt  }
0x7a: {  	_ =	shalt  }
0x7b: {  	_ =	shalt  }
0x7c: {  	_ =	shalt  }
0x7d: {  	_ =	shalt  }
0x7e: {  	_ =	shalt  }
0x7f: {  	_ =	shalt  }
0x80: {  	_ =	shalt  }
0x81: {  	_ =	shalt  }
0x82: {  	_ =	shalt  }
0x83: {  	_ =	shalt  }
0x84: {  	_ =	shalt  }
0x85: {  	_ =	shalt  }
0x86: {  	_ =	shalt  }
0x87: {  	_ =	shalt  }
.Lfunc_end0:
.L_simem_size_0:
called_computation_lowered:
.L_overlay_start_0:
0x88: {  	s2 =	sld [smem:$0x3FD9]  }
0x89: {  	s3 =	sld [smem:$0x3FFE];
	_ =	sdelay $0x1  }
0x8a: {  	s1 =	srdreg.scid  }
0x8b: {  	s0 =	sand.u32 $0x1, s1  }
0x8c: {  	s17 =	sshll.u32 s0, $0xA;
	s2 =	sadd.s32 s3, s2  }
0x8d: {  	s2 =	sadd.s32 s2, s17  }
0x8e: {  	[smem:$0x3FB8] =	sst s2  }
0x8f: {  	_ = 	snop  }
0x90: {  	s2 =	sld [smem:$0x3FD0];
	(tm) =	ssettm $0x1  }
0x91: {  	s18 =	sld [smem:$0x3FFB];
	_ =	sdelay $0x3  }
0x92: {  	_ =	strace s18  }
0x93: {  	s3 =	sld [smem:$0x3FFC];
	_ =	sdelay $0x3  }
0x94: {  	_ =	strace s3  }
0x95: {  	s3 =	sld [smem:$0x3FFD];
	_ =	sdelay $0x3  }
0x96: {  	_ =	strace s3  }
0x97: {  	_ =	strace $0x8FFFFFFF  }
0x98: {  	s19 =	sld [smem:$0x3FDB];
	_ =	sdelay $0x1  }
0x99: {  	s4 =	simm.s32 $_scs_section_size  }
0x9a: {  	s5 =	simm.s32 $_size__tile_overlayer_lowered;
	s6 =	simm.s32 $_tile_overlayer_lowered  }
0x9b: {  	s22 =	simm.s32 $0x1BFF;
	s21 =	sshll.u32 s6, $0x1;
	s3 =	sadd.s32 s4, s19  }
0x9c: {  	s7 =	simm.s32 $0x0;
	s20 =	sshll.u32 s5, $0x1;
	s5 =	sadd.s32 s21, s3  }
0x9d: {  	[timem:s7], [sflag:s22] =	dma.local [hbm:s5], s20  }
0x9e: {  	_ =	swait.ge [sflag:s22], s20  }
0x9f: {  	s4 =	ssub.s32 $0x0, s20;
	[sflag:s22] =	ssyncset.done $0x0  }
0xa0: {  	[sflag:s22] =	ssyncadd.s32 s4;
	_ =	sdelay $0x1  }
0xa1: {  	s23 =	simm.s32 $0x1B8B  }
0xa2: {  	_ =	swait.ge [sflag:s23], $0x1  }
0xa3: {  	[sflag:s23] =	ssyncset.done $0x0  }
0xa4: {  	s25 =	simm.s32 $0x1B8E;
	s24 =	sld [smem:$0x3FFE];
	[sflag:s23] =	ssyncadd.s32 $0xFFFFFFFF  }
0xa5: {  	s26 =	simm.s32 $execute0_lowered;
	[smem:$0x3FD2] =	sst s25  }
0xa6: {  	s5 =	sshll.u32 s26, $0x1;
	_ =	strace $0x80000046;
	[dreg:$0x1] =	wrdreg $0xFFFFFFFF  }
0xa7: {  	s28 =	simm.s32 $_size_execute0_lowered;
	s3 =	sadd.s32 s3, s5;
	[dreg:$0x0] =	wrdreg $0x0  }
0xa8: {  	s5 =	sshll.u32 s28, $0x1;
	[dreg:$0x2] =	wrdreg s3  }
0xa9: {  	[dreg:$0x3] =	wrdreg s5  }
0xaa: {  	[dreg:$0x4] =	wrdreg $0xC0  }
0xab: {  	_ =	task [dreg:s7], $0x5FFFF  }
0xac: {  	[dreg:$0x1] =	wrdreg $0xFFFFFFFF  }
0xad: {  	[dreg:$0x0] =	wrdreg $0x60  }
0xae: {  	[dreg:$0x2] =	wrdreg s24  }
0xaf: {  	[dreg:$0x3] =	wrdreg s2  }
0xb0: {  	[dreg:$0x4] =	wrdreg $0x30000  }
0xb1: {  	[dreg:$0x5] =	wrdreg $0x9  }
0xb2: {  	_ =	task.clear_ibuf [dreg:s7], $0x6FFFF;
	_ =	strace $0x90000046  }
0xb3: {  	s29 =	simm.s32 $0x9;
	_ =	strace $0x80000048  }
0xb4: {  	_ =	swait.ge [sflag:s29], $0x1  }
0xb5: {  	[sflag:s29] =	ssyncadd.s32 $0xFFFFFFFF  }
0xb6: {  	_ =	strace $0x90000048  }
0xb7: {  	_ =	sfence  }
0xb8: {  	s30 =	sld [smem:$0x0];
	_ =	sdelay $0x2  }
0xb9: {  	s31 =	sshll.u32 s1, $0xD;
	s1 =	sshrl.u32 s1, $0x2  }
0xba: {  	s3 =	sand.u32 $0x4000, s31;
	s1 =	sadd.s32 s1, s30  }
0xbb: {  	s0 =	sor.u32 s3, s0;
	s1 =	sshll.u32 s1, $0x11  }
0xbc: {  	s0 =	sor.u32 s1, s0  }
0xbd: {  	s0 =	sadd.s32 $0x8F2B, s0  }
0xbe: {  	[sflag:s0] =	ssyncadd.remote.s32 $0x1  }
0xbf: {  	_ =	sfence.sel $0xFFFF  }
0xc0: {  	[dreg:$0x0] =	wrdreg $0xFFFFFFFF;
	(pc) =	sbr.abs _section_cstart, $3  }
0xc1: {  	[dreg:$0x1] =	wrdreg $0xFFFFFFFF  }
0xc2: {  	_ =	task.clear_ibuf [dreg:s7], $0x2FFFF;
	_ =	strace $0x9FFFFFFF  }
0xc3: {  	(tm) =	ssettm $0x7FFFFFFF  }
tec
execute0_lowered:
.L_overlay_start_1:
0x0: {  	(tag) =	ssettag $0x1  }
0x1: {  	s6 =	rddreg [dreg:$0x0]  }
0x2: {  	s0 =	srdreg.scid;
	s2 =	rddreg [dreg:$0x1]  }
0x3: {  	s3 =	rddreg [dreg:$0x2];
	s4 =	simm.s32 $0x0;
	s13 =	simm.s32 $0x80  }
0x4: {  	s14 =	simm.s32 $0x0;
	s5 =	sand.u32 $0x1, s0;
	s0 =	stileid.u32  }
0x5: {  	[smem:$0x7FF] =	sst s4;
	s1 =	sshll.u32 s5, $0x4;
	s8 =	smul.u32 $0x2780, s0  }
0x6: {  	s9 =	smul.u32 $0x27800, s5;
	s5 =	ssub.s32 $0x2, s5;
	s1 =	sor.u32 s0, s1  }
0x7: {  	s31 =	sshll.u32 s0, $0x6;
	s11 =	sshrl.u32 s5, $0x1;
	s7 =	smul.u32 $0x500, s1  }
0x8: {  	s1 =	rddreg [dreg:$0x3];
	_ =	strace $0x80000047;
	s9 =	sadd.s32 s8, s9  }
0x9: {  	s10 =	sshrl.u32 s8, $0x3;
	s11 =	ssub.s32 s5, s11;
	s12 =	sadd.s32 s8, s3  }
0xa: {  	s9 =	sshrl.u32 s9, $0x3;
	s10 =	sadd.s32 s10, s6;
	s7 =	sadd.s32 s7, s6  }
0xb: {  	s9 =	sadd.s32 s9, s6;
	s5 =	sadd.s32 $0xA600, s10;
	s6 =	sor.u32 $0x1C01, s31  }
0xc: {  	s10 =	sshrl.u32 s12, $0x3;
	s12 =	simm.s32 $0x2800;
	s7 =	sadd.s32 $0x600, s7  }
0xd: {  	s8 =	sadd.s32 $0xF600, s9;
	s9 =	smax.u32 s11, $0x1;
	s11 =	simm.s32 $0x1  }
.LBB2_1:
0xe: {  	[spmem:s10], [sflag:s6] =	dma.local [hbm:s5], $0x4F0  }
0xf: {  	_ =	swait.ge [sflag:s11], $0x4F0  }
0x10: {  	[sflag:s11] =	ssyncset.done $0x0  }
0x11: {  	[sflag:s11] =	ssyncadd.s32 $0xFFFFFB10  }
0x12: {  	[tilespmem:s12], [sflag:$0x1] =	stream.linear.gather [hbm4b:s2+s4], $0x800, $0x38;
	[tilespmem:$0x5780] =	vst v63  }
0x13: {  	_ =	swait.ge [sflag:s11], $0x800  }
0x14: {  	[sflag:s11] =	ssyncset.done $0x0  }
0x15: {  	[sflag:s11] =	ssyncadd.s32 $0xFFFFF800  }
0x16: {  	[tilespmem:s4], [sflag:$0x1] =	stream.linear.gather [hbm4b:s7+s4], $0x2800, $0x38;
	[tilespmem:$0x5780] =	vst v63  }
0x17: {  	_ =	swait.ge [sflag:s11], $0x2800  }
0x18: {  	[sflag:s11] =	ssyncset.done $0x0  }
0x19: {  	[sflag:s11] =	ssyncadd.s32 $0xFFFFD800  }
0x1a: {  	s15 =	simm.s32 $0x0;
	[bflag:$0x0] =	sbarrier.arrive $0xFFFF  }
0x1b: {  	[spmem:s3] =	stream.indirect.scatter.add.f32 [tilespmem:s12], [sflag:$0x1], $0x10, s15, s13, $0xb8;
	[tilespmem:$0x5780] =	vst v63  }
0x1c: {  	_ =	swait.ge [sflag:s11], $0x800  }
0x1d: {  	s15 =	simm.s32 $0x200;
	[sflag:s11] =	ssyncset.done $0x0  }
.LBB2_2:
0x1e: {  	s16 =	sshra.s32 s15, $0x2;
	[sflag:s11] =	ssyncadd.s32 $0xFFFFF800;
	p0 =	sne.s32 s15, $0x9E00  }
0x1f: {  	[spmem:s3] =	stream.indirect.scatter.add.f32 [tilespmem:s12], [sflag:$0x1], $0x10, s16, s13, $0xb8;
	[tilespmem:$0x5780] =	vst v63  }
.Ltmp0:
0x20: {  	_ = 	snop;
	(pc) =	sbr.rel @p0 .LBB2_2-.Ltmp0, $4  }
0x21: {  	_ = 	snop  }
0x22: {  	s15 =	sadd.s32 $0x200, s15  }
0x23: {  	_ =	swait.ge [sflag:s11], $0x800  }
0x24: {  	[sflag:s11] =	ssyncset.done $0x0  }
0x25: {  	s14 =	sadd.s32 $0x1, s14  }
0x26: {  	[sflag:s11] =	ssyncadd.s32 $0xFFFFF800;
	p0 =	sne.s32 s14, s9  }
.Ltmp1:
0x27: {  	[bflag:$0x0] =	sbarrier.arrive $0xFFFF;
	(pc) =	sbr.rel @p0 .LBB2_1-.Ltmp1, $4  }
0x28: {  	[hbm:s8], [sflag:s6] =	dma.local [spmem:s10], $0x4F0  }
0x29: {  	_ =	swait.ge [sflag:s11], $0x4F0  }
0x2a: {  	[sflag:s11] =	ssyncset.done $0x0  }
0x2b: {  	[sflag:s11] =	ssyncadd.s32 $0xFFFFFB10  }
0x2c: {  	_ =	sfence.sel $0x180000  }
0x2d: {  	[bflag:$0x0] =	sbarrier.arrive $0xFFFF  }
0x2e: {  	p0 =	sne.s32 s0, $0x0;
	_ =	strace $0x90000047  }
0x2f: {  	s0 =	sadd.s32 @!p0 $0x100000, s1;
	[bflag:$0x2] =	sbarrier.arrive $0xFFFF  }
0x30: {  	[sflag:s0] =	ssyncadd.tile.s32 @!p0 $0x1;
	_ =	shalt  }
.Lfunc_end2:
_tile_overlayer_lowered:
.L_overlay_start_2:
0x31: {  	(tag) =	ssettag $0x2  }
0x32: {  	s0 =	rddreg [dreg:$0x0];
	s2 =	stileid.u32  }
0x33: {  	s1 =	rddreg [dreg:$0x1];
	p0 =	sne.s32 s2, $0x0  }
0x34: {  	s3 =	rddreg [dreg:$0x2];
	[bflag:$0x3] =	sbarrier.arrive $0xFFFF;
	s2 =	simm.s32 @!p0 $0x1C01  }
0x35: {  	[timem:s3], [sflag:s2] =	dma.local @!p0 [hbm:s0], s1  }
0x36: {  	s0 =	simm.s32 @!p0 $0x1  }
0x37: {  	_ =	swait.ge @!p0 [sflag:s0], s1  }
0x38: {  	s1 =	ssub.s32 @!p0 $0x0, s1;
	[sflag:s0] =	ssyncset.done @!p0 $0x0  }
0x39: {  	[sflag:s0] =	ssyncadd.s32 @!p0 s1  }
0x3a: {  	[bflag:$0x3] =	sbarrier.arrive $0xFFFF  }
0x3b: {  	_ =	shalt  }

</sc_bundles>
